<compile_context>
chip_gen: v7x
topology: tpu7x:2x2x1
jax: 0.10.2.dev20260603
libtpu: 0.0.44.dev20260713+nightly
codegen_flags: <defaults>
</compile_context>

<pallas_src>
import functools

import jax
import jax.numpy as jnp
from jax import lax
from jax.experimental import pallas as pl
from jax.experimental.pallas import tpu as pltpu
from jax.experimental.pallas import tpu_sc as plsc

N_ROWS = 64
NNZ = 4
N_COLS = 256
BATCH = 4096

NUM_WORKERS = 32
ROWS_PER_WORKER = BATCH // NUM_WORKERS
LANES = 16
N_OG = N_ROWS // LANES
N_VEC = N_OG * NNZ
N_CHUNKS = 4
CHUNK = ROWS_PER_WORKER // N_CHUNKS


def _sc_call(x, ij_flat, w_flat):
    mesh = plsc.VectorSubcoreMesh(core_axis_name="c", subcore_axis_name="s")

    @functools.partial(
        pl.kernel,
        mesh=mesh,
        out_type=jax.ShapeDtypeStruct((BATCH, N_ROWS), jnp.float32),
        compiler_params=pltpu.CompilerParams(
            use_tc_tiling_on_sc=False, needs_layout_passes=False,
            disable_bounds_checks=True),
        scratch_types=[
            pltpu.VMEM((2, CHUNK, N_COLS), jnp.float32),
            pltpu.VMEM((2, CHUNK, N_ROWS), jnp.float32),
            pltpu.VMEM((2 * N_VEC * LANES,), jnp.int32),
            pltpu.VMEM((N_VEC * LANES,), jnp.float32),
            pltpu.SemaphoreType.DMA,
            pltpu.SemaphoreType.DMA,
            pltpu.SemaphoreType.DMA,
            pltpu.SemaphoreType.DMA,
        ],
    )
    def sc_kernel(x_hbm, ij_hbm, w_hbm, out_hbm, x_v, y_v, ij_v, w_v,
                  in_sem0, in_sem1, out_sem0, out_sem1):
        wid = lax.axis_index("s") * 2 + lax.axis_index("c")
        b0 = wid * ROWS_PER_WORKER
        in_sems = (in_sem0, in_sem1)
        out_sems = (out_sem0, out_sem1)

        def start_in(c):
            return pltpu.async_copy(
                x_hbm.at[pl.ds(b0 + c * CHUNK, CHUNK), :],
                x_v.at[c % 2], in_sems[c % 2])

        in_cps = [start_in(0), start_in(1)]

        pltpu.sync_copy(ij_hbm, ij_v)
        pltpu.sync_copy(w_hbm, w_v)
        lane = lax.iota(jnp.int32, LANES)
        ws = []
        idxs = []
        for og in range(N_OG):
            for r in range(NNZ):
                k = lane * NNZ + (og * LANES * NNZ + r)
                ws.append(plsc.load_gather(w_v, [k]))
                idxs.append(plsc.load_gather(ij_v, [k * 2 + 1]))

        out_cps = [None, None]
        for c in range(N_CHUNKS):
            buf = c % 2
            in_cps[buf].wait()
            if out_cps[buf] is not None:
                out_cps[buf].wait()
            xb = x_v.at[buf]
            yb = y_v.at[buf]

            @plsc.parallel_loop(0, CHUNK, unroll=2)
            def _loop(b):
                row = xb.at[b]
                for og in range(N_OG):
                    j = og * NNZ
                    t0 = plsc.load_gather(row, [idxs[j]]) * ws[j]
                    t1 = plsc.load_gather(row, [idxs[j + 1]]) * ws[j + 1]
                    t2 = plsc.load_gather(row, [idxs[j + 2]]) * ws[j + 2]
                    t3 = plsc.load_gather(row, [idxs[j + 3]]) * ws[j + 3]
                    yb[b, pl.ds(og * LANES, LANES)] = (t0 + t1) + (t2 + t3)

            out_cps[buf] = pltpu.async_copy(
                yb, out_hbm.at[pl.ds(b0 + c * CHUNK, CHUNK), :],
                out_sems[buf])
            if c + 2 < N_CHUNKS:
                in_cps[buf] = start_in(c + 2)
        out_cps[0].wait()
        out_cps[1].wait()

    return sc_kernel(x, ij_flat, w_flat)


def kernel(inputs, sparse_kernel, ij):
    return _sc_call(
        inputs,
        ij.astype(jnp.int32).reshape(-1),
        sparse_kernel.astype(jnp.float32).reshape(-1),
    )

# --- scband reference (transcript-rebuilt; emitter-appended) ---
"""Pipeline reference for scband-sparse-2954937500105 (READ-ONLY COPY).

The authoritative reference and input builder live on the scoring server;
editing this copy changes nothing except your own understanding.
"""

import jax, jax.numpy as jnp
import numpy as np

N_ROWS = 64
NNZ_PER_ROW = 4
N_COLS = 256
BATCH = 4096


def _build_ij():
    # Must match the ij literal passed to the Keras layer __init__:
    # row i has nnz entries at columns 4*i, 4*i+1, 4*i+2, 4*i+3, sorted by row.
    return np.array([[i, NNZ_PER_ROW * i + r] for i in range(N_ROWS) for r in range(NNZ_PER_ROW)], dtype=np.int64)


def setup_inputs(seed: int = 0):
    key = jax.random.key(seed)
    k1, k2 = jax.random.split(key)
    inputs = jax.random.normal(k1, (BATCH, N_COLS), dtype=jnp.float32)
    ij = jnp.asarray(_build_ij())
    # learned parameter: one scalar weight per nnz entry, shape (nnz, 1)
    sparse_kernel = jax.random.normal(k2, (ij.shape[0], 1), dtype=jnp.float32) * 0.05
    return {"inputs": inputs, "sparse_kernel": sparse_kernel, "ij": ij}


def reference(inputs, sparse_kernel, ij):
    # Original keras layer: for each output row i (groups of ij sorted by ij[:,0]):
    #   out[:, i] = sum_k sparse_kernel[k] * inputs[:, j_k]
    # i.e. a sparse matmul out = inputs @ W_sparse^T with W_sparse[i, j_k] = kernel[k].
    rows = ij[:, 0]
    cols = ij[:, 1]
    gathered = jnp.take(inputs, cols, axis=1) * sparse_kernel[:, 0][None, :]  # [B, nnz]
    out = jax.ops.segment_sum(gathered.T, rows, num_segments=N_ROWS, indices_are_sorted=True)  # [N_ROWS, B]
    return out.T  # [B, N_ROWS]

if __name__ == "__main__":
    import jax
    _d = setup_inputs()
    print(jax.jit(kernel)(*tuple(_d.values())))

</pallas_src>

<mosaic_0001>
#map = affine_map<(d0, d1) -> (0, 0)>
#map1 = affine_map<(d0, d1) -> (0)>
module attributes {stable_mosaic.version = 14 : i64} {
  func.func @sc_kernel(%arg0: i32, %arg1: i32, %arg2: memref<4096x256xf32, #tpu.memory_space<hbm>>, %arg3: memref<512xi32, #tpu.memory_space<hbm>>, %arg4: memref<256xf32, #tpu.memory_space<hbm>>, %arg5: memref<4096x64xf32, #tpu.memory_space<hbm>>, %arg6: memref<2x32x256xf32, #tpu.memory_space<vmem>>, %arg7: memref<2x32x64xf32, #tpu.memory_space<vmem>>, %arg8: memref<512xi32, #tpu.memory_space<vmem>>, %arg9: memref<256xf32, #tpu.memory_space<vmem>>, %arg10: memref<!tpu.dma_semaphore, #tpu.memory_space<semaphore_mem>>, %arg11: memref<!tpu.dma_semaphore, #tpu.memory_space<semaphore_mem>>, %arg12: memref<!tpu.dma_semaphore, #tpu.memory_space<semaphore_mem>>, %arg13: memref<!tpu.dma_semaphore, #tpu.memory_space<semaphore_mem>>) attributes {dimension_semantics = [#tpu.dimension_semantics<core_parallel>, #tpu.dimension_semantics<subcore_parallel>], iteration_bounds = array<i64: 2, 16>, scalar_prefetch = 0 : i64, scratch_operands = 8 : i64, tpu.core_type = #tpu.core_type<sc_vector_subcore>, window_params = [{transform_indices = #map}, {transform_indices = #map1}, {transform_indices = #map1}, {transform_indices = #map}]} {
    %mul3A = arith.constant 2 : i32
    %mul3A_0 = arith.muli %arg1, %mul3A : i32
    %add3A = arith.addi %mul3A_0, %arg0 : i32
    %mul3A_1 = arith.constant 128 : i32
    %mul3A_2 = arith.muli %add3A, %mul3A_1 : i32
    %add3A_3 = arith.constant 0 : i32
    %add3A_4 = arith.addi %mul3A_2, %add3A_3 : i32
    %dma_start3A = arith.constant 0 : i32
    %dma_start3A_5 = arith.constant 0 : i32
    %dma_start3A_6 = arith.constant 0 : i32
    %dma_start3A_7 = tpu.memref_slice %arg6[%dma_start3A, %dma_start3A_5, %dma_start3A_6] : memref<2x32x256xf32, #tpu.memory_space<vmem>> -> memref<1x32x256xf32, #tpu.memory_space<vmem>>
    %dma_start3A_8 = tpu.memref_squeeze %dma_start3A_7 : memref<1x32x256xf32, #tpu.memory_space<vmem>> -> memref<32x256xf32, #tpu.memory_space<vmem>>
    %dma_start3A_9 = arith.constant 0 : i32
    %dma_start3A_10 = tpu.memref_slice %arg2[%add3A_4, %dma_start3A_9] : memref<4096x256xf32, #tpu.memory_space<hbm>> -> memref<32x256xf32, #tpu.memory_space<hbm>>
    %dma_start3A_11 = arith.constant 0 : i32
    %dma_start3A_12 = arith.constant 0 : i32
    %dma_start3A_13 = tpu.memref_slice %arg6[%dma_start3A, %dma_start3A_11, %dma_start3A_12] : memref<2x32x256xf32, #tpu.memory_space<vmem>> -> memref<1x32x256xf32, #tpu.memory_space<vmem>>
    %dma_start3A_14 = tpu.memref_squeeze %dma_start3A_13 : memref<1x32x256xf32, #tpu.memory_space<vmem>> -> memref<32x256xf32, #tpu.memory_space<vmem>>
    %dma_start3A_15 = arith.constant 0 : i32
    %dma_start3A_16 = tpu.memref_slice %arg2[%add3A_4, %dma_start3A_15] : memref<4096x256xf32, #tpu.memory_space<hbm>> -> memref<32x256xf32, #tpu.memory_space<hbm>>
    tpu.enqueue_dma source(%dma_start3A_16 : memref<32x256xf32, #tpu.memory_space<hbm>>) target(%dma_start3A_14 : memref<32x256xf32, #tpu.memory_space<vmem>>) target_semaphore(%arg10 : memref<!tpu.dma_semaphore, #tpu.memory_space<semaphore_mem>>)
    %add3A_17 = arith.constant 32 : i32
    %add3A_18 = arith.addi %mul3A_2, %add3A_17 : i32
    %dma_start3A_19 = arith.constant 1 : i32
    %dma_start3A_20 = arith.constant 0 : i32
    %dma_start3A_21 = arith.constant 0 : i32
    %dma_start3A_22 = tpu.memref_slice %arg6[%dma_start3A_19, %dma_start3A_20, %dma_start3A_21] : memref<2x32x256xf32, #tpu.memory_space<vmem>> -> memref<1x32x256xf32, #tpu.memory_space<vmem>>
    %dma_start3A_23 = tpu.memref_squeeze %dma_start3A_22 : memref<1x32x256xf32, #tpu.memory_space<vmem>> -> memref<32x256xf32, #tpu.memory_space<vmem>>
    %dma_start3A_24 = arith.constant 0 : i32
    %dma_start3A_25 = tpu.memref_slice %arg2[%add3A_18, %dma_start3A_24] : memref<4096x256xf32, #tpu.memory_space<hbm>> -> memref<32x256xf32, #tpu.memory_space<hbm>>
    %dma_start3A_26 = arith.constant 0 : i32
    %dma_start3A_27 = arith.constant 0 : i32
    %dma_start3A_28 = tpu.memref_slice %arg6[%dma_start3A_19, %dma_start3A_26, %dma_start3A_27] : memref<2x32x256xf32, #tpu.memory_space<vmem>> -> memref<1x32x256xf32, #tpu.memory_space<vmem>>
    %dma_start3A_29 = tpu.memref_squeeze %dma_start3A_28 : memref<1x32x256xf32, #tpu.memory_space<vmem>> -> memref<32x256xf32, #tpu.memory_space<vmem>>
    %dma_start3A_30 = arith.constant 0 : i32
    %dma_start3A_31 = tpu.memref_slice %arg2[%add3A_18, %dma_start3A_30] : memref<4096x256xf32, #tpu.memory_space<hbm>> -> memref<32x256xf32, #tpu.memory_space<hbm>>
    tpu.enqueue_dma source(%dma_start3A_31 : memref<32x256xf32, #tpu.memory_space<hbm>>) target(%dma_start3A_29 : memref<32x256xf32, #tpu.memory_space<vmem>>) target_semaphore(%arg11 : memref<!tpu.dma_semaphore, #tpu.memory_space<semaphore_mem>>)
    "tpu.region"() ({
      %run_scoped3A = tpu.sem_alloc : memref<!tpu.dma_semaphore, #tpu.memory_space<semaphore_mem>>
      tpu.enqueue_dma source(%arg3 : memref<512xi32, #tpu.memory_space<hbm>>) target(%arg8 : memref<512xi32, #tpu.memory_space<vmem>>) target_semaphore(%run_scoped3A : memref<!tpu.dma_semaphore, #tpu.memory_space<semaphore_mem>>)
      tpu.wait_dma2 semaphore(%run_scoped3A : memref<!tpu.dma_semaphore, #tpu.memory_space<semaphore_mem>>) src(%arg3 : memref<512xi32, #tpu.memory_space<hbm>>) dst(%arg8 : memref<512xi32, #tpu.memory_space<vmem>>)
      tpu.yield
    }) : () -> ()
    "tpu.region"() ({
      %run_scoped3A = tpu.sem_alloc : memref<!tpu.dma_semaphore, #tpu.memory_space<semaphore_mem>>
      tpu.enqueue_dma source(%arg4 : memref<256xf32, #tpu.memory_space<hbm>>) target(%arg9 : memref<256xf32, #tpu.memory_space<vmem>>) target_semaphore(%run_scoped3A : memref<!tpu.dma_semaphore, #tpu.memory_space<semaphore_mem>>)
      tpu.wait_dma2 semaphore(%run_scoped3A : memref<!tpu.dma_semaphore, #tpu.memory_space<semaphore_mem>>) src(%arg4 : memref<256xf32, #tpu.memory_space<hbm>>) dst(%arg9 : memref<256xf32, #tpu.memory_space<vmem>>)
      tpu.yield
    }) : () -> ()
    %iota3A = tpu.iota {dimensions = array<i32: 0>} : vector<16xi32>
    %mul3A_32 = arith.constant 4 : i32
    %mul3A_33 = vector.broadcast %mul3A_32 : i32 to vector<16xi32>
    %mul3A_34 = arith.muli %iota3A, %mul3A_33 : vector<16xi32>
    %add3A_35 = arith.constant 0 : i32
    %add3A_36 = vector.broadcast %add3A_35 : i32 to vector<16xi32>
    %add3A_37 = arith.addi %mul3A_34, %add3A_36 : vector<16xi32>
    %gather3A = tpu.vector_load_idx %arg9[%add3A_37] : memref<256xf32, #tpu.memory_space<vmem>>[vector<16xi32>], vector<16xf32>,
    %mul3A_38 = arith.constant 2 : i32
    %mul3A_39 = vector.broadcast %mul3A_38 : i32 to vector<16xi32>
    %mul3A_40 = arith.muli %add3A_37, %mul3A_39 : vector<16xi32>
    %add3A_41 = arith.constant 1 : i32
    %add3A_42 = vector.broadcast %add3A_41 : i32 to vector<16xi32>
    %add3A_43 = arith.addi %mul3A_40, %add3A_42 : vector<16xi32>
    %gather3A_44 = tpu.vector_load_idx %arg8[%add3A_43] : memref<512xi32, #tpu.memory_space<vmem>>[vector<16xi32>], vector<16xi32>,
    %mul3A_45 = arith.constant 4 : i32
    %mul3A_46 = vector.broadcast %mul3A_45 : i32 to vector<16xi32>
    %mul3A_47 = arith.muli %iota3A, %mul3A_46 : vector<16xi32>
    %add3A_48 = arith.constant 1 : i32
    %add3A_49 = vector.broadcast %add3A_48 : i32 to vector<16xi32>
    %add3A_50 = arith.addi %mul3A_47, %add3A_49 : vector<16xi32>
    %gather3A_51 = tpu.vector_load_idx %arg9[%add3A_50] : memref<256xf32, #tpu.memory_space<vmem>>[vector<16xi32>], vector<16xf32>,
    %mul3A_52 = arith.constant 2 : i32
    %mul3A_53 = vector.broadcast %mul3A_52 : i32 to vector<16xi32>
    %mul3A_54 = arith.muli %add3A_50, %mul3A_53 : vector<16xi32>
    %add3A_55 = arith.constant 1 : i32
    %add3A_56 = vector.broadcast %add3A_55 : i32 to vector<16xi32>
    %add3A_57 = arith.addi %mul3A_54, %add3A_56 : vector<16xi32>
    %gather3A_58 = tpu.vector_load_idx %arg8[%add3A_57] : memref<512xi32, #tpu.memory_space<vmem>>[vector<16xi32>], vector<16xi32>,
    %mul3A_59 = arith.constant 4 : i32
    %mul3A_60 = vector.broadcast %mul3A_59 : i32 to vector<16xi32>
    %mul3A_61 = arith.muli %iota3A, %mul3A_60 : vector<16xi32>
    %add3A_62 = arith.constant 2 : i32
    %add3A_63 = vector.broadcast %add3A_62 : i32 to vector<16xi32>
    %add3A_64 = arith.addi %mul3A_61, %add3A_63 : vector<16xi32>
    %gather3A_65 = tpu.vector_load_idx %arg9[%add3A_64] : memref<256xf32, #tpu.memory_space<vmem>>[vector<16xi32>], vector<16xf32>,
    %mul3A_66 = arith.constant 2 : i32
    %mul3A_67 = vector.broadcast %mul3A_66 : i32 to vector<16xi32>
    %mul3A_68 = arith.muli %add3A_64, %mul3A_67 : vector<16xi32>
    %add3A_69 = arith.constant 1 : i32
    %add3A_70 = vector.broadcast %add3A_69 : i32 to vector<16xi32>
    %add3A_71 = arith.addi %mul3A_68, %add3A_70 : vector<16xi32>
    %gather3A_72 = tpu.vector_load_idx %arg8[%add3A_71] : memref<512xi32, #tpu.memory_space<vmem>>[vector<16xi32>], vector<16xi32>,
    %mul3A_73 = arith.constant 4 : i32
    %mul3A_74 = vector.broadcast %mul3A_73 : i32 to vector<16xi32>
    %mul3A_75 = arith.muli %iota3A, %mul3A_74 : vector<16xi32>
    %add3A_76 = arith.constant 3 : i32
    %add3A_77 = vector.broadcast %add3A_76 : i32 to vector<16xi32>
    %add3A_78 = arith.addi %mul3A_75, %add3A_77 : vector<16xi32>
    %gather3A_79 = tpu.vector_load_idx %arg9[%add3A_78] : memref<256xf32, #tpu.memory_space<vmem>>[vector<16xi32>], vector<16xf32>,
    %mul3A_80 = arith.constant 2 : i32
    %mul3A_81 = vector.broadcast %mul3A_80 : i32 to vector<16xi32>
    %mul3A_82 = arith.muli %add3A_78, %mul3A_81 : vector<16xi32>
    %add3A_83 = arith.constant 1 : i32
    %add3A_84 = vector.broadcast %add3A_83 : i32 to vector<16xi32>
    %add3A_85 = arith.addi %mul3A_82, %add3A_84 : vector<16xi32>
    %gather3A_86 = tpu.vector_load_idx %arg8[%add3A_85] : memref<512xi32, #tpu.memory_space<vmem>>[vector<16xi32>], vector<16xi32>,
    %mul3A_87 = arith.constant 4 : i32
    %mul3A_88 = vector.broadcast %mul3A_87 : i32 to vector<16xi32>
    %mul3A_89 = arith.muli %iota3A, %mul3A_88 : vector<16xi32>
    %add3A_90 = arith.constant 64 : i32
    %add3A_91 = vector.broadcast %add3A_90 : i32 to vector<16xi32>
    %add3A_92 = arith.addi %mul3A_89, %add3A_91 : vector<16xi32>
    %gather3A_93 = tpu.vector_load_idx %arg9[%add3A_92] : memref<256xf32, #tpu.memory_space<vmem>>[vector<16xi32>], vector<16xf32>,
    %mul3A_94 = arith.constant 2 : i32
    %mul3A_95 = vector.broadcast %mul3A_94 : i32 to vector<16xi32>
    %mul3A_96 = arith.muli %add3A_92, %mul3A_95 : vector<16xi32>
    %add3A_97 = arith.constant 1 : i32
    %add3A_98 = vector.broadcast %add3A_97 : i32 to vector<16xi32>
    %add3A_99 = arith.addi %mul3A_96, %add3A_98 : vector<16xi32>
    %gather3A_100 = tpu.vector_load_idx %arg8[%add3A_99] : memref<512xi32, #tpu.memory_space<vmem>>[vector<16xi32>], vector<16xi32>,
    %mul3A_101 = arith.constant 4 : i32
    %mul3A_102 = vector.broadcast %mul3A_101 : i32 to vector<16xi32>
    %mul3A_103 = arith.muli %iota3A, %mul3A_102 : vector<16xi32>
    %add3A_104 = arith.constant 65 : i32
    %add3A_105 = vector.broadcast %add3A_104 : i32 to vector<16xi32>
    %add3A_106 = arith.addi %mul3A_103, %add3A_105 : vector<16xi32>
    %gather3A_107 = tpu.vector_load_idx %arg9[%add3A_106] : memref<256xf32, #tpu.memory_space<vmem>>[vector<16xi32>], vector<16xf32>,
    %mul3A_108 = arith.constant 2 : i32
    %mul3A_109 = vector.broadcast %mul3A_108 : i32 to vector<16xi32>
    %mul3A_110 = arith.muli %add3A_106, %mul3A_109 : vector<16xi32>
    %add3A_111 = arith.constant 1 : i32
    %add3A_112 = vector.broadcast %add3A_111 : i32 to vector<16xi32>
    %add3A_113 = arith.addi %mul3A_110, %add3A_112 : vector<16xi32>
    %gather3A_114 = tpu.vector_load_idx %arg8[%add3A_113] : memref<512xi32, #tpu.memory_space<vmem>>[vector<16xi32>], vector<16xi32>,
    %mul3A_115 = arith.constant 4 : i32
    %mul3A_116 = vector.broadcast %mul3A_115 : i32 to vector<16xi32>
    %mul3A_117 = arith.muli %iota3A, %mul3A_116 : vector<16xi32>
    %add3A_118 = arith.constant 66 : i32
    %add3A_119 = vector.broadcast %add3A_118 : i32 to vector<16xi32>
    %add3A_120 = arith.addi %mul3A_117, %add3A_119 : vector<16xi32>
    %gather3A_121 = tpu.vector_load_idx %arg9[%add3A_120] : memref<256xf32, #tpu.memory_space<vmem>>[vector<16xi32>], vector<16xf32>,
    %mul3A_122 = arith.constant 2 : i32
    %mul3A_123 = vector.broadcast %mul3A_122 : i32 to vector<16xi32>
    %mul3A_124 = arith.muli %add3A_120, %mul3A_123 : vector<16xi32>
    %add3A_125 = arith.constant 1 : i32
    %add3A_126 = vector.broadcast %add3A_125 : i32 to vector<16xi32>
    %add3A_127 = arith.addi %mul3A_124, %add3A_126 : vector<16xi32>
    %gather3A_128 = tpu.vector_load_idx %arg8[%add3A_127] : memref<512xi32, #tpu.memory_space<vmem>>[vector<16xi32>], vector<16xi32>,
    %mul3A_129 = arith.constant 4 : i32
    %mul3A_130 = vector.broadcast %mul3A_129 : i32 to vector<16xi32>
    %mul3A_131 = arith.muli %iota3A, %mul3A_130 : vector<16xi32>
    %add3A_132 = arith.constant 67 : i32
    %add3A_133 = vector.broadcast %add3A_132 : i32 to vector<16xi32>
    %add3A_134 = arith.addi %mul3A_131, %add3A_133 : vector<16xi32>
    %gather3A_135 = tpu.vector_load_idx %arg9[%add3A_134] : memref<256xf32, #tpu.memory_space<vmem>>[vector<16xi32>], vector<16xf32>,
    %mul3A_136 = arith.constant 2 : i32
    %mul3A_137 = vector.broadcast %mul3A_136 : i32 to vector<16xi32>
    %mul3A_138 = arith.muli %add3A_134, %mul3A_137 : vector<16xi32>
    %add3A_139 = arith.constant 1 : i32
    %add3A_140 = vector.broadcast %add3A_139 : i32 to vector<16xi32>
    %add3A_141 = arith.addi %mul3A_138, %add3A_140 : vector<16xi32>
    %gather3A_142 = tpu.vector_load_idx %arg8[%add3A_141] : memref<512xi32, #tpu.memory_space<vmem>>[vector<16xi32>], vector<16xi32>,
    %mul3A_143 = arith.constant 4 : i32
    %mul3A_144 = vector.broadcast %mul3A_143 : i32 to vector<16xi32>
    %mul3A_145 = arith.muli %iota3A, %mul3A_144 : vector<16xi32>
    %add3A_146 = arith.constant 128 : i32
    %add3A_147 = vector.broadcast %add3A_146 : i32 to vector<16xi32>
    %add3A_148 = arith.addi %mul3A_145, %add3A_147 : vector<16xi32>
    %gather3A_149 = tpu.vector_load_idx %arg9[%add3A_148] : memref<256xf32, #tpu.memory_space<vmem>>[vector<16xi32>], vector<16xf32>,
    %mul3A_150 = arith.constant 2 : i32
    %mul3A_151 = vector.broadcast %mul3A_150 : i32 to vector<16xi32>
    %mul3A_152 = arith.muli %add3A_148, %mul3A_151 : vector<16xi32>
    %add3A_153 = arith.constant 1 : i32
    %add3A_154 = vector.broadcast %add3A_153 : i32 to vector<16xi32>
    %add3A_155 = arith.addi %mul3A_152, %add3A_154 : vector<16xi32>
    %gather3A_156 = tpu.vector_load_idx %arg8[%add3A_155] : memref<512xi32, #tpu.memory_space<vmem>>[vector<16xi32>], vector<16xi32>,
    %mul3A_157 = arith.constant 4 : i32
    %mul3A_158 = vector.broadcast %mul3A_157 : i32 to vector<16xi32>
    %mul3A_159 = arith.muli %iota3A, %mul3A_158 : vector<16xi32>
    %add3A_160 = arith.constant 129 : i32
    %add3A_161 = vector.broadcast %add3A_160 : i32 to vector<16xi32>
    %add3A_162 = arith.addi %mul3A_159, %add3A_161 : vector<16xi32>
    %gather3A_163 = tpu.vector_load_idx %arg9[%add3A_162] : memref<256xf32, #tpu.memory_space<vmem>>[vector<16xi32>], vector<16xf32>,
    %mul3A_164 = arith.constant 2 : i32
    %mul3A_165 = vector.broadcast %mul3A_164 : i32 to vector<16xi32>
    %mul3A_166 = arith.muli %add3A_162, %mul3A_165 : vector<16xi32>
    %add3A_167 = arith.constant 1 : i32
    %add3A_168 = vector.broadcast %add3A_167 : i32 to vector<16xi32>
    %add3A_169 = arith.addi %mul3A_166, %add3A_168 : vector<16xi32>
    %gather3A_170 = tpu.vector_load_idx %arg8[%add3A_169] : memref<512xi32, #tpu.memory_space<vmem>>[vector<16xi32>], vector<16xi32>,
    %mul3A_171 = arith.constant 4 : i32
    %mul3A_172 = vector.broadcast %mul3A_171 : i32 to vector<16xi32>
    %mul3A_173 = arith.muli %iota3A, %mul3A_172 : vector<16xi32>
    %add3A_174 = arith.constant 130 : i32
    %add3A_175 = vector.broadcast %add3A_174 : i32 to vector<16xi32>
    %add3A_176 = arith.addi %mul3A_173, %add3A_175 : vector<16xi32>
    %gather3A_177 = tpu.vector_load_idx %arg9[%add3A_176] : memref<256xf32, #tpu.memory_space<vmem>>[vector<16xi32>], vector<16xf32>,
    %mul3A_178 = arith.constant 2 : i32
    %mul3A_179 = vector.broadcast %mul3A_178 : i32 to vector<16xi32>
    %mul3A_180 = arith.muli %add3A_176, %mul3A_179 : vector<16xi32>
    %add3A_181 = arith.constant 1 : i32
    %add3A_182 = vector.broadcast %add3A_181 : i32 to vector<16xi32>
    %add3A_183 = arith.addi %mul3A_180, %add3A_182 : vector<16xi32>
    %gather3A_184 = tpu.vector_load_idx %arg8[%add3A_183] : memref<512xi32, #tpu.memory_space<vmem>>[vector<16xi32>], vector<16xi32>,
    %mul3A_185 = arith.constant 4 : i32
    %mul3A_186 = vector.broadcast %mul3A_185 : i32 to vector<16xi32>
    %mul3A_187 = arith.muli %iota3A, %mul3A_186 : vector<16xi32>
    %add3A_188 = arith.constant 131 : i32
    %add3A_189 = vector.broadcast %add3A_188 : i32 to vector<16xi32>
    %add3A_190 = arith.addi %mul3A_187, %add3A_189 : vector<16xi32>
    %gather3A_191 = tpu.vector_load_idx %arg9[%add3A_190] : memref<256xf32, #tpu.memory_space<vmem>>[vector<16xi32>], vector<16xf32>,
    %mul3A_192 = arith.constant 2 : i32
    %mul3A_193 = vector.broadcast %mul3A_192 : i32 to vector<16xi32>
    %mul3A_194 = arith.muli %add3A_190, %mul3A_193 : vector<16xi32>
    %add3A_195 = arith.constant 1 : i32
    %add3A_196 = vector.broadcast %add3A_195 : i32 to vector<16xi32>
    %add3A_197 = arith.addi %mul3A_194, %add3A_196 : vector<16xi32>
    %gather3A_198 = tpu.vector_load_idx %arg8[%add3A_197] : memref<512xi32, #tpu.memory_space<vmem>>[vector<16xi32>], vector<16xi32>,
    %mul3A_199 = arith.constant 4 : i32
    %mul3A_200 = vector.broadcast %mul3A_199 : i32 to vector<16xi32>
    %mul3A_201 = arith.muli %iota3A, %mul3A_200 : vector<16xi32>
    %add3A_202 = arith.constant 192 : i32
    %add3A_203 = vector.broadcast %add3A_202 : i32 to vector<16xi32>
    %add3A_204 = arith.addi %mul3A_201, %add3A_203 : vector<16xi32>
    %gather3A_205 = tpu.vector_load_idx %arg9[%add3A_204] : memref<256xf32, #tpu.memory_space<vmem>>[vector<16xi32>], vector<16xf32>,
    %mul3A_206 = arith.constant 2 : i32
    %mul3A_207 = vector.broadcast %mul3A_206 : i32 to vector<16xi32>
    %mul3A_208 = arith.muli %add3A_204, %mul3A_207 : vector<16xi32>
    %add3A_209 = arith.constant 1 : i32
    %add3A_210 = vector.broadcast %add3A_209 : i32 to vector<16xi32>
    %add3A_211 = arith.addi %mul3A_208, %add3A_210 : vector<16xi32>
    %gather3A_212 = tpu.vector_load_idx %arg8[%add3A_211] : memref<512xi32, #tpu.memory_space<vmem>>[vector<16xi32>], vector<16xi32>,
    %mul3A_213 = arith.constant 4 : i32
    %mul3A_214 = vector.broadcast %mul3A_213 : i32 to vector<16xi32>
    %mul3A_215 = arith.muli %iota3A, %mul3A_214 : vector<16xi32>
    %add3A_216 = arith.constant 193 : i32
    %add3A_217 = vector.broadcast %add3A_216 : i32 to vector<16xi32>
    %add3A_218 = arith.addi %mul3A_215, %add3A_217 : vector<16xi32>
    %gather3A_219 = tpu.vector_load_idx %arg9[%add3A_218] : memref<256xf32, #tpu.memory_space<vmem>>[vector<16xi32>], vector<16xf32>,
    %mul3A_220 = arith.constant 2 : i32
    %mul3A_221 = vector.broadcast %mul3A_220 : i32 to vector<16xi32>
    %mul3A_222 = arith.muli %add3A_218, %mul3A_221 : vector<16xi32>
    %add3A_223 = arith.constant 1 : i32
    %add3A_224 = vector.broadcast %add3A_223 : i32 to vector<16xi32>
    %add3A_225 = arith.addi %mul3A_222, %add3A_224 : vector<16xi32>
    %gather3A_226 = tpu.vector_load_idx %arg8[%add3A_225] : memref<512xi32, #tpu.memory_space<vmem>>[vector<16xi32>], vector<16xi32>,
    %mul3A_227 = arith.constant 4 : i32
    %mul3A_228 = vector.broadcast %mul3A_227 : i32 to vector<16xi32>
    %mul3A_229 = arith.muli %iota3A, %mul3A_228 : vector<16xi32>
    %add3A_230 = arith.constant 194 : i32
    %add3A_231 = vector.broadcast %add3A_230 : i32 to vector<16xi32>
    %add3A_232 = arith.addi %mul3A_229, %add3A_231 : vector<16xi32>
    %gather3A_233 = tpu.vector_load_idx %arg9[%add3A_232] : memref<256xf32, #tpu.memory_space<vmem>>[vector<16xi32>], vector<16xf32>,
    %mul3A_234 = arith.constant 2 : i32
    %mul3A_235 = vector.broadcast %mul3A_234 : i32 to vector<16xi32>
    %mul3A_236 = arith.muli %add3A_232, %mul3A_235 : vector<16xi32>
    %add3A_237 = arith.constant 1 : i32
    %add3A_238 = vector.broadcast %add3A_237 : i32 to vector<16xi32>
    %add3A_239 = arith.addi %mul3A_236, %add3A_238 : vector<16xi32>
    %gather3A_240 = tpu.vector_load_idx %arg8[%add3A_239] : memref<512xi32, #tpu.memory_space<vmem>>[vector<16xi32>], vector<16xi32>,
    %mul3A_241 = arith.constant 4 : i32
    %mul3A_242 = vector.broadcast %mul3A_241 : i32 to vector<16xi32>
    %mul3A_243 = arith.muli %iota3A, %mul3A_242 : vector<16xi32>
    %add3A_244 = arith.constant 195 : i32
    %add3A_245 = vector.broadcast %add3A_244 : i32 to vector<16xi32>
    %add3A_246 = arith.addi %mul3A_243, %add3A_245 : vector<16xi32>
    %gather3A_247 = tpu.vector_load_idx %arg9[%add3A_246] : memref<256xf32, #tpu.memory_space<vmem>>[vector<16xi32>], vector<16xf32>,
    %mul3A_248 = arith.constant 2 : i32
    %mul3A_249 = vector.broadcast %mul3A_248 : i32 to vector<16xi32>
    %mul3A_250 = arith.muli %add3A_246, %mul3A_249 : vector<16xi32>
    %add3A_251 = arith.constant 1 : i32
    %add3A_252 = vector.broadcast %add3A_251 : i32 to vector<16xi32>
    %add3A_253 = arith.addi %mul3A_250, %add3A_252 : vector<16xi32>
    %gather3A_254 = tpu.vector_load_idx %arg8[%add3A_253] : memref<512xi32, #tpu.memory_space<vmem>>[vector<16xi32>], vector<16xi32>,
    %dma_wait3A = arith.constant 0 : i32
    %dma_wait3A_255 = arith.constant 0 : i32
    %dma_wait3A_256 = arith.constant 0 : i32
    %dma_wait3A_257 = tpu.memref_slice %arg6[%dma_wait3A, %dma_wait3A_255, %dma_wait3A_256] : memref<2x32x256xf32, #tpu.memory_space<vmem>> -> memref<1x32x256xf32, #tpu.memory_space<vmem>>
    %dma_wait3A_258 = tpu.memref_squeeze %dma_wait3A_257 : memref<1x32x256xf32, #tpu.memory_space<vmem>> -> memref<32x256xf32, #tpu.memory_space<vmem>>
    %dma_wait3A_259 = arith.constant 0 : i32
    %dma_wait3A_260 = tpu.memref_slice %arg2[%add3A_4, %dma_wait3A_259] : memref<4096x256xf32, #tpu.memory_space<hbm>> -> memref<32x256xf32, #tpu.memory_space<hbm>>
    %dma_wait3A_261 = arith.constant 0 : i32
    %dma_wait3A_262 = arith.constant 0 : i32
    %dma_wait3A_263 = tpu.memref_slice %arg6[%dma_wait3A, %dma_wait3A_261, %dma_wait3A_262] : memref<2x32x256xf32, #tpu.memory_space<vmem>> -> memref<1x32x256xf32, #tpu.memory_space<vmem>>
    %dma_wait3A_264 = tpu.memref_squeeze %dma_wait3A_263 : memref<1x32x256xf32, #tpu.memory_space<vmem>> -> memref<32x256xf32, #tpu.memory_space<vmem>>
    %dma_wait3A_265 = arith.constant 0 : i32
    %dma_wait3A_266 = tpu.memref_slice %arg2[%add3A_4, %dma_wait3A_265] : memref<4096x256xf32, #tpu.memory_space<hbm>> -> memref<32x256xf32, #tpu.memory_space<hbm>>
    tpu.wait_dma2 semaphore(%arg10 : memref<!tpu.dma_semaphore, #tpu.memory_space<semaphore_mem>>) src(%dma_wait3A_266 : memref<32x256xf32, #tpu.memory_space<hbm>>) dst(%dma_wait3A_264 : memref<32x256xf32, #tpu.memory_space<vmem>>)
    %parallel_loop3A = arith.constant 0 : i32
    %parallel_loop3A_267 = arith.constant 32 : i32
    %parallel_loop3A_268 = arith.constant 1 : i32
    %parallel_loop3A_269 = arith.constant 0 : i32
    %parallel_loop3A_270 = arith.constant 0 : i32
    scf.for %parallel_loop3A_467 = %parallel_loop3A to %parallel_loop3A_267 step %parallel_loop3A_268  : i32 {
      %parallel_loop3A_468 = arith.constant 0 : i32
      %parallel_loop3A_469 = arith.constant 0 : i32
      %parallel_loop3A_470 = tpu.memref_slice %arg6[%parallel_loop3A_269, %parallel_loop3A_468, %parallel_loop3A_469] : memref<2x32x256xf32, #tpu.memory_space<vmem>> -> memref<1x32x256xf32, #tpu.memory_space<vmem>>
      %parallel_loop3A_471 = tpu.memref_squeeze %parallel_loop3A_470 : memref<1x32x256xf32, #tpu.memory_space<vmem>> -> memref<32x256xf32, #tpu.memory_space<vmem>>
      %parallel_loop3A_472 = arith.constant 0 : i32
      %parallel_loop3A_473 = tpu.memref_slice %parallel_loop3A_471[%parallel_loop3A_467, %parallel_loop3A_472] : memref<32x256xf32, #tpu.memory_space<vmem>> -> memref<1x256xf32, #tpu.memory_space<vmem>>
      %parallel_loop3A_474 = tpu.memref_squeeze %parallel_loop3A_473 : memref<1x256xf32, #tpu.memory_space<vmem>> -> memref<256xf32, #tpu.memory_space<vmem>>
      %parallel_loop3A_475 = tpu.vector_load_idx %parallel_loop3A_474[%gather3A_44] : memref<256xf32, #tpu.memory_space<vmem>>[vector<16xi32>], vector<16xf32>,
      %parallel_loop3A_476 = arith.mulf %parallel_loop3A_475, %gather3A : vector<16xf32>
      %parallel_loop3A_477 = arith.constant 0 : i32
      %parallel_loop3A_478 = arith.constant 0 : i32
      %parallel_loop3A_479 = tpu.memref_slice %arg6[%parallel_loop3A_269, %parallel_loop3A_477, %parallel_loop3A_478] : memref<2x32x256xf32, #tpu.memory_space<vmem>> -> memref<1x32x256xf32, #tpu.memory_space<vmem>>
      %parallel_loop3A_480 = tpu.memref_squeeze %parallel_loop3A_479 : memref<1x32x256xf32, #tpu.memory_space<vmem>> -> memref<32x256xf32, #tpu.memory_space<vmem>>
      %parallel_loop3A_481 = arith.constant 0 : i32
      %parallel_loop3A_482 = tpu.memref_slice %parallel_loop3A_480[%parallel_loop3A_467, %parallel_loop3A_481] : memref<32x256xf32, #tpu.memory_space<vmem>> -> memref<1x256xf32, #tpu.memory_space<vmem>>
      %parallel_loop3A_483 = tpu.memref_squeeze %parallel_loop3A_482 : memref<1x256xf32, #tpu.memory_space<vmem>> -> memref<256xf32, #tpu.memory_space<vmem>>
      %parallel_loop3A_484 = tpu.vector_load_idx %parallel_loop3A_483[%gather3A_58] : memref<256xf32, #tpu.memory_space<vmem>>[vector<16xi32>], vector<16xf32>,
      %parallel_loop3A_485 = arith.mulf %parallel_loop3A_484, %gather3A_51 : vector<16xf32>
      %parallel_loop3A_486 = arith.constant 0 : i32
      %parallel_loop3A_487 = arith.constant 0 : i32
      %parallel_loop3A_488 = tpu.memref_slice %arg6[%parallel_loop3A_269, %parallel_loop3A_486, %parallel_loop3A_487] : memref<2x32x256xf32, #tpu.memory_space<vmem>> -> memref<1x32x256xf32, #tpu.memory_space<vmem>>
      %parallel_loop3A_489 = tpu.memref_squeeze %parallel_loop3A_488 : memref<1x32x256xf32, #tpu.memory_space<vmem>> -> memref<32x256xf32, #tpu.memory_space<vmem>>
      %parallel_loop3A_490 = arith.constant 0 : i32
      %parallel_loop3A_491 = tpu.memref_slice %parallel_loop3A_489[%parallel_loop3A_467, %parallel_loop3A_490] : memref<32x256xf32, #tpu.memory_space<vmem>> -> memref<1x256xf32, #tpu.memory_space<vmem>>
      %parallel_loop3A_492 = tpu.memref_squeeze %parallel_loop3A_491 : memref<1x256xf32, #tpu.memory_space<vmem>> -> memref<256xf32, #tpu.memory_space<vmem>>
      %parallel_loop3A_493 = tpu.vector_load_idx %parallel_loop3A_492[%gather3A_72] : memref<256xf32, #tpu.memory_space<vmem>>[vector<16xi32>], vector<16xf32>,
      %parallel_loop3A_494 = arith.mulf %parallel_loop3A_493, %gather3A_65 : vector<16xf32>
      %parallel_loop3A_495 = arith.constant 0 : i32
      %parallel_loop3A_496 = arith.constant 0 : i32
      %parallel_loop3A_497 = tpu.memref_slice %arg6[%parallel_loop3A_269, %parallel_loop3A_495, %parallel_loop3A_496] : memref<2x32x256xf32, #tpu.memory_space<vmem>> -> memref<1x32x256xf32, #tpu.memory_space<vmem>>
      %parallel_loop3A_498 = tpu.memref_squeeze %parallel_loop3A_497 : memref<1x32x256xf32, #tpu.memory_space<vmem>> -> memref<32x256xf32, #tpu.memory_space<vmem>>
      %parallel_loop3A_499 = arith.constant 0 : i32
      %parallel_loop3A_500 = tpu.memref_slice %parallel_loop3A_498[%parallel_loop3A_467, %parallel_loop3A_499] : memref<32x256xf32, #tpu.memory_space<vmem>> -> memref<1x256xf32, #tpu.memory_space<vmem>>
      %parallel_loop3A_501 = tpu.memref_squeeze %parallel_loop3A_500 : memref<1x256xf32, #tpu.memory_space<vmem>> -> memref<256xf32, #tpu.memory_space<vmem>>
      %parallel_loop3A_502 = tpu.vector_load_idx %parallel_loop3A_501[%gather3A_86] : memref<256xf32, #tpu.memory_space<vmem>>[vector<16xi32>], vector<16xf32>,
      %parallel_loop3A_503 = arith.mulf %parallel_loop3A_502, %gather3A_79 : vector<16xf32>
      %parallel_loop3A_504 = arith.addf %parallel_loop3A_476, %parallel_loop3A_485 : vector<16xf32>
      %parallel_loop3A_505 = arith.addf %parallel_loop3A_494, %parallel_loop3A_503 : vector<16xf32>
      %parallel_loop3A_506 = arith.addf %parallel_loop3A_504, %parallel_loop3A_505 : vector<16xf32>
      %parallel_loop3A_507 = arith.constant 0 : i32
      %parallel_loop3A_508 = arith.constant 0 : i32
      %parallel_loop3A_509 = tpu.memref_slice %arg7[%parallel_loop3A_270, %parallel_loop3A_507, %parallel_loop3A_508] : memref<2x32x64xf32, #tpu.memory_space<vmem>> -> memref<1x32x64xf32, #tpu.memory_space<vmem>>
      %parallel_loop3A_510 = tpu.memref_squeeze %parallel_loop3A_509 : memref<1x32x64xf32, #tpu.memory_space<vmem>> -> memref<32x64xf32, #tpu.memory_space<vmem>>
      %parallel_loop3A_511 = arith.index_cast %parallel_loop3A_467 : i32 to index
      %parallel_loop3A_512 = arith.constant 0 : index
      %parallel_loop3A_513 = tpu.vector_load %parallel_loop3A_510[%parallel_loop3A_511, %parallel_loop3A_512] {strides = array<i32>} : memref<32x64xf32, #tpu.memory_space<vmem>>, vector<16xf32>,
      tpu.vector_store %parallel_loop3A_510[%parallel_loop3A_511, %parallel_loop3A_512], %parallel_loop3A_506 {strides = array<i32>} : memref<32x64xf32, #tpu.memory_space<vmem>>, vector<16xf32>,
      %parallel_loop3A_514 = arith.constant 0 : i32
      %parallel_loop3A_515 = arith.constant 0 : i32
      %parallel_loop3A_516 = tpu.memref_slice %arg6[%parallel_loop3A_269, %parallel_loop3A_514, %parallel_loop3A_515] : memref<2x32x256xf32, #tpu.memory_space<vmem>> -> memref<1x32x256xf32, #tpu.memory_space<vmem>>
      %parallel_loop3A_517 = tpu.memref_squeeze %parallel_loop3A_516 : memref<1x32x256xf32, #tpu.memory_space<vmem>> -> memref<32x256xf32, #tpu.memory_space<vmem>>
      %parallel_loop3A_518 = arith.constant 0 : i32
      %parallel_loop3A_519 = tpu.memref_slice %parallel_loop3A_517[%parallel_loop3A_467, %parallel_loop3A_518] : memref<32x256xf32, #tpu.memory_space<vmem>> -> memref<1x256xf32, #tpu.memory_space<vmem>>
      %parallel_loop3A_520 = tpu.memref_squeeze %parallel_loop3A_519 : memref<1x256xf32, #tpu.memory_space<vmem>> -> memref<256xf32, #tpu.memory_space<vmem>>
      %parallel_loop3A_521 = tpu.vector_load_idx %parallel_loop3A_520[%gather3A_100] : memref<256xf32, #tpu.memory_space<vmem>>[vector<16xi32>], vector<16xf32>,
      %parallel_loop3A_522 = arith.mulf %parallel_loop3A_521, %gather3A_93 : vector<16xf32>
      %parallel_loop3A_523 = arith.constant 0 : i32
      %parallel_loop3A_524 = arith.constant 0 : i32
      %parallel_loop3A_525 = tpu.memref_slice %arg6[%parallel_loop3A_269, %parallel_loop3A_523, %parallel_loop3A_524] : memref<2x32x256xf32, #tpu.memory_space<vmem>> -> memref<1x32x256xf32, #tpu.memory_space<vmem>>
      %parallel_loop3A_526 = tpu.memref_squeeze %parallel_loop3A_525 : memref<1x32x256xf32, #tpu.memory_space<vmem>> -> memref<32x256xf32, #tpu.memory_space<vmem>>
      %parallel_loop3A_527 = arith.constant 0 : i32
      %parallel_loop3A_528 = tpu.memref_slice %parallel_loop3A_526[%parallel_loop3A_467, %parallel_loop3A_527] : memref<32x256xf32, #tpu.memory_space<vmem>> -> memref<1x256xf32, #tpu.memory_space<vmem>>
      %parallel_loop3A_529 = tpu.memref_squeeze %parallel_loop3A_528 : memref<1x256xf32, #tpu.memory_space<vmem>> -> memref<256xf32, #tpu.memory_space<vmem>>
      %parallel_loop3A_530 = tpu.vector_load_idx %parallel_loop3A_529[%gather3A_114] : memref<256xf32, #tpu.memory_space<vmem>>[vector<16xi32>], vector<16xf32>,
      %parallel_loop3A_531 = arith.mulf %parallel_loop3A_530, %gather3A_107 : vector<16xf32>
      %parallel_loop3A_532 = arith.constant 0 : i32
      %parallel_loop3A_533 = arith.constant 0 : i32
      %parallel_loop3A_534 = tpu.memref_slice %arg6[%parallel_loop3A_269, %parallel_loop3A_532, %parallel_loop3A_533] : memref<2x32x256xf32, #tpu.memory_space<vmem>> -> memref<1x32x256xf32, #tpu.memory_space<vmem>>
      %parallel_loop3A_535 = tpu.memref_squeeze %parallel_loop3A_534 : memref<1x32x256xf32, #tpu.memory_space<vmem>> -> memref<32x256xf32, #tpu.memory_space<vmem>>
      %parallel_loop3A_536 = arith.constant 0 : i32
      %parallel_loop3A_537 = tpu.memref_slice %parallel_loop3A_535[%parallel_loop3A_467, %parallel_loop3A_536] : memref<32x256xf32, #tpu.memory_space<vmem>> -> memref<1x256xf32, #tpu.memory_space<vmem>>
      %parallel_loop3A_538 = tpu.memref_squeeze %parallel_loop3A_537 : memref<1x256xf32, #tpu.memory_space<vmem>> -> memref<256xf32, #tpu.memory_space<vmem>>
      %parallel_loop3A_539 = tpu.vector_load_idx %parallel_loop3A_538[%gather3A_128] : memref<256xf32, #tpu.memory_space<vmem>>[vector<16xi32>], vector<16xf32>,
      %parallel_loop3A_540 = arith.mulf %parallel_loop3A_539, %gather3A_121 : vector<16xf32>
      %parallel_loop3A_541 = arith.constant 0 : i32
      %parallel_loop3A_542 = arith.constant 0 : i32
      %parallel_loop3A_543 = tpu.memref_slice %arg6[%parallel_loop3A_269, %parallel_loop3A_541, %parallel_loop3A_542] : memref<2x32x256xf32, #tpu.memory_space<vmem>> -> memref<1x32x256xf32, #tpu.memory_space<vmem>>
      %parallel_loop3A_544 = tpu.memref_squeeze %parallel_loop3A_543 : memref<1x32x256xf32, #tpu.memory_space<vmem>> -> memref<32x256xf32, #tpu.memory_space<vmem>>
      %parallel_loop3A_545 = arith.constant 0 : i32
      %parallel_loop3A_546 = tpu.memref_slice %parallel_loop3A_544[%parallel_loop3A_467, %parallel_loop3A_545] : memref<32x256xf32, #tpu.memory_space<vmem>> -> memref<1x256xf32, #tpu.memory_space<vmem>>
      %parallel_loop3A_547 = tpu.memref_squeeze %parallel_loop3A_546 : memref<1x256xf32, #tpu.memory_space<vmem>> -> memref<256xf32, #tpu.memory_space<vmem>>
      %parallel_loop3A_548 = tpu.vector_load_idx %parallel_loop3A_547[%gather3A_142] : memref<256xf32, #tpu.memory_space<vmem>>[vector<16xi32>], vector<16xf32>,
      %parallel_loop3A_549 = arith.mulf %parallel_loop3A_548, %gather3A_135 : vector<16xf32>
      %parallel_loop3A_550 = arith.addf %parallel_loop3A_522, %parallel_loop3A_531 : vector<16xf32>
      %parallel_loop3A_551 = arith.addf %parallel_loop3A_540, %parallel_loop3A_549 : vector<16xf32>
      %parallel_loop3A_552 = arith.addf %parallel_loop3A_550, %parallel_loop3A_551 : vector<16xf32>
      %parallel_loop3A_553 = arith.constant 0 : i32
      %parallel_loop3A_554 = arith.constant 0 : i32
      %parallel_loop3A_555 = tpu.memref_slice %arg7[%parallel_loop3A_270, %parallel_loop3A_553, %parallel_loop3A_554] : memref<2x32x64xf32, #tpu.memory_space<vmem>> -> memref<1x32x64xf32, #tpu.memory_space<vmem>>
      %parallel_loop3A_556 = tpu.memref_squeeze %parallel_loop3A_555 : memref<1x32x64xf32, #tpu.memory_space<vmem>> -> memref<32x64xf32, #tpu.memory_space<vmem>>
      %parallel_loop3A_557 = arith.index_cast %parallel_loop3A_467 : i32 to index
      %parallel_loop3A_558 = arith.constant 16 : index
      %parallel_loop3A_559 = tpu.vector_load %parallel_loop3A_556[%parallel_loop3A_557, %parallel_loop3A_558] {strides = array<i32>} : memref<32x64xf32, #tpu.memory_space<vmem>>, vector<16xf32>,
      tpu.vector_store %parallel_loop3A_556[%parallel_loop3A_557, %parallel_loop3A_558], %parallel_loop3A_552 {strides = array<i32>} : memref<32x64xf32, #tpu.memory_space<vmem>>, vector<16xf32>,
      %parallel_loop3A_560 = arith.constant 0 : i32
      %parallel_loop3A_561 = arith.constant 0 : i32
      %parallel_loop3A_562 = tpu.memref_slice %arg6[%parallel_loop3A_269, %parallel_loop3A_560, %parallel_loop3A_561] : memref<2x32x256xf32, #tpu.memory_space<vmem>> -> memref<1x32x256xf32, #tpu.memory_space<vmem>>
      %parallel_loop3A_563 = tpu.memref_squeeze %parallel_loop3A_562 : memref<1x32x256xf32, #tpu.memory_space<vmem>> -> memref<32x256xf32, #tpu.memory_space<vmem>>
      %parallel_loop3A_564 = arith.constant 0 : i32
      %parallel_loop3A_565 = tpu.memref_slice %parallel_loop3A_563[%parallel_loop3A_467, %parallel_loop3A_564] : memref<32x256xf32, #tpu.memory_space<vmem>> -> memref<1x256xf32, #tpu.memory_space<vmem>>
      %parallel_loop3A_566 = tpu.memref_squeeze %parallel_loop3A_565 : memref<1x256xf32, #tpu.memory_space<vmem>> -> memref<256xf32, #tpu.memory_space<vmem>>
      %parallel_loop3A_567 = tpu.vector_load_idx %parallel_loop3A_566[%gather3A_156] : memref<256xf32, #tpu.memory_space<vmem>>[vector<16xi32>], vector<16xf32>,
      %parallel_loop3A_568 = arith.mulf %parallel_loop3A_567, %gather3A_149 : vector<16xf32>
      %parallel_loop3A_569 = arith.constant 0 : i32
      %parallel_loop3A_570 = arith.constant 0 : i32
      %parallel_loop3A_571 = tpu.memref_slice %arg6[%parallel_loop3A_269, %parallel_loop3A_569, %parallel_loop3A_570] : memref<2x32x256xf32, #tpu.memory_space<vmem>> -> memref<1x32x256xf32, #tpu.memory_space<vmem>>
      %parallel_loop3A_572 = tpu.memref_squeeze %parallel_loop3A_571 : memref<1x32x256xf32, #tpu.memory_space<vmem>> -> memref<32x256xf32, #tpu.memory_space<vmem>>
      %parallel_loop3A_573 = arith.constant 0 : i32
      %parallel_loop3A_574 = tpu.memref_slice %parallel_loop3A_572[%parallel_loop3A_467, %parallel_loop3A_573] : memref<32x256xf32, #tpu.memory_space<vmem>> -> memref<1x256xf32, #tpu.memory_space<vmem>>
      %parallel_loop3A_575 = tpu.memref_squeeze %parallel_loop3A_574 : memref<1x256xf32, #tpu.memory_space<vmem>> -> memref<256xf32, #tpu.memory_space<vmem>>
      %parallel_loop3A_576 = tpu.vector_load_idx %parallel_loop3A_575[%gather3A_170] : memref<256xf32, #tpu.memory_space<vmem>>[vector<16xi32>], vector<16xf32>,
      %parallel_loop3A_577 = arith.mulf %parallel_loop3A_576, %gather3A_163 : vector<16xf32>
      %parallel_loop3A_578 = arith.constant 0 : i32
      %parallel_loop3A_579 = arith.constant 0 : i32
      %parallel_loop3A_580 = tpu.memref_slice %arg6[%parallel_loop3A_269, %parallel_loop3A_578, %parallel_loop3A_579] : memref<2x32x256xf32, #tpu.memory_space<vmem>> -> memref<1x32x256xf32, #tpu.memory_space<vmem>>
      %parallel_loop3A_581 = tpu.memref_squeeze %parallel_loop3A_580 : memref<1x32x256xf32, #tpu.memory_space<vmem>> -> memref<32x256xf32, #tpu.memory_space<vmem>>
      %parallel_loop3A_582 = arith.constant 0 : i32
      %parallel_loop3A_583 = tpu.memref_slice %parallel_loop3A_581[%parallel_loop3A_467, %parallel_loop3A_582] : memref<32x256xf32, #tpu.memory_space<vmem>> -> memref<1x256xf32, #tpu.memory_space<vmem>>
      %parallel_loop3A_584 = tpu.memref_squeeze %parallel_loop3A_583 : memref<1x256xf32, #tpu.memory_space<vmem>> -> memref<256xf32, #tpu.memory_space<vmem>>
      %parallel_loop3A_585 = tpu.vector_load_idx %parallel_loop3A_584[%gather3A_184] : memref<256xf32, #tpu.memory_space<vmem>>[vector<16xi32>], vector<16xf32>,
      %parallel_loop3A_586 = arith.mulf %parallel_loop3A_585, %gather3A_177 : vector<16xf32>
      %parallel_loop3A_587 = arith.constant 0 : i32
      %parallel_loop3A_588 = arith.constant 0 : i32
      %parallel_loop3A_589 = tpu.memref_slice %arg6[%parallel_loop3A_269, %parallel_loop3A_587, %parallel_loop3A_588] : memref<2x32x256xf32, #tpu.memory_space<vmem>> -> memref<1x32x256xf32, #tpu.memory_space<vmem>>
      %parallel_loop3A_590 = tpu.memref_squeeze %parallel_loop3A_589 : memref<1x32x256xf32, #tpu.memory_space<vmem>> -> memref<32x256xf32, #tpu.memory_space<vmem>>
      %parallel_loop3A_591 = arith.constant 0 : i32
      %parallel_loop3A_592 = tpu.memref_slice %parallel_loop3A_590[%parallel_loop3A_467, %parallel_loop3A_591] : memref<32x256xf32, #tpu.memory_space<vmem>> -> memref<1x256xf32, #tpu.memory_space<vmem>>
      %parallel_loop3A_593 = tpu.memref_squeeze %parallel_loop3A_592 : memref<1x256xf32, #tpu.memory_space<vmem>> -> memref<256xf32, #tpu.memory_space<vmem>>
      %parallel_loop3A_594 = tpu.vector_load_idx %parallel_loop3A_593[%gather3A_198] : memref<256xf32, #tpu.memory_space<vmem>>[vector<16xi32>], vector<16xf32>,
      %parallel_loop3A_595 = arith.mulf %parallel_loop3A_594, %gather3A_191 : vector<16xf32>
      %parallel_loop3A_596 = arith.addf %parallel_loop3A_568, %parallel_loop3A_577 : vector<16xf32>
      %parallel_loop3A_597 = arith.addf %parallel_loop3A_586, %parallel_loop3A_595 : vector<16xf32>
      %parallel_loop3A_598 = arith.addf %parallel_loop3A_596, %parallel_loop3A_597 : vector<16xf32>
      %parallel_loop3A_599 = arith.constant 0 : i32
      %parallel_loop3A_600 = arith.constant 0 : i32
      %parallel_loop3A_601 = tpu.memref_slice %arg7[%parallel_loop3A_270, %parallel_loop3A_599, %parallel_loop3A_600] : memref<2x32x64xf32, #tpu.memory_space<vmem>> -> memref<1x32x64xf32, #tpu.memory_space<vmem>>
      %parallel_loop3A_602 = tpu.memref_squeeze %parallel_loop3A_601 : memref<1x32x64xf32, #tpu.memory_space<vmem>> -> memref<32x64xf32, #tpu.memory_space<vmem>>
      %parallel_loop3A_603 = arith.index_cast %parallel_loop3A_467 : i32 to index
      %parallel_loop3A_604 = arith.constant 32 : index
      %parallel_loop3A_605 = tpu.vector_load %parallel_loop3A_602[%parallel_loop3A_603, %parallel_loop3A_604] {strides = array<i32>} : memref<32x64xf32, #tpu.memory_space<vmem>>, vector<16xf32>,
      tpu.vector_store %parallel_loop3A_602[%parallel_loop3A_603, %parallel_loop3A_604], %parallel_loop3A_598 {strides = array<i32>} : memref<32x64xf32, #tpu.memory_space<vmem>>, vector<16xf32>,
      %parallel_loop3A_606 = arith.constant 0 : i32
      %parallel_loop3A_607 = arith.constant 0 : i32
      %parallel_loop3A_608 = tpu.memref_slice %arg6[%parallel_loop3A_269, %parallel_loop3A_606, %parallel_loop3A_607] : memref<2x32x256xf32, #tpu.memory_space<vmem>> -> memref<1x32x256xf32, #tpu.memory_space<vmem>>
      %parallel_loop3A_609 = tpu.memref_squeeze %parallel_loop3A_608 : memref<1x32x256xf32, #tpu.memory_space<vmem>> -> memref<32x256xf32, #tpu.memory_space<vmem>>
      %parallel_loop3A_610 = arith.constant 0 : i32
      %parallel_loop3A_611 = tpu.memref_slice %parallel_loop3A_609[%parallel_loop3A_467, %parallel_loop3A_610] : memref<32x256xf32, #tpu.memory_space<vmem>> -> memref<1x256xf32, #tpu.memory_space<vmem>>
      %parallel_loop3A_612 = tpu.memref_squeeze %parallel_loop3A_611 : memref<1x256xf32, #tpu.memory_space<vmem>> -> memref<256xf32, #tpu.memory_space<vmem>>
      %parallel_loop3A_613 = tpu.vector_load_idx %parallel_loop3A_612[%gather3A_212] : memref<256xf32, #tpu.memory_space<vmem>>[vector<16xi32>], vector<16xf32>,
      %parallel_loop3A_614 = arith.mulf %parallel_loop3A_613, %gather3A_205 : vector<16xf32>
      %parallel_loop3A_615 = arith.constant 0 : i32
      %parallel_loop3A_616 = arith.constant 0 : i32
      %parallel_loop3A_617 = tpu.memref_slice %arg6[%parallel_loop3A_269, %parallel_loop3A_615, %parallel_loop3A_616] : memref<2x32x256xf32, #tpu.memory_space<vmem>> -> memref<1x32x256xf32, #tpu.memory_space<vmem>>
      %parallel_loop3A_618 = tpu.memref_squeeze %parallel_loop3A_617 : memref<1x32x256xf32, #tpu.memory_space<vmem>> -> memref<32x256xf32, #tpu.memory_space<vmem>>
      %parallel_loop3A_619 = arith.constant 0 : i32
      %parallel_loop3A_620 = tpu.memref_slice %parallel_loop3A_618[%parallel_loop3A_467, %parallel_loop3A_619] : memref<32x256xf32, #tpu.memory_space<vmem>> -> memref<1x256xf32, #tpu.memory_space<vmem>>
      %parallel_loop3A_621 = tpu.memref_squeeze %parallel_loop3A_620 : memref<1x256xf32, #tpu.memory_space<vmem>> -> memref<256xf32, #tpu.memory_space<vmem>>
      %parallel_loop3A_622 = tpu.vector_load_idx %parallel_loop3A_621[%gather3A_226] : memref<256xf32, #tpu.memory_space<vmem>>[vector<16xi32>], vector<16xf32>,
      %parallel_loop3A_623 = arith.mulf %parallel_loop3A_622, %gather3A_219 : vector<16xf32>
      %parallel_loop3A_624 = arith.constant 0 : i32
      %parallel_loop3A_625 = arith.constant 0 : i32
      %parallel_loop3A_626 = tpu.memref_slice %arg6[%parallel_loop3A_269, %parallel_loop3A_624, %parallel_loop3A_625] : memref<2x32x256xf32, #tpu.memory_space<vmem>> -> memref<1x32x256xf32, #tpu.memory_space<vmem>>
      %parallel_loop3A_627 = tpu.memref_squeeze %parallel_loop3A_626 : memref<1x32x256xf32, #tpu.memory_space<vmem>> -> memref<32x256xf32, #tpu.memory_space<vmem>>
      %parallel_loop3A_628 = arith.constant 0 : i32
      %parallel_loop3A_629 = tpu.memref_slice %parallel_loop3A_627[%parallel_loop3A_467, %parallel_loop3A_628] : memref<32x256xf32, #tpu.memory_space<vmem>> -> memref<1x256xf32, #tpu.memory_space<vmem>>
      %parallel_loop3A_630 = tpu.memref_squeeze %parallel_loop3A_629 : memref<1x256xf32, #tpu.memory_space<vmem>> -> memref<256xf32, #tpu.memory_space<vmem>>
      %parallel_loop3A_631 = tpu.vector_load_idx %parallel_loop3A_630[%gather3A_240] : memref<256xf32, #tpu.memory_space<vmem>>[vector<16xi32>], vector<16xf32>,
      %parallel_loop3A_632 = arith.mulf %parallel_loop3A_631, %gather3A_233 : vector<16xf32>
      %parallel_loop3A_633 = arith.constant 0 : i32
      %parallel_loop3A_634 = arith.constant 0 : i32
      %parallel_loop3A_635 = tpu.memref_slice %arg6[%parallel_loop3A_269, %parallel_loop3A_633, %parallel_loop3A_634] : memref<2x32x256xf32, #tpu.memory_space<vmem>> -> memref<1x32x256xf32, #tpu.memory_space<vmem>>
      %parallel_loop3A_636 = tpu.memref_squeeze %parallel_loop3A_635 : memref<1x32x256xf32, #tpu.memory_space<vmem>> -> memref<32x256xf32, #tpu.memory_space<vmem>>
      %parallel_loop3A_637 = arith.constant 0 : i32
      %parallel_loop3A_638 = tpu.memref_slice %parallel_loop3A_636[%parallel_loop3A_467, %parallel_loop3A_637] : memref<32x256xf32, #tpu.memory_space<vmem>> -> memref<1x256xf32, #tpu.memory_space<vmem>>
      %parallel_loop3A_639 = tpu.memref_squeeze %parallel_loop3A_638 : memref<1x256xf32, #tpu.memory_space<vmem>> -> memref<256xf32, #tpu.memory_space<vmem>>
      %parallel_loop3A_640 = tpu.vector_load_idx %parallel_loop3A_639[%gather3A_254] : memref<256xf32, #tpu.memory_space<vmem>>[vector<16xi32>], vector<16xf32>,
      %parallel_loop3A_641 = arith.mulf %parallel_loop3A_640, %gather3A_247 : vector<16xf32>
      %parallel_loop3A_642 = arith.addf %parallel_loop3A_614, %parallel_loop3A_623 : vector<16xf32>
      %parallel_loop3A_643 = arith.addf %parallel_loop3A_632, %parallel_loop3A_641 : vector<16xf32>
      %parallel_loop3A_644 = arith.addf %parallel_loop3A_642, %parallel_loop3A_643 : vector<16xf32>
      %parallel_loop3A_645 = arith.constant 0 : i32
      %parallel_loop3A_646 = arith.constant 0 : i32
      %parallel_loop3A_647 = tpu.memref_slice %arg7[%parallel_loop3A_270, %parallel_loop3A_645, %parallel_loop3A_646] : memref<2x32x64xf32, #tpu.memory_space<vmem>> -> memref<1x32x64xf32, #tpu.memory_space<vmem>>
      %parallel_loop3A_648 = tpu.memref_squeeze %parallel_loop3A_647 : memref<1x32x64xf32, #tpu.memory_space<vmem>> -> memref<32x64xf32, #tpu.memory_space<vmem>>
      %parallel_loop3A_649 = arith.index_cast %parallel_loop3A_467 : i32 to index
      %parallel_loop3A_650 = arith.constant 48 : index
      %parallel_loop3A_651 = tpu.vector_load %parallel_loop3A_648[%parallel_loop3A_649, %parallel_loop3A_650] {strides = array<i32>} : memref<32x64xf32, #tpu.memory_space<vmem>>, vector<16xf32>,
      tpu.vector_store %parallel_loop3A_648[%parallel_loop3A_649, %parallel_loop3A_650], %parallel_loop3A_644 {strides = array<i32>} : memref<32x64xf32, #tpu.memory_space<vmem>>, vector<16xf32>,
    } {sc.loop_unroll_factor = 2 : i64, sc.parallel_access}
    %add3A_271 = arith.constant 0 : i32
    %add3A_272 = arith.addi %mul3A_2, %add3A_271 : i32
    %dma_start3A_273 = arith.constant 0 : i32
    %dma_start3A_274 = arith.constant 0 : i32
    %dma_start3A_275 = arith.constant 0 : i32
    %dma_start3A_276 = tpu.memref_slice %arg7[%dma_start3A_273, %dma_start3A_274, %dma_start3A_275] : memref<2x32x64xf32, #tpu.memory_space<vmem>> -> memref<1x32x64xf32, #tpu.memory_space<vmem>>
    %dma_start3A_277 = tpu.memref_squeeze %dma_start3A_276 : memref<1x32x64xf32, #tpu.memory_space<vmem>> -> memref<32x64xf32, #tpu.memory_space<vmem>>
    %dma_start3A_278 = arith.constant 0 : i32
    %dma_start3A_279 = tpu.memref_slice %arg5[%add3A_272, %dma_start3A_278] : memref<4096x64xf32, #tpu.memory_space<hbm>> -> memref<32x64xf32, #tpu.memory_space<hbm>>
    %dma_start3A_280 = arith.constant 0 : i32
    %dma_start3A_281 = tpu.memref_slice %arg5[%add3A_272, %dma_start3A_280] : memref<4096x64xf32, #tpu.memory_space<hbm>> -> memref<32x64xf32, #tpu.memory_space<hbm>>
    %dma_start3A_282 = arith.constant 0 : i32
    %dma_start3A_283 = arith.constant 0 : i32
    %dma_start3A_284 = tpu.memref_slice %arg7[%dma_start3A_273, %dma_start3A_282, %dma_start3A_283] : memref<2x32x64xf32, #tpu.memory_space<vmem>> -> memref<1x32x64xf32, #tpu.memory_space<vmem>>
    %dma_start3A_285 = tpu.memref_squeeze %dma_start3A_284 : memref<1x32x64xf32, #tpu.memory_space<vmem>> -> memref<32x64xf32, #tpu.memory_space<vmem>>
    tpu.enqueue_dma source(%dma_start3A_285 : memref<32x64xf32, #tpu.memory_space<vmem>>) target(%dma_start3A_281 : memref<32x64xf32, #tpu.memory_space<hbm>>) target_semaphore(%arg12 : memref<!tpu.dma_semaphore, #tpu.memory_space<semaphore_mem>>)
    %add3A_286 = arith.constant 64 : i32
    %add3A_287 = arith.addi %mul3A_2, %add3A_286 : i32
    %dma_start3A_288 = arith.constant 0 : i32
    %dma_start3A_289 = arith.constant 0 : i32
    %dma_start3A_290 = arith.constant 0 : i32
    %dma_start3A_291 = tpu.memref_slice %arg6[%dma_start3A_288, %dma_start3A_289, %dma_start3A_290] : memref<2x32x256xf32, #tpu.memory_space<vmem>> -> memref<1x32x256xf32, #tpu.memory_space<vmem>>
    %dma_start3A_292 = tpu.memref_squeeze %dma_start3A_291 : memref<1x32x256xf32, #tpu.memory_space<vmem>> -> memref<32x256xf32, #tpu.memory_space<vmem>>
    %dma_start3A_293 = arith.constant 0 : i32
    %dma_start3A_294 = tpu.memref_slice %arg2[%add3A_287, %dma_start3A_293] : memref<4096x256xf32, #tpu.memory_space<hbm>> -> memref<32x256xf32, #tpu.memory_space<hbm>>
    %dma_start3A_295 = arith.constant 0 : i32
    %dma_start3A_296 = arith.constant 0 : i32
    %dma_start3A_297 = tpu.memref_slice %arg6[%dma_start3A_288, %dma_start3A_295, %dma_start3A_296] : memref<2x32x256xf32, #tpu.memory_space<vmem>> -> memref<1x32x256xf32, #tpu.memory_space<vmem>>
    %dma_start3A_298 = tpu.memref_squeeze %dma_start3A_297 : memref<1x32x256xf32, #tpu.memory_space<vmem>> -> memref<32x256xf32, #tpu.memory_space<vmem>>
    %dma_start3A_299 = arith.constant 0 : i32
    %dma_start3A_300 = tpu.memref_slice %arg2[%add3A_287, %dma_start3A_299] : memref<4096x256xf32, #tpu.memory_space<hbm>> -> memref<32x256xf32, #tpu.memory_space<hbm>>
    tpu.enqueue_dma source(%dma_start3A_300 : memref<32x256xf32, #tpu.memory_space<hbm>>) target(%dma_start3A_298 : memref<32x256xf32, #tpu.memory_space<vmem>>) target_semaphore(%arg10 : memref<!tpu.dma_semaphore, #tpu.memory_space<semaphore_mem>>)
    %dma_wait3A_301 = arith.constant 1 : i32
    %dma_wait3A_302 = arith.constant 0 : i32
    %dma_wait3A_303 = arith.constant 0 : i32
    %dma_wait3A_304 = tpu.memref_slice %arg6[%dma_wait3A_301, %dma_wait3A_302, %dma_wait3A_303] : memref<2x32x256xf32, #tpu.memory_space<vmem>> -> memref<1x32x256xf32, #tpu.memory_space<vmem>>
    %dma_wait3A_305 = tpu.memref_squeeze %dma_wait3A_304 : memref<1x32x256xf32, #tpu.memory_space<vmem>> -> memref<32x256xf32, #tpu.memory_space<vmem>>
    %dma_wait3A_306 = arith.constant 0 : i32
    %dma_wait3A_307 = tpu.memref_slice %arg2[%add3A_18, %dma_wait3A_306] : memref<4096x256xf32, #tpu.memory_space<hbm>> -> memref<32x256xf32, #tpu.memory_space<hbm>>
    %dma_wait3A_308 = arith.constant 0 : i32
    %dma_wait3A_309 = arith.constant 0 : i32
    %dma_wait3A_310 = tpu.memref_slice %arg6[%dma_wait3A_301, %dma_wait3A_308, %dma_wait3A_309] : memref<2x32x256xf32, #tpu.memory_space<vmem>> -> memref<1x32x256xf32, #tpu.memory_space<vmem>>
    %dma_wait3A_311 = tpu.memref_squeeze %dma_wait3A_310 : memref<1x32x256xf32, #tpu.memory_space<vmem>> -> memref<32x256xf32, #tpu.memory_space<vmem>>
    %dma_wait3A_312 = arith.constant 0 : i32
    %dma_wait3A_313 = tpu.memref_slice %arg2[%add3A_18, %dma_wait3A_312] : memref<4096x256xf32, #tpu.memory_space<hbm>> -> memref<32x256xf32, #tpu.memory_space<hbm>>
    tpu.wait_dma2 semaphore(%arg11 : memref<!tpu.dma_semaphore, #tpu.memory_space<semaphore_mem>>) src(%dma_wait3A_313 : memref<32x256xf32, #tpu.memory_space<hbm>>) dst(%dma_wait3A_311 : memref<32x256xf32, #tpu.memory_space<vmem>>)
    %parallel_loop3A_314 = arith.constant 0 : i32
    %parallel_loop3A_315 = arith.constant 32 : i32
    %parallel_loop3A_316 = arith.constant 1 : i32
    %parallel_loop3A_317 = arith.constant 1 : i32
    %parallel_loop3A_318 = arith.constant 1 : i32
    scf.for %parallel_loop3A_467 = %parallel_loop3A_314 to %parallel_loop3A_315 step %parallel_loop3A_316  : i32 {
      %parallel_loop3A_468 = arith.constant 0 : i32
      %parallel_loop3A_469 = arith.constant 0 : i32
      %parallel_loop3A_470 = tpu.memref_slice %arg6[%parallel_loop3A_317, %parallel_loop3A_468, %parallel_loop3A_469] : memref<2x32x256xf32, #tpu.memory_space<vmem>> -> memref<1x32x256xf32, #tpu.memory_space<vmem>>
      %parallel_loop3A_471 = tpu.memref_squeeze %parallel_loop3A_470 : memref<1x32x256xf32, #tpu.memory_space<vmem>> -> memref<32x256xf32, #tpu.memory_space<vmem>>
      %parallel_loop3A_472 = arith.constant 0 : i32
      %parallel_loop3A_473 = tpu.memref_slice %parallel_loop3A_471[%parallel_loop3A_467, %parallel_loop3A_472] : memref<32x256xf32, #tpu.memory_space<vmem>> -> memref<1x256xf32, #tpu.memory_space<vmem>>
      %parallel_loop3A_474 = tpu.memref_squeeze %parallel_loop3A_473 : memref<1x256xf32, #tpu.memory_space<vmem>> -> memref<256xf32, #tpu.memory_space<vmem>>
      %parallel_loop3A_475 = tpu.vector_load_idx %parallel_loop3A_474[%gather3A_44] : memref<256xf32, #tpu.memory_space<vmem>>[vector<16xi32>], vector<16xf32>,
      %parallel_loop3A_476 = arith.mulf %parallel_loop3A_475, %gather3A : vector<16xf32>
      %parallel_loop3A_477 = arith.constant 0 : i32
      %parallel_loop3A_478 = arith.constant 0 : i32
      %parallel_loop3A_479 = tpu.memref_slice %arg6[%parallel_loop3A_317, %parallel_loop3A_477, %parallel_loop3A_478] : memref<2x32x256xf32, #tpu.memory_space<vmem>> -> memref<1x32x256xf32, #tpu.memory_space<vmem>>
      %parallel_loop3A_480 = tpu.memref_squeeze %parallel_loop3A_479 : memref<1x32x256xf32, #tpu.memory_space<vmem>> -> memref<32x256xf32, #tpu.memory_space<vmem>>
      %parallel_loop3A_481 = arith.constant 0 : i32
      %parallel_loop3A_482 = tpu.memref_slice %parallel_loop3A_480[%parallel_loop3A_467, %parallel_loop3A_481] : memref<32x256xf32, #tpu.memory_space<vmem>> -> memref<1x256xf32, #tpu.memory_space<vmem>>
      %parallel_loop3A_483 = tpu.memref_squeeze %parallel_loop3A_482 : memref<1x256xf32, #tpu.memory_space<vmem>> -> memref<256xf32, #tpu.memory_space<vmem>>
      %parallel_loop3A_484 = tpu.vector_load_idx %parallel_loop3A_483[%gather3A_58] : memref<256xf32, #tpu.memory_space<vmem>>[vector<16xi32>], vector<16xf32>,
      %parallel_loop3A_485 = arith.mulf %parallel_loop3A_484, %gather3A_51 : vector<16xf32>
      %parallel_loop3A_486 = arith.constant 0 : i32
      %parallel_loop3A_487 = arith.constant 0 : i32
      %parallel_loop3A_488 = tpu.memref_slice %arg6[%parallel_loop3A_317, %parallel_loop3A_486, %parallel_loop3A_487] : memref<2x32x256xf32, #tpu.memory_space<vmem>> -> memref<1x32x256xf32, #tpu.memory_space<vmem>>
      %parallel_loop3A_489 = tpu.memref_squeeze %parallel_loop3A_488 : memref<1x32x256xf32, #tpu.memory_space<vmem>> -> memref<32x256xf32, #tpu.memory_space<vmem>>
      %parallel_loop3A_490 = arith.constant 0 : i32
      %parallel_loop3A_491 = tpu.memref_slice %parallel_loop3A_489[%parallel_loop3A_467, %parallel_loop3A_490] : memref<32x256xf32, #tpu.memory_space<vmem>> -> memref<1x256xf32, #tpu.memory_space<vmem>>
      %parallel_loop3A_492 = tpu.memref_squeeze %parallel_loop3A_491 : memref<1x256xf32, #tpu.memory_space<vmem>> -> memref<256xf32, #tpu.memory_space<vmem>>
      %parallel_loop3A_493 = tpu.vector_load_idx %parallel_loop3A_492[%gather3A_72] : memref<256xf32, #tpu.memory_space<vmem>>[vector<16xi32>], vector<16xf32>,
      %parallel_loop3A_494 = arith.mulf %parallel_loop3A_493, %gather3A_65 : vector<16xf32>
      %parallel_loop3A_495 = arith.constant 0 : i32
      %parallel_loop3A_496 = arith.constant 0 : i32
      %parallel_loop3A_497 = tpu.memref_slice %arg6[%parallel_loop3A_317, %parallel_loop3A_495, %parallel_loop3A_496] : memref<2x32x256xf32, #tpu.memory_space<vmem>> -> memref<1x32x256xf32, #tpu.memory_space<vmem>>
      %parallel_loop3A_498 = tpu.memref_squeeze %parallel_loop3A_497 : memref<1x32x256xf32, #tpu.memory_space<vmem>> -> memref<32x256xf32, #tpu.memory_space<vmem>>
      %parallel_loop3A_499 = arith.constant 0 : i32
      %parallel_loop3A_500 = tpu.memref_slice %parallel_loop3A_498[%parallel_loop3A_467, %parallel_loop3A_499] : memref<32x256xf32, #tpu.memory_space<vmem>> -> memref<1x256xf32, #tpu.memory_space<vmem>>
      %parallel_loop3A_501 = tpu.memref_squeeze %parallel_loop3A_500 : memref<1x256xf32, #tpu.memory_space<vmem>> -> memref<256xf32, #tpu.memory_space<vmem>>
      %parallel_loop3A_502 = tpu.vector_load_idx %parallel_loop3A_501[%gather3A_86] : memref<256xf32, #tpu.memory_space<vmem>>[vector<16xi32>], vector<16xf32>,
      %parallel_loop3A_503 = arith.mulf %parallel_loop3A_502, %gather3A_79 : vector<16xf32>
      %parallel_loop3A_504 = arith.addf %parallel_loop3A_476, %parallel_loop3A_485 : vector<16xf32>
      %parallel_loop3A_505 = arith.addf %parallel_loop3A_494, %parallel_loop3A_503 : vector<16xf32>
      %parallel_loop3A_506 = arith.addf %parallel_loop3A_504, %parallel_loop3A_505 : vector<16xf32>
      %parallel_loop3A_507 = arith.constant 0 : i32
      %parallel_loop3A_508 = arith.constant 0 : i32
      %parallel_loop3A_509 = tpu.memref_slice %arg7[%parallel_loop3A_318, %parallel_loop3A_507, %parallel_loop3A_508] : memref<2x32x64xf32, #tpu.memory_space<vmem>> -> memref<1x32x64xf32, #tpu.memory_space<vmem>>
      %parallel_loop3A_510 = tpu.memref_squeeze %parallel_loop3A_509 : memref<1x32x64xf32, #tpu.memory_space<vmem>> -> memref<32x64xf32, #tpu.memory_space<vmem>>
      %parallel_loop3A_511 = arith.index_cast %parallel_loop3A_467 : i32 to index
      %parallel_loop3A_512 = arith.constant 0 : index
      %parallel_loop3A_513 = tpu.vector_load %parallel_loop3A_510[%parallel_loop3A_511, %parallel_loop3A_512] {strides = array<i32>} : memref<32x64xf32, #tpu.memory_space<vmem>>, vector<16xf32>,
      tpu.vector_store %parallel_loop3A_510[%parallel_loop3A_511, %parallel_loop3A_512], %parallel_loop3A_506 {strides = array<i32>} : memref<32x64xf32, #tpu.memory_space<vmem>>, vector<16xf32>,
      %parallel_loop3A_514 = arith.constant 0 : i32
      %parallel_loop3A_515 = arith.constant 0 : i32
      %parallel_loop3A_516 = tpu.memref_slice %arg6[%parallel_loop3A_317, %parallel_loop3A_514, %parallel_loop3A_515] : memref<2x32x256xf32, #tpu.memory_space<vmem>> -> memref<1x32x256xf32, #tpu.memory_space<vmem>>
      %parallel_loop3A_517 = tpu.memref_squeeze %parallel_loop3A_516 : memref<1x32x256xf32, #tpu.memory_space<vmem>> -> memref<32x256xf32, #tpu.memory_space<vmem>>
      %parallel_loop3A_518 = arith.constant 0 : i32
      %parallel_loop3A_519 = tpu.memref_slice %parallel_loop3A_517[%parallel_loop3A_467, %parallel_loop3A_518] : memref<32x256xf32, #tpu.memory_space<vmem>> -> memref<1x256xf32, #tpu.memory_space<vmem>>
      %parallel_loop3A_520 = tpu.memref_squeeze %parallel_loop3A_519 : memref<1x256xf32, #tpu.memory_space<vmem>> -> memref<256xf32, #tpu.memory_space<vmem>>
      %parallel_loop3A_521 = tpu.vector_load_idx %parallel_loop3A_520[%gather3A_100] : memref<256xf32, #tpu.memory_space<vmem>>[vector<16xi32>], vector<16xf32>,
      %parallel_loop3A_522 = arith.mulf %parallel_loop3A_521, %gather3A_93 : vector<16xf32>
      %parallel_loop3A_523 = arith.constant 0 : i32
      %parallel_loop3A_524 = arith.constant 0 : i32
      %parallel_loop3A_525 = tpu.memref_slice %arg6[%parallel_loop3A_317, %parallel_loop3A_523, %parallel_loop3A_524] : memref<2x32x256xf32, #tpu.memory_space<vmem>> -> memref<1x32x256xf32, #tpu.memory_space<vmem>>
      %parallel_loop3A_526 = tpu.memref_squeeze %parallel_loop3A_525 : memref<1x32x256xf32, #tpu.memory_space<vmem>> -> memref<32x256xf32, #tpu.memory_space<vmem>>
      %parallel_loop3A_527 = arith.constant 0 : i32
      %parallel_loop3A_528 = tpu.memref_slice %parallel_loop3A_526[%parallel_loop3A_467, %parallel_loop3A_527] : memref<32x256xf32, #tpu.memory_space<vmem>> -> memref<1x256xf32, #tpu.memory_space<vmem>>
      %parallel_loop3A_529 = tpu.memref_squeeze %parallel_loop3A_528 : memref<1x256xf32, #tpu.memory_space<vmem>> -> memref<256xf32, #tpu.memory_space<vmem>>
      %parallel_loop3A_530 = tpu.vector_load_idx %parallel_loop3A_529[%gather3A_114] : memref<256xf32, #tpu.memory_space<vmem>>[vector<16xi32>], vector<16xf32>,
      %parallel_loop3A_531 = arith.mulf %parallel_loop3A_530, %gather3A_107 : vector<16xf32>
      %parallel_loop3A_532 = arith.constant 0 : i32
      %parallel_loop3A_533 = arith.constant 0 : i32
      %parallel_loop3A_534 = tpu.memref_slice %arg6[%parallel_loop3A_317, %parallel_loop3A_532, %parallel_loop3A_533] : memref<2x32x256xf32, #tpu.memory_space<vmem>> -> memref<1x32x256xf32, #tpu.memory_space<vmem>>
      %parallel_loop3A_535 = tpu.memref_squeeze %parallel_loop3A_534 : memref<1x32x256xf32, #tpu.memory_space<vmem>> -> memref<32x256xf32, #tpu.memory_space<vmem>>
      %parallel_loop3A_536 = arith.constant 0 : i32
      %parallel_loop3A_537 = tpu.memref_slice %parallel_loop3A_535[%parallel_loop3A_467, %parallel_loop3A_536] : memref<32x256xf32, #tpu.memory_space<vmem>> -> memref<1x256xf32, #tpu.memory_space<vmem>>
      %parallel_loop3A_538 = tpu.memref_squeeze %parallel_loop3A_537 : memref<1x256xf32, #tpu.memory_space<vmem>> -> memref<256xf32, #tpu.memory_space<vmem>>
      %parallel_loop3A_539 = tpu.vector_load_idx %parallel_loop3A_538[%gather3A_128] : memref<256xf32, #tpu.memory_space<vmem>>[vector<16xi32>], vector<16xf32>,
      %parallel_loop3A_540 = arith.mulf %parallel_loop3A_539, %gather3A_121 : vector<16xf32>
      %parallel_loop3A_541 = arith.constant 0 : i32
      %parallel_loop3A_542 = arith.constant 0 : i32
      %parallel_loop3A_543 = tpu.memref_slice %arg6[%parallel_loop3A_317, %parallel_loop3A_541, %parallel_loop3A_542] : memref<2x32x256xf32, #tpu.memory_space<vmem>> -> memref<1x32x256xf32, #tpu.memory_space<vmem>>
      %parallel_loop3A_544 = tpu.memref_squeeze %parallel_loop3A_543 : memref<1x32x256xf32, #tpu.memory_space<vmem>> -> memref<32x256xf32, #tpu.memory_space<vmem>>
      %parallel_loop3A_545 = arith.constant 0 : i32
      %parallel_loop3A_546 = tpu.memref_slice %parallel_loop3A_544[%parallel_loop3A_467, %parallel_loop3A_545] : memref<32x256xf32, #tpu.memory_space<vmem>> -> memref<1x256xf32, #tpu.memory_space<vmem>>
      %parallel_loop3A_547 = tpu.memref_squeeze %parallel_loop3A_546 : memref<1x256xf32, #tpu.memory_space<vmem>> -> memref<256xf32, #tpu.memory_space<vmem>>
      %parallel_loop3A_548 = tpu.vector_load_idx %parallel_loop3A_547[%gather3A_142] : memref<256xf32, #tpu.memory_space<vmem>>[vector<16xi32>], vector<16xf32>,
      %parallel_loop3A_549 = arith.mulf %parallel_loop3A_548, %gather3A_135 : vector<16xf32>
      %parallel_loop3A_550 = arith.addf %parallel_loop3A_522, %parallel_loop3A_531 : vector<16xf32>
      %parallel_loop3A_551 = arith.addf %parallel_loop3A_540, %parallel_loop3A_549 : vector<16xf32>
      %parallel_loop3A_552 = arith.addf %parallel_loop3A_550, %parallel_loop3A_551 : vector<16xf32>
      %parallel_loop3A_553 = arith.constant 0 : i32
      %parallel_loop3A_554 = arith.constant 0 : i32
      %parallel_loop3A_555 = tpu.memref_slice %arg7[%parallel_loop3A_318, %parallel_loop3A_553, %parallel_loop3A_554] : memref<2x32x64xf32, #tpu.memory_space<vmem>> -> memref<1x32x64xf32, #tpu.memory_space<vmem>>
      %parallel_loop3A_556 = tpu.memref_squeeze %parallel_loop3A_555 : memref<1x32x64xf32, #tpu.memory_space<vmem>> -> memref<32x64xf32, #tpu.memory_space<vmem>>
      %parallel_loop3A_557 = arith.index_cast %parallel_loop3A_467 : i32 to index
      %parallel_loop3A_558 = arith.constant 16 : index
      %parallel_loop3A_559 = tpu.vector_load %parallel_loop3A_556[%parallel_loop3A_557, %parallel_loop3A_558] {strides = array<i32>} : memref<32x64xf32, #tpu.memory_space<vmem>>, vector<16xf32>,
      tpu.vector_store %parallel_loop3A_556[%parallel_loop3A_557, %parallel_loop3A_558], %parallel_loop3A_552 {strides = array<i32>} : memref<32x64xf32, #tpu.memory_space<vmem>>, vector<16xf32>,
      %parallel_loop3A_560 = arith.constant 0 : i32
      %parallel_loop3A_561 = arith.constant 0 : i32
      %parallel_loop3A_562 = tpu.memref_slice %arg6[%parallel_loop3A_317, %parallel_loop3A_560, %parallel_loop3A_561] : memref<2x32x256xf32, #tpu.memory_space<vmem>> -> memref<1x32x256xf32, #tpu.memory_space<vmem>>
      %parallel_loop3A_563 = tpu.memref_squeeze %parallel_loop3A_562 : memref<1x32x256xf32, #tpu.memory_space<vmem>> -> memref<32x256xf32, #tpu.memory_space<vmem>>
      %parallel_loop3A_564 = arith.constant 0 : i32
      %parallel_loop3A_565 = tpu.memref_slice %parallel_loop3A_563[%parallel_loop3A_467, %parallel_loop3A_564] : memref<32x256xf32, #tpu.memory_space<vmem>> -> memref<1x256xf32, #tpu.memory_space<vmem>>
      %parallel_loop3A_566 = tpu.memref_squeeze %parallel_loop3A_565 : memref<1x256xf32, #tpu.memory_space<vmem>> -> memref<256xf32, #tpu.memory_space<vmem>>
      %parallel_loop3A_567 = tpu.vector_load_idx %parallel_loop3A_566[%gather3A_156] : memref<256xf32, #tpu.memory_space<vmem>>[vector<16xi32>], vector<16xf32>,
      %parallel_loop3A_568 = arith.mulf %parallel_loop3A_567, %gather3A_149 : vector<16xf32>
      %parallel_loop3A_569 = arith.constant 0 : i32
      %parallel_loop3A_570 = arith.constant 0 : i32
      %parallel_loop3A_571 = tpu.memref_slice %arg6[%parallel_loop3A_317, %parallel_loop3A_569, %parallel_loop3A_570] : memref<2x32x256xf32, #tpu.memory_space<vmem>> -> memref<1x32x256xf32, #tpu.memory_space<vmem>>
      %parallel_loop3A_572 = tpu.memref_squeeze %parallel_loop3A_571 : memref<1x32x256xf32, #tpu.memory_space<vmem>> -> memref<32x256xf32, #tpu.memory_space<vmem>>
      %parallel_loop3A_573 = arith.constant 0 : i32
      %parallel_loop3A_574 = tpu.memref_slice %parallel_loop3A_572[%parallel_loop3A_467, %parallel_loop3A_573] : memref<32x256xf32, #tpu.memory_space<vmem>> -> memref<1x256xf32, #tpu.memory_space<vmem>>
      %parallel_loop3A_575 = tpu.memref_squeeze %parallel_loop3A_574 : memref<1x256xf32, #tpu.memory_space<vmem>> -> memref<256xf32, #tpu.memory_space<vmem>>
      %parallel_loop3A_576 = tpu.vector_load_idx %parallel_loop3A_575[%gather3A_170] : memref<256xf32, #tpu.memory_space<vmem>>[vector<16xi32>], vector<16xf32>,
      %parallel_loop3A_577 = arith.mulf %parallel_loop3A_576, %gather3A_163 : vector<16xf32>
      %parallel_loop3A_578 = arith.constant 0 : i32
      %parallel_loop3A_579 = arith.constant 0 : i32
      %parallel_loop3A_580 = tpu.memref_slice %arg6[%parallel_loop3A_317, %parallel_loop3A_578, %parallel_loop3A_579] : memref<2x32x256xf32, #tpu.memory_space<vmem>> -> memref<1x32x256xf32, #tpu.memory_space<vmem>>
      %parallel_loop3A_581 = tpu.memref_squeeze %parallel_loop3A_580 : memref<1x32x256xf32, #tpu.memory_space<vmem>> -> memref<32x256xf32, #tpu.memory_space<vmem>>
      %parallel_loop3A_582 = arith.constant 0 : i32
      %parallel_loop3A_583 = tpu.memref_slice %parallel_loop3A_581[%parallel_loop3A_467, %parallel_loop3A_582] : memref<32x256xf32, #tpu.memory_space<vmem>> -> memref<1x256xf32, #tpu.memory_space<vmem>>
      %parallel_loop3A_584 = tpu.memref_squeeze %parallel_loop3A_583 : memref<1x256xf32, #tpu.memory_space<vmem>> -> memref<256xf32, #tpu.memory_space<vmem>>
      %parallel_loop3A_585 = tpu.vector_load_idx %parallel_loop3A_584[%gather3A_184] : memref<256xf32, #tpu.memory_space<vmem>>[vector<16xi32>], vector<16xf32>,
      %parallel_loop3A_586 = arith.mulf %parallel_loop3A_585, %gather3A_177 : vector<16xf32>
      %parallel_loop3A_587 = arith.constant 0 : i32
      %parallel_loop3A_588 = arith.constant 0 : i32
      %parallel_loop3A_589 = tpu.memref_slice %arg6[%parallel_loop3A_317, %parallel_loop3A_587, %parallel_loop3A_588] : memref<2x32x256xf32, #tpu.memory_space<vmem>> -> memref<1x32x256xf32, #tpu.memory_space<vmem>>
      %parallel_loop3A_590 = tpu.memref_squeeze %parallel_loop3A_589 : memref<1x32x256xf32, #tpu.memory_space<vmem>> -> memref<32x256xf32, #tpu.memory_space<vmem>>
      %parallel_loop3A_591 = arith.constant 0 : i32
      %parallel_loop3A_592 = tpu.memref_slice %parallel_loop3A_590[%parallel_loop3A_467, %parallel_loop3A_591] : memref<32x256xf32, #tpu.memory_space<vmem>> -> memref<1x256xf32, #tpu.memory_space<vmem>>
      %parallel_loop3A_593 = tpu.memref_squeeze %parallel_loop3A_592 : memref<1x256xf32, #tpu.memory_space<vmem>> -> memref<256xf32, #tpu.memory_space<vmem>>
      %parallel_loop3A_594 = tpu.vector_load_idx %parallel_loop3A_593[%gather3A_198] : memref<256xf32, #tpu.memory_space<vmem>>[vector<16xi32>], vector<16xf32>,
      %parallel_loop3A_595 = arith.mulf %parallel_loop3A_594, %gather3A_191 : vector<16xf32>
      %parallel_loop3A_596 = arith.addf %parallel_loop3A_568, %parallel_loop3A_577 : vector<16xf32>
      %parallel_loop3A_597 = arith.addf %parallel_loop3A_586, %parallel_loop3A_595 : vector<16xf32>
      %parallel_loop3A_598 = arith.addf %parallel_loop3A_596, %parallel_loop3A_597 : vector<16xf32>
      %parallel_loop3A_599 = arith.constant 0 : i32
      %parallel_loop3A_600 = arith.constant 0 : i32
      %parallel_loop3A_601 = tpu.memref_slice %arg7[%parallel_loop3A_318, %parallel_loop3A_599, %parallel_loop3A_600] : memref<2x32x64xf32, #tpu.memory_space<vmem>> -> memref<1x32x64xf32, #tpu.memory_space<vmem>>
      %parallel_loop3A_602 = tpu.memref_squeeze %parallel_loop3A_601 : memref<1x32x64xf32, #tpu.memory_space<vmem>> -> memref<32x64xf32, #tpu.memory_space<vmem>>
      %parallel_loop3A_603 = arith.index_cast %parallel_loop3A_467 : i32 to index
      %parallel_loop3A_604 = arith.constant 32 : index
      %parallel_loop3A_605 = tpu.vector_load %parallel_loop3A_602[%parallel_loop3A_603, %parallel_loop3A_604] {strides = array<i32>} : memref<32x64xf32, #tpu.memory_space<vmem>>, vector<16xf32>,
      tpu.vector_store %parallel_loop3A_602[%parallel_loop3A_603, %parallel_loop3A_604], %parallel_loop3A_598 {strides = array<i32>} : memref<32x64xf32, #tpu.memory_space<vmem>>, vector<16xf32>,
      %parallel_loop3A_606 = arith.constant 0 : i32
      %parallel_loop3A_607 = arith.constant 0 : i32
      %parallel_loop3A_608 = tpu.memref_slice %arg6[%parallel_loop3A_317, %parallel_loop3A_606, %parallel_loop3A_607] : memref<2x32x256xf32, #tpu.memory_space<vmem>> -> memref<1x32x256xf32, #tpu.memory_space<vmem>>
      %parallel_loop3A_609 = tpu.memref_squeeze %parallel_loop3A_608 : memref<1x32x256xf32, #tpu.memory_space<vmem>> -> memref<32x256xf32, #tpu.memory_space<vmem>>
      %parallel_loop3A_610 = arith.constant 0 : i32
      %parallel_loop3A_611 = tpu.memref_slice %parallel_loop3A_609[%parallel_loop3A_467, %parallel_loop3A_610] : memref<32x256xf32, #tpu.memory_space<vmem>> -> memref<1x256xf32, #tpu.memory_space<vmem>>
      %parallel_loop3A_612 = tpu.memref_squeeze %parallel_loop3A_611 : memref<1x256xf32, #tpu.memory_space<vmem>> -> memref<256xf32, #tpu.memory_space<vmem>>
      %parallel_loop3A_613 = tpu.vector_load_idx %parallel_loop3A_612[%gather3A_212] : memref<256xf32, #tpu.memory_space<vmem>>[vector<16xi32>], vector<16xf32>,
      %parallel_loop3A_614 = arith.mulf %parallel_loop3A_613, %gather3A_205 : vector<16xf32>
      %parallel_loop3A_615 = arith.constant 0 : i32
      %parallel_loop3A_616 = arith.constant 0 : i32
      %parallel_loop3A_617 = tpu.memref_slice %arg6[%parallel_loop3A_317, %parallel_loop3A_615, %parallel_loop3A_616] : memref<2x32x256xf32, #tpu.memory_space<vmem>> -> memref<1x32x256xf32, #tpu.memory_space<vmem>>
      %parallel_loop3A_618 = tpu.memref_squeeze %parallel_loop3A_617 : memref<1x32x256xf32, #tpu.memory_space<vmem>> -> memref<32x256xf32, #tpu.memory_space<vmem>>
      %parallel_loop3A_619 = arith.constant 0 : i32
      %parallel_loop3A_620 = tpu.memref_slice %parallel_loop3A_618[%parallel_loop3A_467, %parallel_loop3A_619] : memref<32x256xf32, #tpu.memory_space<vmem>> -> memref<1x256xf32, #tpu.memory_space<vmem>>
      %parallel_loop3A_621 = tpu.memref_squeeze %parallel_loop3A_620 : memref<1x256xf32, #tpu.memory_space<vmem>> -> memref<256xf32, #tpu.memory_space<vmem>>
      %parallel_loop3A_622 = tpu.vector_load_idx %parallel_loop3A_621[%gather3A_226] : memref<256xf32, #tpu.memory_space<vmem>>[vector<16xi32>], vector<16xf32>,
      %parallel_loop3A_623 = arith.mulf %parallel_loop3A_622, %gather3A_219 : vector<16xf32>
      %parallel_loop3A_624 = arith.constant 0 : i32
      %parallel_loop3A_625 = arith.constant 0 : i32
      %parallel_loop3A_626 = tpu.memref_slice %arg6[%parallel_loop3A_317, %parallel_loop3A_624, %parallel_loop3A_625] : memref<2x32x256xf32, #tpu.memory_space<vmem>> -> memref<1x32x256xf32, #tpu.memory_space<vmem>>
      %parallel_loop3A_627 = tpu.memref_squeeze %parallel_loop3A_626 : memref<1x32x256xf32, #tpu.memory_space<vmem>> -> memref<32x256xf32, #tpu.memory_space<vmem>>
      %parallel_loop3A_628 = arith.constant 0 : i32
      %parallel_loop3A_629 = tpu.memref_slice %parallel_loop3A_627[%parallel_loop3A_467, %parallel_loop3A_628] : memref<32x256xf32, #tpu.memory_space<vmem>> -> memref<1x256xf32, #tpu.memory_space<vmem>>
      %parallel_loop3A_630 = tpu.memref_squeeze %parallel_loop3A_629 : memref<1x256xf32, #tpu.memory_space<vmem>> -> memref<256xf32, #tpu.memory_space<vmem>>
      %parallel_loop3A_631 = tpu.vector_load_idx %parallel_loop3A_630[%gather3A_240] : memref<256xf32, #tpu.memory_space<vmem>>[vector<16xi32>], vector<16xf32>,
      %parallel_loop3A_632 = arith.mulf %parallel_loop3A_631, %gather3A_233 : vector<16xf32>
      %parallel_loop3A_633 = arith.constant 0 : i32
      %parallel_loop3A_634 = arith.constant 0 : i32
      %parallel_loop3A_635 = tpu.memref_slice %arg6[%parallel_loop3A_317, %parallel_loop3A_633, %parallel_loop3A_634] : memref<2x32x256xf32, #tpu.memory_space<vmem>> -> memref<1x32x256xf32, #tpu.memory_space<vmem>>
      %parallel_loop3A_636 = tpu.memref_squeeze %parallel_loop3A_635 : memref<1x32x256xf32, #tpu.memory_space<vmem>> -> memref<32x256xf32, #tpu.memory_space<vmem>>
      %parallel_loop3A_637 = arith.constant 0 : i32
      %parallel_loop3A_638 = tpu.memref_slice %parallel_loop3A_636[%parallel_loop3A_467, %parallel_loop3A_637] : memref<32x256xf32, #tpu.memory_space<vmem>> -> memref<1x256xf32, #tpu.memory_space<vmem>>
      %parallel_loop3A_639 = tpu.memref_squeeze %parallel_loop3A_638 : memref<1x256xf32, #tpu.memory_space<vmem>> -> memref<256xf32, #tpu.memory_space<vmem>>
      %parallel_loop3A_640 = tpu.vector_load_idx %parallel_loop3A_639[%gather3A_254] : memref<256xf32, #tpu.memory_space<vmem>>[vector<16xi32>], vector<16xf32>,
      %parallel_loop3A_641 = arith.mulf %parallel_loop3A_640, %gather3A_247 : vector<16xf32>
      %parallel_loop3A_642 = arith.addf %parallel_loop3A_614, %parallel_loop3A_623 : vector<16xf32>
      %parallel_loop3A_643 = arith.addf %parallel_loop3A_632, %parallel_loop3A_641 : vector<16xf32>
      %parallel_loop3A_644 = arith.addf %parallel_loop3A_642, %parallel_loop3A_643 : vector<16xf32>
      %parallel_loop3A_645 = arith.constant 0 : i32
      %parallel_loop3A_646 = arith.constant 0 : i32
      %parallel_loop3A_647 = tpu.memref_slice %arg7[%parallel_loop3A_318, %parallel_loop3A_645, %parallel_loop3A_646] : memref<2x32x64xf32, #tpu.memory_space<vmem>> -> memref<1x32x64xf32, #tpu.memory_space<vmem>>
      %parallel_loop3A_648 = tpu.memref_squeeze %parallel_loop3A_647 : memref<1x32x64xf32, #tpu.memory_space<vmem>> -> memref<32x64xf32, #tpu.memory_space<vmem>>
      %parallel_loop3A_649 = arith.index_cast %parallel_loop3A_467 : i32 to index
      %parallel_loop3A_650 = arith.constant 48 : index
      %parallel_loop3A_651 = tpu.vector_load %parallel_loop3A_648[%parallel_loop3A_649, %parallel_loop3A_650] {strides = array<i32>} : memref<32x64xf32, #tpu.memory_space<vmem>>, vector<16xf32>,
      tpu.vector_store %parallel_loop3A_648[%parallel_loop3A_649, %parallel_loop3A_650], %parallel_loop3A_644 {strides = array<i32>} : memref<32x64xf32, #tpu.memory_space<vmem>>, vector<16xf32>,
    } {sc.loop_unroll_factor = 2 : i64, sc.parallel_access}
    %add3A_319 = arith.constant 32 : i32
    %add3A_320 = arith.addi %mul3A_2, %add3A_319 : i32
    %dma_start3A_321 = arith.constant 1 : i32
    %dma_start3A_322 = arith.constant 0 : i32
    %dma_start3A_323 = arith.constant 0 : i32
    %dma_start3A_324 = tpu.memref_slice %arg7[%dma_start3A_321, %dma_start3A_322, %dma_start3A_323] : memref<2x32x64xf32, #tpu.memory_space<vmem>> -> memref<1x32x64xf32, #tpu.memory_space<vmem>>
    %dma_start3A_325 = tpu.memref_squeeze %dma_start3A_324 : memref<1x32x64xf32, #tpu.memory_space<vmem>> -> memref<32x64xf32, #tpu.memory_space<vmem>>
    %dma_start3A_326 = arith.constant 0 : i32
    %dma_start3A_327 = tpu.memref_slice %arg5[%add3A_320, %dma_start3A_326] : memref<4096x64xf32, #tpu.memory_space<hbm>> -> memref<32x64xf32, #tpu.memory_space<hbm>>
    %dma_start3A_328 = arith.constant 0 : i32
    %dma_start3A_329 = tpu.memref_slice %arg5[%add3A_320, %dma_start3A_328] : memref<4096x64xf32, #tpu.memory_space<hbm>> -> memref<32x64xf32, #tpu.memory_space<hbm>>
    %dma_start3A_330 = arith.constant 0 : i32
    %dma_start3A_331 = arith.constant 0 : i32
    %dma_start3A_332 = tpu.memref_slice %arg7[%dma_start3A_321, %dma_start3A_330, %dma_start3A_331] : memref<2x32x64xf32, #tpu.memory_space<vmem>> -> memref<1x32x64xf32, #tpu.memory_space<vmem>>
    %dma_start3A_333 = tpu.memref_squeeze %dma_start3A_332 : memref<1x32x64xf32, #tpu.memory_space<vmem>> -> memref<32x64xf32, #tpu.memory_space<vmem>>
    tpu.enqueue_dma source(%dma_start3A_333 : memref<32x64xf32, #tpu.memory_space<vmem>>) target(%dma_start3A_329 : memref<32x64xf32, #tpu.memory_space<hbm>>) target_semaphore(%arg13 : memref<!tpu.dma_semaphore, #tpu.memory_space<semaphore_mem>>)
    %add3A_334 = arith.constant 96 : i32
    %add3A_335 = arith.addi %mul3A_2, %add3A_334 : i32
    %dma_start3A_336 = arith.constant 1 : i32
    %dma_start3A_337 = arith.constant 0 : i32
    %dma_start3A_338 = arith.constant 0 : i32
    %dma_start3A_339 = tpu.memref_slice %arg6[%dma_start3A_336, %dma_start3A_337, %dma_start3A_338] : memref<2x32x256xf32, #tpu.memory_space<vmem>> -> memref<1x32x256xf32, #tpu.memory_space<vmem>>
    %dma_start3A_340 = tpu.memref_squeeze %dma_start3A_339 : memref<1x32x256xf32, #tpu.memory_space<vmem>> -> memref<32x256xf32, #tpu.memory_space<vmem>>
    %dma_start3A_341 = arith.constant 0 : i32
    %dma_start3A_342 = tpu.memref_slice %arg2[%add3A_335, %dma_start3A_341] : memref<4096x256xf32, #tpu.memory_space<hbm>> -> memref<32x256xf32, #tpu.memory_space<hbm>>
    %dma_start3A_343 = arith.constant 0 : i32
    %dma_start3A_344 = arith.constant 0 : i32
    %dma_start3A_345 = tpu.memref_slice %arg6[%dma_start3A_336, %dma_start3A_343, %dma_start3A_344] : memref<2x32x256xf32, #tpu.memory_space<vmem>> -> memref<1x32x256xf32, #tpu.memory_space<vmem>>
    %dma_start3A_346 = tpu.memref_squeeze %dma_start3A_345 : memref<1x32x256xf32, #tpu.memory_space<vmem>> -> memref<32x256xf32, #tpu.memory_space<vmem>>
    %dma_start3A_347 = arith.constant 0 : i32
    %dma_start3A_348 = tpu.memref_slice %arg2[%add3A_335, %dma_start3A_347] : memref<4096x256xf32, #tpu.memory_space<hbm>> -> memref<32x256xf32, #tpu.memory_space<hbm>>
    tpu.enqueue_dma source(%dma_start3A_348 : memref<32x256xf32, #tpu.memory_space<hbm>>) target(%dma_start3A_346 : memref<32x256xf32, #tpu.memory_space<vmem>>) target_semaphore(%arg11 : memref<!tpu.dma_semaphore, #tpu.memory_space<semaphore_mem>>)
    %dma_wait3A_349 = arith.constant 0 : i32
    %dma_wait3A_350 = arith.constant 0 : i32
    %dma_wait3A_351 = arith.constant 0 : i32
    %dma_wait3A_352 = tpu.memref_slice %arg6[%dma_wait3A_349, %dma_wait3A_350, %dma_wait3A_351] : memref<2x32x256xf32, #tpu.memory_space<vmem>> -> memref<1x32x256xf32, #tpu.memory_space<vmem>>
    %dma_wait3A_353 = tpu.memref_squeeze %dma_wait3A_352 : memref<1x32x256xf32, #tpu.memory_space<vmem>> -> memref<32x256xf32, #tpu.memory_space<vmem>>
    %dma_wait3A_354 = arith.constant 0 : i32
    %dma_wait3A_355 = tpu.memref_slice %arg2[%add3A_287, %dma_wait3A_354] : memref<4096x256xf32, #tpu.memory_space<hbm>> -> memref<32x256xf32, #tpu.memory_space<hbm>>
    %dma_wait3A_356 = arith.constant 0 : i32
    %dma_wait3A_357 = arith.constant 0 : i32
    %dma_wait3A_358 = tpu.memref_slice %arg6[%dma_wait3A_349, %dma_wait3A_356, %dma_wait3A_357] : memref<2x32x256xf32, #tpu.memory_space<vmem>> -> memref<1x32x256xf32, #tpu.memory_space<vmem>>
    %dma_wait3A_359 = tpu.memref_squeeze %dma_wait3A_358 : memref<1x32x256xf32, #tpu.memory_space<vmem>> -> memref<32x256xf32, #tpu.memory_space<vmem>>
    %dma_wait3A_360 = arith.constant 0 : i32
    %dma_wait3A_361 = tpu.memref_slice %arg2[%add3A_287, %dma_wait3A_360] : memref<4096x256xf32, #tpu.memory_space<hbm>> -> memref<32x256xf32, #tpu.memory_space<hbm>>
    tpu.wait_dma2 semaphore(%arg10 : memref<!tpu.dma_semaphore, #tpu.memory_space<semaphore_mem>>) src(%dma_wait3A_361 : memref<32x256xf32, #tpu.memory_space<hbm>>) dst(%dma_wait3A_359 : memref<32x256xf32, #tpu.memory_space<vmem>>)
    %dma_wait3A_362 = arith.constant 0 : i32
    %dma_wait3A_363 = arith.constant 0 : i32
    %dma_wait3A_364 = arith.constant 0 : i32
    %dma_wait3A_365 = tpu.memref_slice %arg7[%dma_wait3A_362, %dma_wait3A_363, %dma_wait3A_364] : memref<2x32x64xf32, #tpu.memory_space<vmem>> -> memref<1x32x64xf32, #tpu.memory_space<vmem>>
    %dma_wait3A_366 = tpu.memref_squeeze %dma_wait3A_365 : memref<1x32x64xf32, #tpu.memory_space<vmem>> -> memref<32x64xf32, #tpu.memory_space<vmem>>
    %dma_wait3A_367 = arith.constant 0 : i32
    %dma_wait3A_368 = tpu.memref_slice %arg5[%add3A_272, %dma_wait3A_367] : memref<4096x64xf32, #tpu.memory_space<hbm>> -> memref<32x64xf32, #tpu.memory_space<hbm>>
    %dma_wait3A_369 = arith.constant 0 : i32
    %dma_wait3A_370 = tpu.memref_slice %arg5[%add3A_272, %dma_wait3A_369] : memref<4096x64xf32, #tpu.memory_space<hbm>> -> memref<32x64xf32, #tpu.memory_space<hbm>>
    %dma_wait3A_371 = arith.constant 0 : i32
    %dma_wait3A_372 = arith.constant 0 : i32
    %dma_wait3A_373 = tpu.memref_slice %arg7[%dma_wait3A_362, %dma_wait3A_371, %dma_wait3A_372] : memref<2x32x64xf32, #tpu.memory_space<vmem>> -> memref<1x32x64xf32, #tpu.memory_space<vmem>>
    %dma_wait3A_374 = tpu.memref_squeeze %dma_wait3A_373 : memref<1x32x64xf32, #tpu.memory_space<vmem>> -> memref<32x64xf32, #tpu.memory_space<vmem>>
    tpu.wait_dma2 semaphore(%arg12 : memref<!tpu.dma_semaphore, #tpu.memory_space<semaphore_mem>>) src(%dma_wait3A_374 : memref<32x64xf32, #tpu.memory_space<vmem>>) dst(%dma_wait3A_370 : memref<32x64xf32, #tpu.memory_space<hbm>>)
    %parallel_loop3A_375 = arith.constant 0 : i32
    %parallel_loop3A_376 = arith.constant 32 : i32
    %parallel_loop3A_377 = arith.constant 1 : i32
    %parallel_loop3A_378 = arith.constant 0 : i32
    %parallel_loop3A_379 = arith.constant 0 : i32
    scf.for %parallel_loop3A_467 = %parallel_loop3A_375 to %parallel_loop3A_376 step %parallel_loop3A_377  : i32 {
      %parallel_loop3A_468 = arith.constant 0 : i32
      %parallel_loop3A_469 = arith.constant 0 : i32
      %parallel_loop3A_470 = tpu.memref_slice %arg6[%parallel_loop3A_378, %parallel_loop3A_468, %parallel_loop3A_469] : memref<2x32x256xf32, #tpu.memory_space<vmem>> -> memref<1x32x256xf32, #tpu.memory_space<vmem>>
      %parallel_loop3A_471 = tpu.memref_squeeze %parallel_loop3A_470 : memref<1x32x256xf32, #tpu.memory_space<vmem>> -> memref<32x256xf32, #tpu.memory_space<vmem>>
      %parallel_loop3A_472 = arith.constant 0 : i32
      %parallel_loop3A_473 = tpu.memref_slice %parallel_loop3A_471[%parallel_loop3A_467, %parallel_loop3A_472] : memref<32x256xf32, #tpu.memory_space<vmem>> -> memref<1x256xf32, #tpu.memory_space<vmem>>
      %parallel_loop3A_474 = tpu.memref_squeeze %parallel_loop3A_473 : memref<1x256xf32, #tpu.memory_space<vmem>> -> memref<256xf32, #tpu.memory_space<vmem>>
      %parallel_loop3A_475 = tpu.vector_load_idx %parallel_loop3A_474[%gather3A_44] : memref<256xf32, #tpu.memory_space<vmem>>[vector<16xi32>], vector<16xf32>,
      %parallel_loop3A_476 = arith.mulf %parallel_loop3A_475, %gather3A : vector<16xf32>
      %parallel_loop3A_477 = arith.constant 0 : i32
      %parallel_loop3A_478 = arith.constant 0 : i32
      %parallel_loop3A_479 = tpu.memref_slice %arg6[%parallel_loop3A_378, %parallel_loop3A_477, %parallel_loop3A_478] : memref<2x32x256xf32, #tpu.memory_space<vmem>> -> memref<1x32x256xf32, #tpu.memory_space<vmem>>
      %parallel_loop3A_480 = tpu.memref_squeeze %parallel_loop3A_479 : memref<1x32x256xf32, #tpu.memory_space<vmem>> -> memref<32x256xf32, #tpu.memory_space<vmem>>
      %parallel_loop3A_481 = arith.constant 0 : i32
      %parallel_loop3A_482 = tpu.memref_slice %parallel_loop3A_480[%parallel_loop3A_467, %parallel_loop3A_481] : memref<32x256xf32, #tpu.memory_space<vmem>> -> memref<1x256xf32, #tpu.memory_space<vmem>>
      %parallel_loop3A_483 = tpu.memref_squeeze %parallel_loop3A_482 : memref<1x256xf32, #tpu.memory_space<vmem>> -> memref<256xf32, #tpu.memory_space<vmem>>
      %parallel_loop3A_484 = tpu.vector_load_idx %parallel_loop3A_483[%gather3A_58] : memref<256xf32, #tpu.memory_space<vmem>>[vector<16xi32>], vector<16xf32>,
      %parallel_loop3A_485 = arith.mulf %parallel_loop3A_484, %gather3A_51 : vector<16xf32>
      %parallel_loop3A_486 = arith.constant 0 : i32
      %parallel_loop3A_487 = arith.constant 0 : i32
      %parallel_loop3A_488 = tpu.memref_slice %arg6[%parallel_loop3A_378, %parallel_loop3A_486, %parallel_loop3A_487] : memref<2x32x256xf32, #tpu.memory_space<vmem>> -> memref<1x32x256xf32, #tpu.memory_space<vmem>>
      %parallel_loop3A_489 = tpu.memref_squeeze %parallel_loop3A_488 : memref<1x32x256xf32, #tpu.memory_space<vmem>> -> memref<32x256xf32, #tpu.memory_space<vmem>>
      %parallel_loop3A_490 = arith.constant 0 : i32
      %parallel_loop3A_491 = tpu.memref_slice %parallel_loop3A_489[%parallel_loop3A_467, %parallel_loop3A_490] : memref<32x256xf32, #tpu.memory_space<vmem>> -> memref<1x256xf32, #tpu.memory_space<vmem>>
      %parallel_loop3A_492 = tpu.memref_squeeze %parallel_loop3A_491 : memref<1x256xf32, #tpu.memory_space<vmem>> -> memref<256xf32, #tpu.memory_space<vmem>>
      %parallel_loop3A_493 = tpu.vector_load_idx %parallel_loop3A_492[%gather3A_72] : memref<256xf32, #tpu.memory_space<vmem>>[vector<16xi32>], vector<16xf32>,
      %parallel_loop3A_494 = arith.mulf %parallel_loop3A_493, %gather3A_65 : vector<16xf32>
      %parallel_loop3A_495 = arith.constant 0 : i32
      %parallel_loop3A_496 = arith.constant 0 : i32
      %parallel_loop3A_497 = tpu.memref_slice %arg6[%parallel_loop3A_378, %parallel_loop3A_495, %parallel_loop3A_496] : memref<2x32x256xf32, #tpu.memory_space<vmem>> -> memref<1x32x256xf32, #tpu.memory_space<vmem>>
      %parallel_loop3A_498 = tpu.memref_squeeze %parallel_loop3A_497 : memref<1x32x256xf32, #tpu.memory_space<vmem>> -> memref<32x256xf32, #tpu.memory_space<vmem>>
      %parallel_loop3A_499 = arith.constant 0 : i32
      %parallel_loop3A_500 = tpu.memref_slice %parallel_loop3A_498[%parallel_loop3A_467, %parallel_loop3A_499] : memref<32x256xf32, #tpu.memory_space<vmem>> -> memref<1x256xf32, #tpu.memory_space<vmem>>
      %parallel_loop3A_501 = tpu.memref_squeeze %parallel_loop3A_500 : memref<1x256xf32, #tpu.memory_space<vmem>> -> memref<256xf32, #tpu.memory_space<vmem>>
      %parallel_loop3A_502 = tpu.vector_load_idx %parallel_loop3A_501[%gather3A_86] : memref<256xf32, #tpu.memory_space<vmem>>[vector<16xi32>], vector<16xf32>,
      %parallel_loop3A_503 = arith.mulf %parallel_loop3A_502, %gather3A_79 : vector<16xf32>
      %parallel_loop3A_504 = arith.addf %parallel_loop3A_476, %parallel_loop3A_485 : vector<16xf32>
      %parallel_loop3A_505 = arith.addf %parallel_loop3A_494, %parallel_loop3A_503 : vector<16xf32>
      %parallel_loop3A_506 = arith.addf %parallel_loop3A_504, %parallel_loop3A_505 : vector<16xf32>
      %parallel_loop3A_507 = arith.constant 0 : i32
      %parallel_loop3A_508 = arith.constant 0 : i32
      %parallel_loop3A_509 = tpu.memref_slice %arg7[%parallel_loop3A_379, %parallel_loop3A_507, %parallel_loop3A_508] : memref<2x32x64xf32, #tpu.memory_space<vmem>> -> memref<1x32x64xf32, #tpu.memory_space<vmem>>
      %parallel_loop3A_510 = tpu.memref_squeeze %parallel_loop3A_509 : memref<1x32x64xf32, #tpu.memory_space<vmem>> -> memref<32x64xf32, #tpu.memory_space<vmem>>
      %parallel_loop3A_511 = arith.index_cast %parallel_loop3A_467 : i32 to index
      %parallel_loop3A_512 = arith.constant 0 : index
      %parallel_loop3A_513 = tpu.vector_load %parallel_loop3A_510[%parallel_loop3A_511, %parallel_loop3A_512] {strides = array<i32>} : memref<32x64xf32, #tpu.memory_space<vmem>>, vector<16xf32>,
      tpu.vector_store %parallel_loop3A_510[%parallel_loop3A_511, %parallel_loop3A_512], %parallel_loop3A_506 {strides = array<i32>} : memref<32x64xf32, #tpu.memory_space<vmem>>, vector<16xf32>,
      %parallel_loop3A_514 = arith.constant 0 : i32
      %parallel_loop3A_515 = arith.constant 0 : i32
      %parallel_loop3A_516 = tpu.memref_slice %arg6[%parallel_loop3A_378, %parallel_loop3A_514, %parallel_loop3A_515] : memref<2x32x256xf32, #tpu.memory_space<vmem>> -> memref<1x32x256xf32, #tpu.memory_space<vmem>>
      %parallel_loop3A_517 = tpu.memref_squeeze %parallel_loop3A_516 : memref<1x32x256xf32, #tpu.memory_space<vmem>> -> memref<32x256xf32, #tpu.memory_space<vmem>>
      %parallel_loop3A_518 = arith.constant 0 : i32
      %parallel_loop3A_519 = tpu.memref_slice %parallel_loop3A_517[%parallel_loop3A_467, %parallel_loop3A_518] : memref<32x256xf32, #tpu.memory_space<vmem>> -> memref<1x256xf32, #tpu.memory_space<vmem>>
      %parallel_loop3A_520 = tpu.memref_squeeze %parallel_loop3A_519 : memref<1x256xf32, #tpu.memory_space<vmem>> -> memref<256xf32, #tpu.memory_space<vmem>>
      %parallel_loop3A_521 = tpu.vector_load_idx %parallel_loop3A_520[%gather3A_100] : memref<256xf32, #tpu.memory_space<vmem>>[vector<16xi32>], vector<16xf32>,
      %parallel_loop3A_522 = arith.mulf %parallel_loop3A_521, %gather3A_93 : vector<16xf32>
      %parallel_loop3A_523 = arith.constant 0 : i32
      %parallel_loop3A_524 = arith.constant 0 : i32
      %parallel_loop3A_525 = tpu.memref_slice %arg6[%parallel_loop3A_378, %parallel_loop3A_523, %parallel_loop3A_524] : memref<2x32x256xf32, #tpu.memory_space<vmem>> -> memref<1x32x256xf32, #tpu.memory_space<vmem>>
      %parallel_loop3A_526 = tpu.memref_squeeze %parallel_loop3A_525 : memref<1x32x256xf32, #tpu.memory_space<vmem>> -> memref<32x256xf32, #tpu.memory_space<vmem>>
      %parallel_loop3A_527 = arith.constant 0 : i32
      %parallel_loop3A_528 = tpu.memref_slice %parallel_loop3A_526[%parallel_loop3A_467, %parallel_loop3A_527] : memref<32x256xf32, #tpu.memory_space<vmem>> -> memref<1x256xf32, #tpu.memory_space<vmem>>
      %parallel_loop3A_529 = tpu.memref_squeeze %parallel_loop3A_528 : memref<1x256xf32, #tpu.memory_space<vmem>> -> memref<256xf32, #tpu.memory_space<vmem>>
      %parallel_loop3A_530 = tpu.vector_load_idx %parallel_loop3A_529[%gather3A_114] : memref<256xf32, #tpu.memory_space<vmem>>[vector<16xi32>], vector<16xf32>,
      %parallel_loop3A_531 = arith.mulf %parallel_loop3A_530, %gather3A_107 : vector<16xf32>
      %parallel_loop3A_532 = arith.constant 0 : i32
      %parallel_loop3A_533 = arith.constant 0 : i32
      %parallel_loop3A_534 = tpu.memref_slice %arg6[%parallel_loop3A_378, %parallel_loop3A_532, %parallel_loop3A_533] : memref<2x32x256xf32, #tpu.memory_space<vmem>> -> memref<1x32x256xf32, #tpu.memory_space<vmem>>
      %parallel_loop3A_535 = tpu.memref_squeeze %parallel_loop3A_534 : memref<1x32x256xf32, #tpu.memory_space<vmem>> -> memref<32x256xf32, #tpu.memory_space<vmem>>
      %parallel_loop3A_536 = arith.constant 0 : i32
      %parallel_loop3A_537 = tpu.memref_slice %parallel_loop3A_535[%parallel_loop3A_467, %parallel_loop3A_536] : memref<32x256xf32, #tpu.memory_space<vmem>> -> memref<1x256xf32, #tpu.memory_space<vmem>>
      %parallel_loop3A_538 = tpu.memref_squeeze %parallel_loop3A_537 : memref<1x256xf32, #tpu.memory_space<vmem>> -> memref<256xf32, #tpu.memory_space<vmem>>
      %parallel_loop3A_539 = tpu.vector_load_idx %parallel_loop3A_538[%gather3A_128] : memref<256xf32, #tpu.memory_space<vmem>>[vector<16xi32>], vector<16xf32>,
      %parallel_loop3A_540 = arith.mulf %parallel_loop3A_539, %gather3A_121 : vector<16xf32>
      %parallel_loop3A_541 = arith.constant 0 : i32
      %parallel_loop3A_542 = arith.constant 0 : i32
      %parallel_loop3A_543 = tpu.memref_slice %arg6[%parallel_loop3A_378, %parallel_loop3A_541, %parallel_loop3A_542] : memref<2x32x256xf32, #tpu.memory_space<vmem>> -> memref<1x32x256xf32, #tpu.memory_space<vmem>>
      %parallel_loop3A_544 = tpu.memref_squeeze %parallel_loop3A_543 : memref<1x32x256xf32, #tpu.memory_space<vmem>> -> memref<32x256xf32, #tpu.memory_space<vmem>>
      %parallel_loop3A_545 = arith.constant 0 : i32
      %parallel_loop3A_546 = tpu.memref_slice %parallel_loop3A_544[%parallel_loop3A_467, %parallel_loop3A_545] : memref<32x256xf32, #tpu.memory_space<vmem>> -> memref<1x256xf32, #tpu.memory_space<vmem>>
      %parallel_loop3A_547 = tpu.memref_squeeze %parallel_loop3A_546 : memref<1x256xf32, #tpu.memory_space<vmem>> -> memref<256xf32, #tpu.memory_space<vmem>>
      %parallel_loop3A_548 = tpu.vector_load_idx %parallel_loop3A_547[%gather3A_142] : memref<256xf32, #tpu.memory_space<vmem>>[vector<16xi32>], vector<16xf32>,
      %parallel_loop3A_549 = arith.mulf %parallel_loop3A_548, %gather3A_135 : vector<16xf32>
      %parallel_loop3A_550 = arith.addf %parallel_loop3A_522, %parallel_loop3A_531 : vector<16xf32>
      %parallel_loop3A_551 = arith.addf %parallel_loop3A_540, %parallel_loop3A_549 : vector<16xf32>
      %parallel_loop3A_552 = arith.addf %parallel_loop3A_550, %parallel_loop3A_551 : vector<16xf32>
      %parallel_loop3A_553 = arith.constant 0 : i32
      %parallel_loop3A_554 = arith.constant 0 : i32
      %parallel_loop3A_555 = tpu.memref_slice %arg7[%parallel_loop3A_379, %parallel_loop3A_553, %parallel_loop3A_554] : memref<2x32x64xf32, #tpu.memory_space<vmem>> -> memref<1x32x64xf32, #tpu.memory_space<vmem>>
      %parallel_loop3A_556 = tpu.memref_squeeze %parallel_loop3A_555 : memref<1x32x64xf32, #tpu.memory_space<vmem>> -> memref<32x64xf32, #tpu.memory_space<vmem>>
      %parallel_loop3A_557 = arith.index_cast %parallel_loop3A_467 : i32 to index
      %parallel_loop3A_558 = arith.constant 16 : index
      %parallel_loop3A_559 = tpu.vector_load %parallel_loop3A_556[%parallel_loop3A_557, %parallel_loop3A_558] {strides = array<i32>} : memref<32x64xf32, #tpu.memory_space<vmem>>, vector<16xf32>,
      tpu.vector_store %parallel_loop3A_556[%parallel_loop3A_557, %parallel_loop3A_558], %parallel_loop3A_552 {strides = array<i32>} : memref<32x64xf32, #tpu.memory_space<vmem>>, vector<16xf32>,
      %parallel_loop3A_560 = arith.constant 0 : i32
      %parallel_loop3A_561 = arith.constant 0 : i32
      %parallel_loop3A_562 = tpu.memref_slice %arg6[%parallel_loop3A_378, %parallel_loop3A_560, %parallel_loop3A_561] : memref<2x32x256xf32, #tpu.memory_space<vmem>> -> memref<1x32x256xf32, #tpu.memory_space<vmem>>
      %parallel_loop3A_563 = tpu.memref_squeeze %parallel_loop3A_562 : memref<1x32x256xf32, #tpu.memory_space<vmem>> -> memref<32x256xf32, #tpu.memory_space<vmem>>
      %parallel_loop3A_564 = arith.constant 0 : i32
      %parallel_loop3A_565 = tpu.memref_slice %parallel_loop3A_563[%parallel_loop3A_467, %parallel_loop3A_564] : memref<32x256xf32, #tpu.memory_space<vmem>> -> memref<1x256xf32, #tpu.memory_space<vmem>>
      %parallel_loop3A_566 = tpu.memref_squeeze %parallel_loop3A_565 : memref<1x256xf32, #tpu.memory_space<vmem>> -> memref<256xf32, #tpu.memory_space<vmem>>
      %parallel_loop3A_567 = tpu.vector_load_idx %parallel_loop3A_566[%gather3A_156] : memref<256xf32, #tpu.memory_space<vmem>>[vector<16xi32>], vector<16xf32>,
      %parallel_loop3A_568 = arith.mulf %parallel_loop3A_567, %gather3A_149 : vector<16xf32>
      %parallel_loop3A_569 = arith.constant 0 : i32
      %parallel_loop3A_570 = arith.constant 0 : i32
      %parallel_loop3A_571 = tpu.memref_slice %arg6[%parallel_loop3A_378, %parallel_loop3A_569, %parallel_loop3A_570] : memref<2x32x256xf32, #tpu.memory_space<vmem>> -> memref<1x32x256xf32, #tpu.memory_space<vmem>>
      %parallel_loop3A_572 = tpu.memref_squeeze %parallel_loop3A_571 : memref<1x32x256xf32, #tpu.memory_space<vmem>> -> memref<32x256xf32, #tpu.memory_space<vmem>>
      %parallel_loop3A_573 = arith.constant 0 : i32
      %parallel_loop3A_574 = tpu.memref_slice %parallel_loop3A_572[%parallel_loop3A_467, %parallel_loop3A_573] : memref<32x256xf32, #tpu.memory_space<vmem>> -> memref<1x256xf32, #tpu.memory_space<vmem>>
      %parallel_loop3A_575 = tpu.memref_squeeze %parallel_loop3A_574 : memref<1x256xf32, #tpu.memory_space<vmem>> -> memref<256xf32, #tpu.memory_space<vmem>>
      %parallel_loop3A_576 = tpu.vector_load_idx %parallel_loop3A_575[%gather3A_170] : memref<256xf32, #tpu.memory_space<vmem>>[vector<16xi32>], vector<16xf32>,
      %parallel_loop3A_577 = arith.mulf %parallel_loop3A_576, %gather3A_163 : vector<16xf32>
      %parallel_loop3A_578 = arith.constant 0 : i32
      %parallel_loop3A_579 = arith.constant 0 : i32
      %parallel_loop3A_580 = tpu.memref_slice %arg6[%parallel_loop3A_378, %parallel_loop3A_578, %parallel_loop3A_579] : memref<2x32x256xf32, #tpu.memory_space<vmem>> -> memref<1x32x256xf32, #tpu.memory_space<vmem>>
      %parallel_loop3A_581 = tpu.memref_squeeze %parallel_loop3A_580 : memref<1x32x256xf32, #tpu.memory_space<vmem>> -> memref<32x256xf32, #tpu.memory_space<vmem>>
      %parallel_loop3A_582 = arith.constant 0 : i32
      %parallel_loop3A_583 = tpu.memref_slice %parallel_loop3A_581[%parallel_loop3A_467, %parallel_loop3A_582] : memref<32x256xf32, #tpu.memory_space<vmem>> -> memref<1x256xf32, #tpu.memory_space<vmem>>
      %parallel_loop3A_584 = tpu.memref_squeeze %parallel_loop3A_583 : memref<1x256xf32, #tpu.memory_space<vmem>> -> memref<256xf32, #tpu.memory_space<vmem>>
      %parallel_loop3A_585 = tpu.vector_load_idx %parallel_loop3A_584[%gather3A_184] : memref<256xf32, #tpu.memory_space<vmem>>[vector<16xi32>], vector<16xf32>,
      %parallel_loop3A_586 = arith.mulf %parallel_loop3A_585, %gather3A_177 : vector<16xf32>
      %parallel_loop3A_587 = arith.constant 0 : i32
      %parallel_loop3A_588 = arith.constant 0 : i32
      %parallel_loop3A_589 = tpu.memref_slice %arg6[%parallel_loop3A_378, %parallel_loop3A_587, %parallel_loop3A_588] : memref<2x32x256xf32, #tpu.memory_space<vmem>> -> memref<1x32x256xf32, #tpu.memory_space<vmem>>
      %parallel_loop3A_590 = tpu.memref_squeeze %parallel_loop3A_589 : memref<1x32x256xf32, #tpu.memory_space<vmem>> -> memref<32x256xf32, #tpu.memory_space<vmem>>
      %parallel_loop3A_591 = arith.constant 0 : i32
      %parallel_loop3A_592 = tpu.memref_slice %parallel_loop3A_590[%parallel_loop3A_467, %parallel_loop3A_591] : memref<32x256xf32, #tpu.memory_space<vmem>> -> memref<1x256xf32, #tpu.memory_space<vmem>>
      %parallel_loop3A_593 = tpu.memref_squeeze %parallel_loop3A_592 : memref<1x256xf32, #tpu.memory_space<vmem>> -> memref<256xf32, #tpu.memory_space<vmem>>
      %parallel_loop3A_594 = tpu.vector_load_idx %parallel_loop3A_593[%gather3A_198] : memref<256xf32, #tpu.memory_space<vmem>>[vector<16xi32>], vector<16xf32>,
      %parallel_loop3A_595 = arith.mulf %parallel_loop3A_594, %gather3A_191 : vector<16xf32>
      %parallel_loop3A_596 = arith.addf %parallel_loop3A_568, %parallel_loop3A_577 : vector<16xf32>
      %parallel_loop3A_597 = arith.addf %parallel_loop3A_586, %parallel_loop3A_595 : vector<16xf32>
      %parallel_loop3A_598 = arith.addf %parallel_loop3A_596, %parallel_loop3A_597 : vector<16xf32>
      %parallel_loop3A_599 = arith.constant 0 : i32
      %parallel_loop3A_600 = arith.constant 0 : i32
      %parallel_loop3A_601 = tpu.memref_slice %arg7[%parallel_loop3A_379, %parallel_loop3A_599, %parallel_loop3A_600] : memref<2x32x64xf32, #tpu.memory_space<vmem>> -> memref<1x32x64xf32, #tpu.memory_space<vmem>>
      %parallel_loop3A_602 = tpu.memref_squeeze %parallel_loop3A_601 : memref<1x32x64xf32, #tpu.memory_space<vmem>> -> memref<32x64xf32, #tpu.memory_space<vmem>>
      %parallel_loop3A_603 = arith.index_cast %parallel_loop3A_467 : i32 to index
      %parallel_loop3A_604 = arith.constant 32 : index
      %parallel_loop3A_605 = tpu.vector_load %parallel_loop3A_602[%parallel_loop3A_603, %parallel_loop3A_604] {strides = array<i32>} : memref<32x64xf32, #tpu.memory_space<vmem>>, vector<16xf32>,
      tpu.vector_store %parallel_loop3A_602[%parallel_loop3A_603, %parallel_loop3A_604], %parallel_loop3A_598 {strides = array<i32>} : memref<32x64xf32, #tpu.memory_space<vmem>>, vector<16xf32>,
      %parallel_loop3A_606 = arith.constant 0 : i32
      %parallel_loop3A_607 = arith.constant 0 : i32
      %parallel_loop3A_608 = tpu.memref_slice %arg6[%parallel_loop3A_378, %parallel_loop3A_606, %parallel_loop3A_607] : memref<2x32x256xf32, #tpu.memory_space<vmem>> -> memref<1x32x256xf32, #tpu.memory_space<vmem>>
      %parallel_loop3A_609 = tpu.memref_squeeze %parallel_loop3A_608 : memref<1x32x256xf32, #tpu.memory_space<vmem>> -> memref<32x256xf32, #tpu.memory_space<vmem>>
      %parallel_loop3A_610 = arith.constant 0 : i32
      %parallel_loop3A_611 = tpu.memref_slice %parallel_loop3A_609[%parallel_loop3A_467, %parallel_loop3A_610] : memref<32x256xf32, #tpu.memory_space<vmem>> -> memref<1x256xf32, #tpu.memory_space<vmem>>
      %parallel_loop3A_612 = tpu.memref_squeeze %parallel_loop3A_611 : memref<1x256xf32, #tpu.memory_space<vmem>> -> memref<256xf32, #tpu.memory_space<vmem>>
      %parallel_loop3A_613 = tpu.vector_load_idx %parallel_loop3A_612[%gather3A_212] : memref<256xf32, #tpu.memory_space<vmem>>[vector<16xi32>], vector<16xf32>,
      %parallel_loop3A_614 = arith.mulf %parallel_loop3A_613, %gather3A_205 : vector<16xf32>
      %parallel_loop3A_615 = arith.constant 0 : i32
      %parallel_loop3A_616 = arith.constant 0 : i32
      %parallel_loop3A_617 = tpu.memref_slice %arg6[%parallel_loop3A_378, %parallel_loop3A_615, %parallel_loop3A_616] : memref<2x32x256xf32, #tpu.memory_space<vmem>> -> memref<1x32x256xf32, #tpu.memory_space<vmem>>
      %parallel_loop3A_618 = tpu.memref_squeeze %parallel_loop3A_617 : memref<1x32x256xf32, #tpu.memory_space<vmem>> -> memref<32x256xf32, #tpu.memory_space<vmem>>
      %parallel_loop3A_619 = arith.constant 0 : i32
      %parallel_loop3A_620 = tpu.memref_slice %parallel_loop3A_618[%parallel_loop3A_467, %parallel_loop3A_619] : memref<32x256xf32, #tpu.memory_space<vmem>> -> memref<1x256xf32, #tpu.memory_space<vmem>>
      %parallel_loop3A_621 = tpu.memref_squeeze %parallel_loop3A_620 : memref<1x256xf32, #tpu.memory_space<vmem>> -> memref<256xf32, #tpu.memory_space<vmem>>
      %parallel_loop3A_622 = tpu.vector_load_idx %parallel_loop3A_621[%gather3A_226] : memref<256xf32, #tpu.memory_space<vmem>>[vector<16xi32>], vector<16xf32>,
      %parallel_loop3A_623 = arith.mulf %parallel_loop3A_622, %gather3A_219 : vector<16xf32>
      %parallel_loop3A_624 = arith.constant 0 : i32
      %parallel_loop3A_625 = arith.constant 0 : i32
      %parallel_loop3A_626 = tpu.memref_slice %arg6[%parallel_loop3A_378, %parallel_loop3A_624, %parallel_loop3A_625] : memref<2x32x256xf32, #tpu.memory_space<vmem>> -> memref<1x32x256xf32, #tpu.memory_space<vmem>>
      %parallel_loop3A_627 = tpu.memref_squeeze %parallel_loop3A_626 : memref<1x32x256xf32, #tpu.memory_space<vmem>> -> memref<32x256xf32, #tpu.memory_space<vmem>>
      %parallel_loop3A_628 = arith.constant 0 : i32
      %parallel_loop3A_629 = tpu.memref_slice %parallel_loop3A_627[%parallel_loop3A_467, %parallel_loop3A_628] : memref<32x256xf32, #tpu.memory_space<vmem>> -> memref<1x256xf32, #tpu.memory_space<vmem>>
      %parallel_loop3A_630 = tpu.memref_squeeze %parallel_loop3A_629 : memref<1x256xf32, #tpu.memory_space<vmem>> -> memref<256xf32, #tpu.memory_space<vmem>>
      %parallel_loop3A_631 = tpu.vector_load_idx %parallel_loop3A_630[%gather3A_240] : memref<256xf32, #tpu.memory_space<vmem>>[vector<16xi32>], vector<16xf32>,
      %parallel_loop3A_632 = arith.mulf %parallel_loop3A_631, %gather3A_233 : vector<16xf32>
      %parallel_loop3A_633 = arith.constant 0 : i32
      %parallel_loop3A_634 = arith.constant 0 : i32
      %parallel_loop3A_635 = tpu.memref_slice %arg6[%parallel_loop3A_378, %parallel_loop3A_633, %parallel_loop3A_634] : memref<2x32x256xf32, #tpu.memory_space<vmem>> -> memref<1x32x256xf32, #tpu.memory_space<vmem>>
      %parallel_loop3A_636 = tpu.memref_squeeze %parallel_loop3A_635 : memref<1x32x256xf32, #tpu.memory_space<vmem>> -> memref<32x256xf32, #tpu.memory_space<vmem>>
      %parallel_loop3A_637 = arith.constant 0 : i32
      %parallel_loop3A_638 = tpu.memref_slice %parallel_loop3A_636[%parallel_loop3A_467, %parallel_loop3A_637] : memref<32x256xf32, #tpu.memory_space<vmem>> -> memref<1x256xf32, #tpu.memory_space<vmem>>
      %parallel_loop3A_639 = tpu.memref_squeeze %parallel_loop3A_638 : memref<1x256xf32, #tpu.memory_space<vmem>> -> memref<256xf32, #tpu.memory_space<vmem>>
      %parallel_loop3A_640 = tpu.vector_load_idx %parallel_loop3A_639[%gather3A_254] : memref<256xf32, #tpu.memory_space<vmem>>[vector<16xi32>], vector<16xf32>,
      %parallel_loop3A_641 = arith.mulf %parallel_loop3A_640, %gather3A_247 : vector<16xf32>
      %parallel_loop3A_642 = arith.addf %parallel_loop3A_614, %parallel_loop3A_623 : vector<16xf32>
      %parallel_loop3A_643 = arith.addf %parallel_loop3A_632, %parallel_loop3A_641 : vector<16xf32>
      %parallel_loop3A_644 = arith.addf %parallel_loop3A_642, %parallel_loop3A_643 : vector<16xf32>
      %parallel_loop3A_645 = arith.constant 0 : i32
      %parallel_loop3A_646 = arith.constant 0 : i32
      %parallel_loop3A_647 = tpu.memref_slice %arg7[%parallel_loop3A_379, %parallel_loop3A_645, %parallel_loop3A_646] : memref<2x32x64xf32, #tpu.memory_space<vmem>> -> memref<1x32x64xf32, #tpu.memory_space<vmem>>
      %parallel_loop3A_648 = tpu.memref_squeeze %parallel_loop3A_647 : memref<1x32x64xf32, #tpu.memory_space<vmem>> -> memref<32x64xf32, #tpu.memory_space<vmem>>
      %parallel_loop3A_649 = arith.index_cast %parallel_loop3A_467 : i32 to index
      %parallel_loop3A_650 = arith.constant 48 : index
      %parallel_loop3A_651 = tpu.vector_load %parallel_loop3A_648[%parallel_loop3A_649, %parallel_loop3A_650] {strides = array<i32>} : memref<32x64xf32, #tpu.memory_space<vmem>>, vector<16xf32>,
      tpu.vector_store %parallel_loop3A_648[%parallel_loop3A_649, %parallel_loop3A_650], %parallel_loop3A_644 {strides = array<i32>} : memref<32x64xf32, #tpu.memory_space<vmem>>, vector<16xf32>,
    } {sc.loop_unroll_factor = 2 : i64, sc.parallel_access}
    %add3A_380 = arith.constant 64 : i32
    %add3A_381 = arith.addi %mul3A_2, %add3A_380 : i32
    %dma_start3A_382 = arith.constant 0 : i32
    %dma_start3A_383 = arith.constant 0 : i32
    %dma_start3A_384 = arith.constant 0 : i32
    %dma_start3A_385 = tpu.memref_slice %arg7[%dma_start3A_382, %dma_start3A_383, %dma_start3A_384] : memref<2x32x64xf32, #tpu.memory_space<vmem>> -> memref<1x32x64xf32, #tpu.memory_space<vmem>>
    %dma_start3A_386 = tpu.memref_squeeze %dma_start3A_385 : memref<1x32x64xf32, #tpu.memory_space<vmem>> -> memref<32x64xf32, #tpu.memory_space<vmem>>
    %dma_start3A_387 = arith.constant 0 : i32
    %dma_start3A_388 = tpu.memref_slice %arg5[%add3A_381, %dma_start3A_387] : memref<4096x64xf32, #tpu.memory_space<hbm>> -> memref<32x64xf32, #tpu.memory_space<hbm>>
    %dma_start3A_389 = arith.constant 0 : i32
    %dma_start3A_390 = tpu.memref_slice %arg5[%add3A_381, %dma_start3A_389] : memref<4096x64xf32, #tpu.memory_space<hbm>> -> memref<32x64xf32, #tpu.memory_space<hbm>>
    %dma_start3A_391 = arith.constant 0 : i32
    %dma_start3A_392 = arith.constant 0 : i32
    %dma_start3A_393 = tpu.memref_slice %arg7[%dma_start3A_382, %dma_start3A_391, %dma_start3A_392] : memref<2x32x64xf32, #tpu.memory_space<vmem>> -> memref<1x32x64xf32, #tpu.memory_space<vmem>>
    %dma_start3A_394 = tpu.memref_squeeze %dma_start3A_393 : memref<1x32x64xf32, #tpu.memory_space<vmem>> -> memref<32x64xf32, #tpu.memory_space<vmem>>
    tpu.enqueue_dma source(%dma_start3A_394 : memref<32x64xf32, #tpu.memory_space<vmem>>) target(%dma_start3A_390 : memref<32x64xf32, #tpu.memory_space<hbm>>) target_semaphore(%arg12 : memref<!tpu.dma_semaphore, #tpu.memory_space<semaphore_mem>>)
    %dma_wait3A_395 = arith.constant 1 : i32
    %dma_wait3A_396 = arith.constant 0 : i32
    %dma_wait3A_397 = arith.constant 0 : i32
    %dma_wait3A_398 = tpu.memref_slice %arg6[%dma_wait3A_395, %dma_wait3A_396, %dma_wait3A_397] : memref<2x32x256xf32, #tpu.memory_space<vmem>> -> memref<1x32x256xf32, #tpu.memory_space<vmem>>
    %dma_wait3A_399 = tpu.memref_squeeze %dma_wait3A_398 : memref<1x32x256xf32, #tpu.memory_space<vmem>> -> memref<32x256xf32, #tpu.memory_space<vmem>>
    %dma_wait3A_400 = arith.constant 0 : i32
    %dma_wait3A_401 = tpu.memref_slice %arg2[%add3A_335, %dma_wait3A_400] : memref<4096x256xf32, #tpu.memory_space<hbm>> -> memref<32x256xf32, #tpu.memory_space<hbm>>
    %dma_wait3A_402 = arith.constant 0 : i32
    %dma_wait3A_403 = arith.constant 0 : i32
    %dma_wait3A_404 = tpu.memref_slice %arg6[%dma_wait3A_395, %dma_wait3A_402, %dma_wait3A_403] : memref<2x32x256xf32, #tpu.memory_space<vmem>> -> memref<1x32x256xf32, #tpu.memory_space<vmem>>
    %dma_wait3A_405 = tpu.memref_squeeze %dma_wait3A_404 : memref<1x32x256xf32, #tpu.memory_space<vmem>> -> memref<32x256xf32, #tpu.memory_space<vmem>>
    %dma_wait3A_406 = arith.constant 0 : i32
    %dma_wait3A_407 = tpu.memref_slice %arg2[%add3A_335, %dma_wait3A_406] : memref<4096x256xf32, #tpu.memory_space<hbm>> -> memref<32x256xf32, #tpu.memory_space<hbm>>
    tpu.wait_dma2 semaphore(%arg11 : memref<!tpu.dma_semaphore, #tpu.memory_space<semaphore_mem>>) src(%dma_wait3A_407 : memref<32x256xf32, #tpu.memory_space<hbm>>) dst(%dma_wait3A_405 : memref<32x256xf32, #tpu.memory_space<vmem>>)
    %dma_wait3A_408 = arith.constant 1 : i32
    %dma_wait3A_409 = arith.constant 0 : i32
    %dma_wait3A_410 = arith.constant 0 : i32
    %dma_wait3A_411 = tpu.memref_slice %arg7[%dma_wait3A_408, %dma_wait3A_409, %dma_wait3A_410] : memref<2x32x64xf32, #tpu.memory_space<vmem>> -> memref<1x32x64xf32, #tpu.memory_space<vmem>>
    %dma_wait3A_412 = tpu.memref_squeeze %dma_wait3A_411 : memref<1x32x64xf32, #tpu.memory_space<vmem>> -> memref<32x64xf32, #tpu.memory_space<vmem>>
    %dma_wait3A_413 = arith.constant 0 : i32
    %dma_wait3A_414 = tpu.memref_slice %arg5[%add3A_320, %dma_wait3A_413] : memref<4096x64xf32, #tpu.memory_space<hbm>> -> memref<32x64xf32, #tpu.memory_space<hbm>>
    %dma_wait3A_415 = arith.constant 0 : i32
    %dma_wait3A_416 = tpu.memref_slice %arg5[%add3A_320, %dma_wait3A_415] : memref<4096x64xf32, #tpu.memory_space<hbm>> -> memref<32x64xf32, #tpu.memory_space<hbm>>
    %dma_wait3A_417 = arith.constant 0 : i32
    %dma_wait3A_418 = arith.constant 0 : i32
    %dma_wait3A_419 = tpu.memref_slice %arg7[%dma_wait3A_408, %dma_wait3A_417, %dma_wait3A_418] : memref<2x32x64xf32, #tpu.memory_space<vmem>> -> memref<1x32x64xf32, #tpu.memory_space<vmem>>
    %dma_wait3A_420 = tpu.memref_squeeze %dma_wait3A_419 : memref<1x32x64xf32, #tpu.memory_space<vmem>> -> memref<32x64xf32, #tpu.memory_space<vmem>>
    tpu.wait_dma2 semaphore(%arg13 : memref<!tpu.dma_semaphore, #tpu.memory_space<semaphore_mem>>) src(%dma_wait3A_420 : memref<32x64xf32, #tpu.memory_space<vmem>>) dst(%dma_wait3A_416 : memref<32x64xf32, #tpu.memory_space<hbm>>)
    %parallel_loop3A_421 = arith.constant 0 : i32
    %parallel_loop3A_422 = arith.constant 32 : i32
    %parallel_loop3A_423 = arith.constant 1 : i32
    %parallel_loop3A_424 = arith.constant 1 : i32
    %parallel_loop3A_425 = arith.constant 1 : i32
    scf.for %parallel_loop3A_467 = %parallel_loop3A_421 to %parallel_loop3A_422 step %parallel_loop3A_423  : i32 {
      %parallel_loop3A_468 = arith.constant 0 : i32
      %parallel_loop3A_469 = arith.constant 0 : i32
      %parallel_loop3A_470 = tpu.memref_slice %arg6[%parallel_loop3A_424, %parallel_loop3A_468, %parallel_loop3A_469] : memref<2x32x256xf32, #tpu.memory_space<vmem>> -> memref<1x32x256xf32, #tpu.memory_space<vmem>>
      %parallel_loop3A_471 = tpu.memref_squeeze %parallel_loop3A_470 : memref<1x32x256xf32, #tpu.memory_space<vmem>> -> memref<32x256xf32, #tpu.memory_space<vmem>>
      %parallel_loop3A_472 = arith.constant 0 : i32
      %parallel_loop3A_473 = tpu.memref_slice %parallel_loop3A_471[%parallel_loop3A_467, %parallel_loop3A_472] : memref<32x256xf32, #tpu.memory_space<vmem>> -> memref<1x256xf32, #tpu.memory_space<vmem>>
      %parallel_loop3A_474 = tpu.memref_squeeze %parallel_loop3A_473 : memref<1x256xf32, #tpu.memory_space<vmem>> -> memref<256xf32, #tpu.memory_space<vmem>>
      %parallel_loop3A_475 = tpu.vector_load_idx %parallel_loop3A_474[%gather3A_44] : memref<256xf32, #tpu.memory_space<vmem>>[vector<16xi32>], vector<16xf32>,
      %parallel_loop3A_476 = arith.mulf %parallel_loop3A_475, %gather3A : vector<16xf32>
      %parallel_loop3A_477 = arith.constant 0 : i32
      %parallel_loop3A_478 = arith.constant 0 : i32
      %parallel_loop3A_479 = tpu.memref_slice %arg6[%parallel_loop3A_424, %parallel_loop3A_477, %parallel_loop3A_478] : memref<2x32x256xf32, #tpu.memory_space<vmem>> -> memref<1x32x256xf32, #tpu.memory_space<vmem>>
      %parallel_loop3A_480 = tpu.memref_squeeze %parallel_loop3A_479 : memref<1x32x256xf32, #tpu.memory_space<vmem>> -> memref<32x256xf32, #tpu.memory_space<vmem>>
      %parallel_loop3A_481 = arith.constant 0 : i32
      %parallel_loop3A_482 = tpu.memref_slice %parallel_loop3A_480[%parallel_loop3A_467, %parallel_loop3A_481] : memref<32x256xf32, #tpu.memory_space<vmem>> -> memref<1x256xf32, #tpu.memory_space<vmem>>
      %parallel_loop3A_483 = tpu.memref_squeeze %parallel_loop3A_482 : memref<1x256xf32, #tpu.memory_space<vmem>> -> memref<256xf32, #tpu.memory_space<vmem>>
      %parallel_loop3A_484 = tpu.vector_load_idx %parallel_loop3A_483[%gather3A_58] : memref<256xf32, #tpu.memory_space<vmem>>[vector<16xi32>], vector<16xf32>,
      %parallel_loop3A_485 = arith.mulf %parallel_loop3A_484, %gather3A_51 : vector<16xf32>
      %parallel_loop3A_486 = arith.constant 0 : i32
      %parallel_loop3A_487 = arith.constant 0 : i32
      %parallel_loop3A_488 = tpu.memref_slice %arg6[%parallel_loop3A_424, %parallel_loop3A_486, %parallel_loop3A_487] : memref<2x32x256xf32, #tpu.memory_space<vmem>> -> memref<1x32x256xf32, #tpu.memory_space<vmem>>
      %parallel_loop3A_489 = tpu.memref_squeeze %parallel_loop3A_488 : memref<1x32x256xf32, #tpu.memory_space<vmem>> -> memref<32x256xf32, #tpu.memory_space<vmem>>
      %parallel_loop3A_490 = arith.constant 0 : i32
      %parallel_loop3A_491 = tpu.memref_slice %parallel_loop3A_489[%parallel_loop3A_467, %parallel_loop3A_490] : memref<32x256xf32, #tpu.memory_space<vmem>> -> memref<1x256xf32, #tpu.memory_space<vmem>>
      %parallel_loop3A_492 = tpu.memref_squeeze %parallel_loop3A_491 : memref<1x256xf32, #tpu.memory_space<vmem>> -> memref<256xf32, #tpu.memory_space<vmem>>
      %parallel_loop3A_493 = tpu.vector_load_idx %parallel_loop3A_492[%gather3A_72] : memref<256xf32, #tpu.memory_space<vmem>>[vector<16xi32>], vector<16xf32>,
      %parallel_loop3A_494 = arith.mulf %parallel_loop3A_493, %gather3A_65 : vector<16xf32>
      %parallel_loop3A_495 = arith.constant 0 : i32
      %parallel_loop3A_496 = arith.constant 0 : i32
      %parallel_loop3A_497 = tpu.memref_slice %arg6[%parallel_loop3A_424, %parallel_loop3A_495, %parallel_loop3A_496] : memref<2x32x256xf32, #tpu.memory_space<vmem>> -> memref<1x32x256xf32, #tpu.memory_space<vmem>>
      %parallel_loop3A_498 = tpu.memref_squeeze %parallel_loop3A_497 : memref<1x32x256xf32, #tpu.memory_space<vmem>> -> memref<32x256xf32, #tpu.memory_space<vmem>>
      %parallel_loop3A_499 = arith.constant 0 : i32
      %parallel_loop3A_500 = tpu.memref_slice %parallel_loop3A_498[%parallel_loop3A_467, %parallel_loop3A_499] : memref<32x256xf32, #tpu.memory_space<vmem>> -> memref<1x256xf32, #tpu.memory_space<vmem>>
      %parallel_loop3A_501 = tpu.memref_squeeze %parallel_loop3A_500 : memref<1x256xf32, #tpu.memory_space<vmem>> -> memref<256xf32, #tpu.memory_space<vmem>>
      %parallel_loop3A_502 = tpu.vector_load_idx %parallel_loop3A_501[%gather3A_86] : memref<256xf32, #tpu.memory_space<vmem>>[vector<16xi32>], vector<16xf32>,
      %parallel_loop3A_503 = arith.mulf %parallel_loop3A_502, %gather3A_79 : vector<16xf32>
      %parallel_loop3A_504 = arith.addf %parallel_loop3A_476, %parallel_loop3A_485 : vector<16xf32>
      %parallel_loop3A_505 = arith.addf %parallel_loop3A_494, %parallel_loop3A_503 : vector<16xf32>
      %parallel_loop3A_506 = arith.addf %parallel_loop3A_504, %parallel_loop3A_505 : vector<16xf32>
      %parallel_loop3A_507 = arith.constant 0 : i32
      %parallel_loop3A_508 = arith.constant 0 : i32
      %parallel_loop3A_509 = tpu.memref_slice %arg7[%parallel_loop3A_425, %parallel_loop3A_507, %parallel_loop3A_508] : memref<2x32x64xf32, #tpu.memory_space<vmem>> -> memref<1x32x64xf32, #tpu.memory_space<vmem>>
      %parallel_loop3A_510 = tpu.memref_squeeze %parallel_loop3A_509 : memref<1x32x64xf32, #tpu.memory_space<vmem>> -> memref<32x64xf32, #tpu.memory_space<vmem>>
      %parallel_loop3A_511 = arith.index_cast %parallel_loop3A_467 : i32 to index
      %parallel_loop3A_512 = arith.constant 0 : index
      %parallel_loop3A_513 = tpu.vector_load %parallel_loop3A_510[%parallel_loop3A_511, %parallel_loop3A_512] {strides = array<i32>} : memref<32x64xf32, #tpu.memory_space<vmem>>, vector<16xf32>,
      tpu.vector_store %parallel_loop3A_510[%parallel_loop3A_511, %parallel_loop3A_512], %parallel_loop3A_506 {strides = array<i32>} : memref<32x64xf32, #tpu.memory_space<vmem>>, vector<16xf32>,
      %parallel_loop3A_514 = arith.constant 0 : i32
      %parallel_loop3A_515 = arith.constant 0 : i32
      %parallel_loop3A_516 = tpu.memref_slice %arg6[%parallel_loop3A_424, %parallel_loop3A_514, %parallel_loop3A_515] : memref<2x32x256xf32, #tpu.memory_space<vmem>> -> memref<1x32x256xf32, #tpu.memory_space<vmem>>
      %parallel_loop3A_517 = tpu.memref_squeeze %parallel_loop3A_516 : memref<1x32x256xf32, #tpu.memory_space<vmem>> -> memref<32x256xf32, #tpu.memory_space<vmem>>
      %parallel_loop3A_518 = arith.constant 0 : i32
      %parallel_loop3A_519 = tpu.memref_slice %parallel_loop3A_517[%parallel_loop3A_467, %parallel_loop3A_518] : memref<32x256xf32, #tpu.memory_space<vmem>> -> memref<1x256xf32, #tpu.memory_space<vmem>>
      %parallel_loop3A_520 = tpu.memref_squeeze %parallel_loop3A_519 : memref<1x256xf32, #tpu.memory_space<vmem>> -> memref<256xf32, #tpu.memory_space<vmem>>
      %parallel_loop3A_521 = tpu.vector_load_idx %parallel_loop3A_520[%gather3A_100] : memref<256xf32, #tpu.memory_space<vmem>>[vector<16xi32>], vector<16xf32>,
      %parallel_loop3A_522 = arith.mulf %parallel_loop3A_521, %gather3A_93 : vector<16xf32>
      %parallel_loop3A_523 = arith.constant 0 : i32
      %parallel_loop3A_524 = arith.constant 0 : i32
      %parallel_loop3A_525 = tpu.memref_slice %arg6[%parallel_loop3A_424, %parallel_loop3A_523, %parallel_loop3A_524] : memref<2x32x256xf32, #tpu.memory_space<vmem>> -> memref<1x32x256xf32, #tpu.memory_space<vmem>>
      %parallel_loop3A_526 = tpu.memref_squeeze %parallel_loop3A_525 : memref<1x32x256xf32, #tpu.memory_space<vmem>> -> memref<32x256xf32, #tpu.memory_space<vmem>>
      %parallel_loop3A_527 = arith.constant 0 : i32
      %parallel_loop3A_528 = tpu.memref_slice %parallel_loop3A_526[%parallel_loop3A_467, %parallel_loop3A_527] : memref<32x256xf32, #tpu.memory_space<vmem>> -> memref<1x256xf32, #tpu.memory_space<vmem>>
      %parallel_loop3A_529 = tpu.memref_squeeze %parallel_loop3A_528 : memref<1x256xf32, #tpu.memory_space<vmem>> -> memref<256xf32, #tpu.memory_space<vmem>>
      %parallel_loop3A_530 = tpu.vector_load_idx %parallel_loop3A_529[%gather3A_114] : memref<256xf32, #tpu.memory_space<vmem>>[vector<16xi32>], vector<16xf32>,
      %parallel_loop3A_531 = arith.mulf %parallel_loop3A_530, %gather3A_107 : vector<16xf32>
      %parallel_loop3A_532 = arith.constant 0 : i32
      %parallel_loop3A_533 = arith.constant 0 : i32
      %parallel_loop3A_534 = tpu.memref_slice %arg6[%parallel_loop3A_424, %parallel_loop3A_532, %parallel_loop3A_533] : memref<2x32x256xf32, #tpu.memory_space<vmem>> -> memref<1x32x256xf32, #tpu.memory_space<vmem>>
      %parallel_loop3A_535 = tpu.memref_squeeze %parallel_loop3A_534 : memref<1x32x256xf32, #tpu.memory_space<vmem>> -> memref<32x256xf32, #tpu.memory_space<vmem>>
      %parallel_loop3A_536 = arith.constant 0 : i32
      %parallel_loop3A_537 = tpu.memref_slice %parallel_loop3A_535[%parallel_loop3A_467, %parallel_loop3A_536] : memref<32x256xf32, #tpu.memory_space<vmem>> -> memref<1x256xf32, #tpu.memory_space<vmem>>
      %parallel_loop3A_538 = tpu.memref_squeeze %parallel_loop3A_537 : memref<1x256xf32, #tpu.memory_space<vmem>> -> memref<256xf32, #tpu.memory_space<vmem>>
      %parallel_loop3A_539 = tpu.vector_load_idx %parallel_loop3A_538[%gather3A_128] : memref<256xf32, #tpu.memory_space<vmem>>[vector<16xi32>], vector<16xf32>,
      %parallel_loop3A_540 = arith.mulf %parallel_loop3A_539, %gather3A_121 : vector<16xf32>
      %parallel_loop3A_541 = arith.constant 0 : i32
      %parallel_loop3A_542 = arith.constant 0 : i32
      %parallel_loop3A_543 = tpu.memref_slice %arg6[%parallel_loop3A_424, %parallel_loop3A_541, %parallel_loop3A_542] : memref<2x32x256xf32, #tpu.memory_space<vmem>> -> memref<1x32x256xf32, #tpu.memory_space<vmem>>
      %parallel_loop3A_544 = tpu.memref_squeeze %parallel_loop3A_543 : memref<1x32x256xf32, #tpu.memory_space<vmem>> -> memref<32x256xf32, #tpu.memory_space<vmem>>
      %parallel_loop3A_545 = arith.constant 0 : i32
      %parallel_loop3A_546 = tpu.memref_slice %parallel_loop3A_544[%parallel_loop3A_467, %parallel_loop3A_545] : memref<32x256xf32, #tpu.memory_space<vmem>> -> memref<1x256xf32, #tpu.memory_space<vmem>>
      %parallel_loop3A_547 = tpu.memref_squeeze %parallel_loop3A_546 : memref<1x256xf32, #tpu.memory_space<vmem>> -> memref<256xf32, #tpu.memory_space<vmem>>
      %parallel_loop3A_548 = tpu.vector_load_idx %parallel_loop3A_547[%gather3A_142] : memref<256xf32, #tpu.memory_space<vmem>>[vector<16xi32>], vector<16xf32>,
      %parallel_loop3A_549 = arith.mulf %parallel_loop3A_548, %gather3A_135 : vector<16xf32>
      %parallel_loop3A_550 = arith.addf %parallel_loop3A_522, %parallel_loop3A_531 : vector<16xf32>
      %parallel_loop3A_551 = arith.addf %parallel_loop3A_540, %parallel_loop3A_549 : vector<16xf32>
      %parallel_loop3A_552 = arith.addf %parallel_loop3A_550, %parallel_loop3A_551 : vector<16xf32>
      %parallel_loop3A_553 = arith.constant 0 : i32
      %parallel_loop3A_554 = arith.constant 0 : i32
      %parallel_loop3A_555 = tpu.memref_slice %arg7[%parallel_loop3A_425, %parallel_loop3A_553, %parallel_loop3A_554] : memref<2x32x64xf32, #tpu.memory_space<vmem>> -> memref<1x32x64xf32, #tpu.memory_space<vmem>>
      %parallel_loop3A_556 = tpu.memref_squeeze %parallel_loop3A_555 : memref<1x32x64xf32, #tpu.memory_space<vmem>> -> memref<32x64xf32, #tpu.memory_space<vmem>>
      %parallel_loop3A_557 = arith.index_cast %parallel_loop3A_467 : i32 to index
      %parallel_loop3A_558 = arith.constant 16 : index
      %parallel_loop3A_559 = tpu.vector_load %parallel_loop3A_556[%parallel_loop3A_557, %parallel_loop3A_558] {strides = array<i32>} : memref<32x64xf32, #tpu.memory_space<vmem>>, vector<16xf32>,
      tpu.vector_store %parallel_loop3A_556[%parallel_loop3A_557, %parallel_loop3A_558], %parallel_loop3A_552 {strides = array<i32>} : memref<32x64xf32, #tpu.memory_space<vmem>>, vector<16xf32>,
      %parallel_loop3A_560 = arith.constant 0 : i32
      %parallel_loop3A_561 = arith.constant 0 : i32
      %parallel_loop3A_562 = tpu.memref_slice %arg6[%parallel_loop3A_424, %parallel_loop3A_560, %parallel_loop3A_561] : memref<2x32x256xf32, #tpu.memory_space<vmem>> -> memref<1x32x256xf32, #tpu.memory_space<vmem>>
      %parallel_loop3A_563 = tpu.memref_squeeze %parallel_loop3A_562 : memref<1x32x256xf32, #tpu.memory_space<vmem>> -> memref<32x256xf32, #tpu.memory_space<vmem>>
      %parallel_loop3A_564 = arith.constant 0 : i32
      %parallel_loop3A_565 = tpu.memref_slice %parallel_loop3A_563[%parallel_loop3A_467, %parallel_loop3A_564] : memref<32x256xf32, #tpu.memory_space<vmem>> -> memref<1x256xf32, #tpu.memory_space<vmem>>
      %parallel_loop3A_566 = tpu.memref_squeeze %parallel_loop3A_565 : memref<1x256xf32, #tpu.memory_space<vmem>> -> memref<256xf32, #tpu.memory_space<vmem>>
      %parallel_loop3A_567 = tpu.vector_load_idx %parallel_loop3A_566[%gather3A_156] : memref<256xf32, #tpu.memory_space<vmem>>[vector<16xi32>], vector<16xf32>,
      %parallel_loop3A_568 = arith.mulf %parallel_loop3A_567, %gather3A_149 : vector<16xf32>
      %parallel_loop3A_569 = arith.constant 0 : i32
      %parallel_loop3A_570 = arith.constant 0 : i32
      %parallel_loop3A_571 = tpu.memref_slice %arg6[%parallel_loop3A_424, %parallel_loop3A_569, %parallel_loop3A_570] : memref<2x32x256xf32, #tpu.memory_space<vmem>> -> memref<1x32x256xf32, #tpu.memory_space<vmem>>
      %parallel_loop3A_572 = tpu.memref_squeeze %parallel_loop3A_571 : memref<1x32x256xf32, #tpu.memory_space<vmem>> -> memref<32x256xf32, #tpu.memory_space<vmem>>
      %parallel_loop3A_573 = arith.constant 0 : i32
      %parallel_loop3A_574 = tpu.memref_slice %parallel_loop3A_572[%parallel_loop3A_467, %parallel_loop3A_573] : memref<32x256xf32, #tpu.memory_space<vmem>> -> memref<1x256xf32, #tpu.memory_space<vmem>>
      %parallel_loop3A_575 = tpu.memref_squeeze %parallel_loop3A_574 : memref<1x256xf32, #tpu.memory_space<vmem>> -> memref<256xf32, #tpu.memory_space<vmem>>
      %parallel_loop3A_576 = tpu.vector_load_idx %parallel_loop3A_575[%gather3A_170] : memref<256xf32, #tpu.memory_space<vmem>>[vector<16xi32>], vector<16xf32>,
      %parallel_loop3A_577 = arith.mulf %parallel_loop3A_576, %gather3A_163 : vector<16xf32>
      %parallel_loop3A_578 = arith.constant 0 : i32
      %parallel_loop3A_579 = arith.constant 0 : i32
      %parallel_loop3A_580 = tpu.memref_slice %arg6[%parallel_loop3A_424, %parallel_loop3A_578, %parallel_loop3A_579] : memref<2x32x256xf32, #tpu.memory_space<vmem>> -> memref<1x32x256xf32, #tpu.memory_space<vmem>>
      %parallel_loop3A_581 = tpu.memref_squeeze %parallel_loop3A_580 : memref<1x32x256xf32, #tpu.memory_space<vmem>> -> memref<32x256xf32, #tpu.memory_space<vmem>>
      %parallel_loop3A_582 = arith.constant 0 : i32
      %parallel_loop3A_583 = tpu.memref_slice %parallel_loop3A_581[%parallel_loop3A_467, %parallel_loop3A_582] : memref<32x256xf32, #tpu.memory_space<vmem>> -> memref<1x256xf32, #tpu.memory_space<vmem>>
      %parallel_loop3A_584 = tpu.memref_squeeze %parallel_loop3A_583 : memref<1x256xf32, #tpu.memory_space<vmem>> -> memref<256xf32, #tpu.memory_space<vmem>>
      %parallel_loop3A_585 = tpu.vector_load_idx %parallel_loop3A_584[%gather3A_184] : memref<256xf32, #tpu.memory_space<vmem>>[vector<16xi32>], vector<16xf32>,
      %parallel_loop3A_586 = arith.mulf %parallel_loop3A_585, %gather3A_177 : vector<16xf32>
      %parallel_loop3A_587 = arith.constant 0 : i32
      %parallel_loop3A_588 = arith.constant 0 : i32
      %parallel_loop3A_589 = tpu.memref_slice %arg6[%parallel_loop3A_424, %parallel_loop3A_587, %parallel_loop3A_588] : memref<2x32x256xf32, #tpu.memory_space<vmem>> -> memref<1x32x256xf32, #tpu.memory_space<vmem>>
      %parallel_loop3A_590 = tpu.memref_squeeze %parallel_loop3A_589 : memref<1x32x256xf32, #tpu.memory_space<vmem>> -> memref<32x256xf32, #tpu.memory_space<vmem>>
      %parallel_loop3A_591 = arith.constant 0 : i32
      %parallel_loop3A_592 = tpu.memref_slice %parallel_loop3A_590[%parallel_loop3A_467, %parallel_loop3A_591] : memref<32x256xf32, #tpu.memory_space<vmem>> -> memref<1x256xf32, #tpu.memory_space<vmem>>
      %parallel_loop3A_593 = tpu.memref_squeeze %parallel_loop3A_592 : memref<1x256xf32, #tpu.memory_space<vmem>> -> memref<256xf32, #tpu.memory_space<vmem>>
      %parallel_loop3A_594 = tpu.vector_load_idx %parallel_loop3A_593[%gather3A_198] : memref<256xf32, #tpu.memory_space<vmem>>[vector<16xi32>], vector<16xf32>,
      %parallel_loop3A_595 = arith.mulf %parallel_loop3A_594, %gather3A_191 : vector<16xf32>
      %parallel_loop3A_596 = arith.addf %parallel_loop3A_568, %parallel_loop3A_577 : vector<16xf32>
      %parallel_loop3A_597 = arith.addf %parallel_loop3A_586, %parallel_loop3A_595 : vector<16xf32>
      %parallel_loop3A_598 = arith.addf %parallel_loop3A_596, %parallel_loop3A_597 : vector<16xf32>
      %parallel_loop3A_599 = arith.constant 0 : i32
      %parallel_loop3A_600 = arith.constant 0 : i32
      %parallel_loop3A_601 = tpu.memref_slice %arg7[%parallel_loop3A_425, %parallel_loop3A_599, %parallel_loop3A_600] : memref<2x32x64xf32, #tpu.memory_space<vmem>> -> memref<1x32x64xf32, #tpu.memory_space<vmem>>
      %parallel_loop3A_602 = tpu.memref_squeeze %parallel_loop3A_601 : memref<1x32x64xf32, #tpu.memory_space<vmem>> -> memref<32x64xf32, #tpu.memory_space<vmem>>
      %parallel_loop3A_603 = arith.index_cast %parallel_loop3A_467 : i32 to index
      %parallel_loop3A_604 = arith.constant 32 : index
      %parallel_loop3A_605 = tpu.vector_load %parallel_loop3A_602[%parallel_loop3A_603, %parallel_loop3A_604] {strides = array<i32>} : memref<32x64xf32, #tpu.memory_space<vmem>>, vector<16xf32>,
      tpu.vector_store %parallel_loop3A_602[%parallel_loop3A_603, %parallel_loop3A_604], %parallel_loop3A_598 {strides = array<i32>} : memref<32x64xf32, #tpu.memory_space<vmem>>, vector<16xf32>,
      %parallel_loop3A_606 = arith.constant 0 : i32
      %parallel_loop3A_607 = arith.constant 0 : i32
      %parallel_loop3A_608 = tpu.memref_slice %arg6[%parallel_loop3A_424, %parallel_loop3A_606, %parallel_loop3A_607] : memref<2x32x256xf32, #tpu.memory_space<vmem>> -> memref<1x32x256xf32, #tpu.memory_space<vmem>>
      %parallel_loop3A_609 = tpu.memref_squeeze %parallel_loop3A_608 : memref<1x32x256xf32, #tpu.memory_space<vmem>> -> memref<32x256xf32, #tpu.memory_space<vmem>>
      %parallel_loop3A_610 = arith.constant 0 : i32
      %parallel_loop3A_611 = tpu.memref_slice %parallel_loop3A_609[%parallel_loop3A_467, %parallel_loop3A_610] : memref<32x256xf32, #tpu.memory_space<vmem>> -> memref<1x256xf32, #tpu.memory_space<vmem>>
      %parallel_loop3A_612 = tpu.memref_squeeze %parallel_loop3A_611 : memref<1x256xf32, #tpu.memory_space<vmem>> -> memref<256xf32, #tpu.memory_space<vmem>>
      %parallel_loop3A_613 = tpu.vector_load_idx %parallel_loop3A_612[%gather3A_212] : memref<256xf32, #tpu.memory_space<vmem>>[vector<16xi32>], vector<16xf32>,
      %parallel_loop3A_614 = arith.mulf %parallel_loop3A_613, %gather3A_205 : vector<16xf32>
      %parallel_loop3A_615 = arith.constant 0 : i32
      %parallel_loop3A_616 = arith.constant 0 : i32
      %parallel_loop3A_617 = tpu.memref_slice %arg6[%parallel_loop3A_424, %parallel_loop3A_615, %parallel_loop3A_616] : memref<2x32x256xf32, #tpu.memory_space<vmem>> -> memref<1x32x256xf32, #tpu.memory_space<vmem>>
      %parallel_loop3A_618 = tpu.memref_squeeze %parallel_loop3A_617 : memref<1x32x256xf32, #tpu.memory_space<vmem>> -> memref<32x256xf32, #tpu.memory_space<vmem>>
      %parallel_loop3A_619 = arith.constant 0 : i32
      %parallel_loop3A_620 = tpu.memref_slice %parallel_loop3A_618[%parallel_loop3A_467, %parallel_loop3A_619] : memref<32x256xf32, #tpu.memory_space<vmem>> -> memref<1x256xf32, #tpu.memory_space<vmem>>
      %parallel_loop3A_621 = tpu.memref_squeeze %parallel_loop3A_620 : memref<1x256xf32, #tpu.memory_space<vmem>> -> memref<256xf32, #tpu.memory_space<vmem>>
      %parallel_loop3A_622 = tpu.vector_load_idx %parallel_loop3A_621[%gather3A_226] : memref<256xf32, #tpu.memory_space<vmem>>[vector<16xi32>], vector<16xf32>,
      %parallel_loop3A_623 = arith.mulf %parallel_loop3A_622, %gather3A_219 : vector<16xf32>
      %parallel_loop3A_624 = arith.constant 0 : i32
      %parallel_loop3A_625 = arith.constant 0 : i32
      %parallel_loop3A_626 = tpu.memref_slice %arg6[%parallel_loop3A_424, %parallel_loop3A_624, %parallel_loop3A_625] : memref<2x32x256xf32, #tpu.memory_space<vmem>> -> memref<1x32x256xf32, #tpu.memory_space<vmem>>
      %parallel_loop3A_627 = tpu.memref_squeeze %parallel_loop3A_626 : memref<1x32x256xf32, #tpu.memory_space<vmem>> -> memref<32x256xf32, #tpu.memory_space<vmem>>
      %parallel_loop3A_628 = arith.constant 0 : i32
      %parallel_loop3A_629 = tpu.memref_slice %parallel_loop3A_627[%parallel_loop3A_467, %parallel_loop3A_628] : memref<32x256xf32, #tpu.memory_space<vmem>> -> memref<1x256xf32, #tpu.memory_space<vmem>>
      %parallel_loop3A_630 = tpu.memref_squeeze %parallel_loop3A_629 : memref<1x256xf32, #tpu.memory_space<vmem>> -> memref<256xf32, #tpu.memory_space<vmem>>
      %parallel_loop3A_631 = tpu.vector_load_idx %parallel_loop3A_630[%gather3A_240] : memref<256xf32, #tpu.memory_space<vmem>>[vector<16xi32>], vector<16xf32>,
      %parallel_loop3A_632 = arith.mulf %parallel_loop3A_631, %gather3A_233 : vector<16xf32>
      %parallel_loop3A_633 = arith.constant 0 : i32
      %parallel_loop3A_634 = arith.constant 0 : i32
      %parallel_loop3A_635 = tpu.memref_slice %arg6[%parallel_loop3A_424, %parallel_loop3A_633, %parallel_loop3A_634] : memref<2x32x256xf32, #tpu.memory_space<vmem>> -> memref<1x32x256xf32, #tpu.memory_space<vmem>>
      %parallel_loop3A_636 = tpu.memref_squeeze %parallel_loop3A_635 : memref<1x32x256xf32, #tpu.memory_space<vmem>> -> memref<32x256xf32, #tpu.memory_space<vmem>>
      %parallel_loop3A_637 = arith.constant 0 : i32
      %parallel_loop3A_638 = tpu.memref_slice %parallel_loop3A_636[%parallel_loop3A_467, %parallel_loop3A_637] : memref<32x256xf32, #tpu.memory_space<vmem>> -> memref<1x256xf32, #tpu.memory_space<vmem>>
      %parallel_loop3A_639 = tpu.memref_squeeze %parallel_loop3A_638 : memref<1x256xf32, #tpu.memory_space<vmem>> -> memref<256xf32, #tpu.memory_space<vmem>>
      %parallel_loop3A_640 = tpu.vector_load_idx %parallel_loop3A_639[%gather3A_254] : memref<256xf32, #tpu.memory_space<vmem>>[vector<16xi32>], vector<16xf32>,
      %parallel_loop3A_641 = arith.mulf %parallel_loop3A_640, %gather3A_247 : vector<16xf32>
      %parallel_loop3A_642 = arith.addf %parallel_loop3A_614, %parallel_loop3A_623 : vector<16xf32>
      %parallel_loop3A_643 = arith.addf %parallel_loop3A_632, %parallel_loop3A_641 : vector<16xf32>
      %parallel_loop3A_644 = arith.addf %parallel_loop3A_642, %parallel_loop3A_643 : vector<16xf32>
      %parallel_loop3A_645 = arith.constant 0 : i32
      %parallel_loop3A_646 = arith.constant 0 : i32
      %parallel_loop3A_647 = tpu.memref_slice %arg7[%parallel_loop3A_425, %parallel_loop3A_645, %parallel_loop3A_646] : memref<2x32x64xf32, #tpu.memory_space<vmem>> -> memref<1x32x64xf32, #tpu.memory_space<vmem>>
      %parallel_loop3A_648 = tpu.memref_squeeze %parallel_loop3A_647 : memref<1x32x64xf32, #tpu.memory_space<vmem>> -> memref<32x64xf32, #tpu.memory_space<vmem>>
      %parallel_loop3A_649 = arith.index_cast %parallel_loop3A_467 : i32 to index
      %parallel_loop3A_650 = arith.constant 48 : index
      %parallel_loop3A_651 = tpu.vector_load %parallel_loop3A_648[%parallel_loop3A_649, %parallel_loop3A_650] {strides = array<i32>} : memref<32x64xf32, #tpu.memory_space<vmem>>, vector<16xf32>,
      tpu.vector_store %parallel_loop3A_648[%parallel_loop3A_649, %parallel_loop3A_650], %parallel_loop3A_644 {strides = array<i32>} : memref<32x64xf32, #tpu.memory_space<vmem>>, vector<16xf32>,
    } {sc.loop_unroll_factor = 2 : i64, sc.parallel_access}
    %add3A_426 = arith.constant 96 : i32
    %add3A_427 = arith.addi %mul3A_2, %add3A_426 : i32
    %dma_start3A_428 = arith.constant 1 : i32
    %dma_start3A_429 = arith.constant 0 : i32
    %dma_start3A_430 = arith.constant 0 : i32
    %dma_start3A_431 = tpu.memref_slice %arg7[%dma_start3A_428, %dma_start3A_429, %dma_start3A_430] : memref<2x32x64xf32, #tpu.memory_space<vmem>> -> memref<1x32x64xf32, #tpu.memory_space<vmem>>
    %dma_start3A_432 = tpu.memref_squeeze %dma_start3A_431 : memref<1x32x64xf32, #tpu.memory_space<vmem>> -> memref<32x64xf32, #tpu.memory_space<vmem>>
    %dma_start3A_433 = arith.constant 0 : i32
    %dma_start3A_434 = tpu.memref_slice %arg5[%add3A_427, %dma_start3A_433] : memref<4096x64xf32, #tpu.memory_space<hbm>> -> memref<32x64xf32, #tpu.memory_space<hbm>>
    %dma_start3A_435 = arith.constant 0 : i32
    %dma_start3A_436 = tpu.memref_slice %arg5[%add3A_427, %dma_start3A_435] : memref<4096x64xf32, #tpu.memory_space<hbm>> -> memref<32x64xf32, #tpu.memory_space<hbm>>
    %dma_start3A_437 = arith.constant 0 : i32
    %dma_start3A_438 = arith.constant 0 : i32
    %dma_start3A_439 = tpu.memref_slice %arg7[%dma_start3A_428, %dma_start3A_437, %dma_start3A_438] : memref<2x32x64xf32, #tpu.memory_space<vmem>> -> memref<1x32x64xf32, #tpu.memory_space<vmem>>
    %dma_start3A_440 = tpu.memref_squeeze %dma_start3A_439 : memref<1x32x64xf32, #tpu.memory_space<vmem>> -> memref<32x64xf32, #tpu.memory_space<vmem>>
    tpu.enqueue_dma source(%dma_start3A_440 : memref<32x64xf32, #tpu.memory_space<vmem>>) target(%dma_start3A_436 : memref<32x64xf32, #tpu.memory_space<hbm>>) target_semaphore(%arg13 : memref<!tpu.dma_semaphore, #tpu.memory_space<semaphore_mem>>)
    %dma_wait3A_441 = arith.constant 0 : i32
    %dma_wait3A_442 = arith.constant 0 : i32
    %dma_wait3A_443 = arith.constant 0 : i32
    %dma_wait3A_444 = tpu.memref_slice %arg7[%dma_wait3A_441, %dma_wait3A_442, %dma_wait3A_443] : memref<2x32x64xf32, #tpu.memory_space<vmem>> -> memref<1x32x64xf32, #tpu.memory_space<vmem>>
    %dma_wait3A_445 = tpu.memref_squeeze %dma_wait3A_444 : memref<1x32x64xf32, #tpu.memory_space<vmem>> -> memref<32x64xf32, #tpu.memory_space<vmem>>
    %dma_wait3A_446 = arith.constant 0 : i32
    %dma_wait3A_447 = tpu.memref_slice %arg5[%add3A_381, %dma_wait3A_446] : memref<4096x64xf32, #tpu.memory_space<hbm>> -> memref<32x64xf32, #tpu.memory_space<hbm>>
    %dma_wait3A_448 = arith.constant 0 : i32
    %dma_wait3A_449 = tpu.memref_slice %arg5[%add3A_381, %dma_wait3A_448] : memref<4096x64xf32, #tpu.memory_space<hbm>> -> memref<32x64xf32, #tpu.memory_space<hbm>>
    %dma_wait3A_450 = arith.constant 0 : i32
    %dma_wait3A_451 = arith.constant 0 : i32
    %dma_wait3A_452 = tpu.memref_slice %arg7[%dma_wait3A_441, %dma_wait3A_450, %dma_wait3A_451] : memref<2x32x64xf32, #tpu.memory_space<vmem>> -> memref<1x32x64xf32, #tpu.memory_space<vmem>>
    %dma_wait3A_453 = tpu.memref_squeeze %dma_wait3A_452 : memref<1x32x64xf32, #tpu.memory_space<vmem>> -> memref<32x64xf32, #tpu.memory_space<vmem>>
    tpu.wait_dma2 semaphore(%arg12 : memref<!tpu.dma_semaphore, #tpu.memory_space<semaphore_mem>>) src(%dma_wait3A_453 : memref<32x64xf32, #tpu.memory_space<vmem>>) dst(%dma_wait3A_449 : memref<32x64xf32, #tpu.memory_space<hbm>>)
    %dma_wait3A_454 = arith.constant 1 : i32
    %dma_wait3A_455 = arith.constant 0 : i32
    %dma_wait3A_456 = arith.constant 0 : i32
    %dma_wait3A_457 = tpu.memref_slice %arg7[%dma_wait3A_454, %dma_wait3A_455, %dma_wait3A_456] : memref<2x32x64xf32, #tpu.memory_space<vmem>> -> memref<1x32x64xf32, #tpu.memory_space<vmem>>
    %dma_wait3A_458 = tpu.memref_squeeze %dma_wait3A_457 : memref<1x32x64xf32, #tpu.memory_space<vmem>> -> memref<32x64xf32, #tpu.memory_space<vmem>>
    %dma_wait3A_459 = arith.constant 0 : i32
    %dma_wait3A_460 = tpu.memref_slice %arg5[%add3A_427, %dma_wait3A_459] : memref<4096x64xf32, #tpu.memory_space<hbm>> -> memref<32x64xf32, #tpu.memory_space<hbm>>
    %dma_wait3A_461 = arith.constant 0 : i32
    %dma_wait3A_462 = tpu.memref_slice %arg5[%add3A_427, %dma_wait3A_461] : memref<4096x64xf32, #tpu.memory_space<hbm>> -> memref<32x64xf32, #tpu.memory_space<hbm>>
    %dma_wait3A_463 = arith.constant 0 : i32
    %dma_wait3A_464 = arith.constant 0 : i32
    %dma_wait3A_465 = tpu.memref_slice %arg7[%dma_wait3A_454, %dma_wait3A_463, %dma_wait3A_464] : memref<2x32x64xf32, #tpu.memory_space<vmem>> -> memref<1x32x64xf32, #tpu.memory_space<vmem>>
    %dma_wait3A_466 = tpu.memref_squeeze %dma_wait3A_465 : memref<1x32x64xf32, #tpu.memory_space<vmem>> -> memref<32x64xf32, #tpu.memory_space<vmem>>
    tpu.wait_dma2 semaphore(%arg13 : memref<!tpu.dma_semaphore, #tpu.memory_space<semaphore_mem>>) src(%dma_wait3A_466 : memref<32x64xf32, #tpu.memory_space<vmem>>) dst(%dma_wait3A_462 : memref<32x64xf32, #tpu.memory_space<hbm>>)
    return
  }
}

</mosaic_0001>

<sc_bundles>
// kernel: kernel.3.cloned.1.call-start
scs
__scs_entry_jumppad:
0x0: {  	(pc) =	sbr.rel $0x88, $3  }
0x1: {  	(tag) =	ssettag $0x0;
	lr =	simm.s32 $0x1  }
0x2: {  	[smem:$0x3F9E] =	sst lr;
	_ =	strace $0xD0000000  }
0x3: {  	_ = 	snop  }
0x4: {  	_ = 	snop  }
0x5: {  	_ = 	snop  }
0x6: {  	_ = 	snop  }
0x7: {  	_ = 	snop  }
__scs_overlays_trampoline_lowered:
0x8: {  	[smem:$0x3FAD] =	sst s0  }
0x9: {  	[smem:$0x3FAE] =	sst s1  }
0xa: {  	[smem:$0x3FAF] =	sst s2  }
0xb: {  	[smem:$0x3FB0] =	sst s3  }
0xc: {  	[smem:$0x3FB1] =	sst s4  }
0xd: {  	[smem:$0x3FB2] =	sst s5  }
0xe: {  	[smem:$0x3FB3] =	sst s6  }
0xf: {  	[smem:$0x3FB4] =	sst s7  }
0x10: {  	[smem:$0x3FB5] =	sst s8  }
0x11: {  	[smem:$0x3FB6] =	sst s9;
	s0 =	simm.s32 @!p0 $0x0  }
0x12: {  	s1 =	sld [smem:$0x3F9C];
	s0 =	simm.s32 @p0 $0x1  }
0x13: {  	[smem:$0x3FB7] =	sst s0;
	s0 =	simm.s32 @!p1 $0x0  }
0x14: {  	s2 =	sld [smem:$0x3F9B];
	s0 =	simm.s32 @p1 $0x1  }
0x15: {  	[smem:$0x3FB8] =	sst s0;
	s0 =	simm.s32 @!p2 $0x0  }
0x16: {  	s3 =	sld [smem:$0x3FDB];
	s0 =	simm.s32 @p2 $0x1  }
0x17: {  	s4 =	simm.s32 $0x1BF5;
	[smem:$0x3FBA] =	sst s0  }
0x18: {  	s0 =	sld [smem:$0x3F9D];
	_ =	swait.ge [sflag:s4], $0x0  }
0x19: {  	s7 =	sld [smem:$0x3F9E]  }
0x1a: {  	s8 =	sadd.s32 $0xFFFFE003, lr  }
0x1b: {  	s9 =	sadd.s32 $0xFFFFFEF7, lr;
	s5 =	simm.s32 $0xFFFFFFFF;
	p2 =	slt.u32 s8, $0xFFFFF086  }
0x1c: {  	p1 =	slt.u32 s9, $0xF7A;
	s5 =	simm.s32 @!p2 $0x0  }
0x1d: {  	s5 =	simm.s32 @p1 $0x1;
	p0 =	seq.s32 s7, s2  }
0x1e: {  	s7 =	smul.u32 @!p0 $0xF7A, s2;
	p2 =	seq.s32 @!p0 s5, $0x0  }
0x1f: {  	s9 =	smul.u32 $0xF7A, s1;
	s8 =	simm.s32 @!p0 $0x1BF5;
	p2 =	por !p2, p0  }
0x20: {  	[sflag:s8] =	ssyncset.s32 @!p0 $0xFFFFF086;
	s6 =	sadd.s32 @!p0 s3, s7;
	s7 =	simm.s32 @!p0 $0x108  }
0x21: {  	s3 =	sadd.s32 s3, s9;
	s6 =	sadd.s32 @!p0 $0x88, s6;
	s7 =	simm.s32 @p2 $0x1082  }
0x22: {  	[simem:s7], [sflag:s8] =	dma.local @!p0 [hbm:s6], $0xF7A  }
0x23: {  	s9 =	sor.u32 $0xD0000000, s2;
	s6 =	simm.s32 $0x108;
	_ =	swait.ge @!p0 [sflag:s8], $0x0  }
0x24: {  	s3 =	sadd.s32 $0x88, s3;
	s6 =	simm.s32 @!p1 $0x1082;
	[sflag:s4] =	ssyncset.s32 $0xFFFFF086  }
0x25: {  	[simem:s6], [sflag:s4] =	dma.local [hbm:s3], $0xF7A  }
0x26: {  	[smem:$0x3F9E] =	sst s1;
	(tag) =	ssettag s2;
	_ =	strace s9  }
0x27: {  	s1 =	sld [smem:$0x3FAE]  }
0x28: {  	s2 =	sld [smem:$0x3FAF]  }
0x29: {  	s4 =	sld [smem:$0x3FB1]  }
0x2a: {  	p0 =	seq.s32 s5, $0x0;
	s5 =	sld [smem:$0x3FB2]  }
0x2b: {  	s6 =	sld [smem:$0x3FB3]  }
0x2c: {  	s7 =	sld [smem:$0x3FB4]  }
0x2d: {  	s3 =	simm.s32 $0x108;
	s8 =	sld [smem:$0x3FB5]  }
0x2e: {  	s3 =	simm.s32 @!p0 $0x1082;
	s9 =	sld [smem:$0x3FB6]  }
0x2f: {  	lr =	sadd.s32 s0, s3;
	s0 =	sld [smem:$0x3FAD]  }
0x30: {  	s3 =	sld [smem:$0x3FB0]  }
0x31: {  	[smem:$0x3FB9] =	sst s10  }
0x32: {  	s10 =	sld [smem:$0x3FB7];
	_ =	sdelay $0x3  }
0x33: {  	p0 =	seq.s32 s10, $0x1;
	s10 =	sld [smem:$0x3FB9];
	_ =	sdelay $0x3  }
0x34: {  	[smem:$0x3FB9] =	sst s10  }
0x35: {  	s10 =	sld [smem:$0x3FB8];
	_ =	sdelay $0x3  }
0x36: {  	p1 =	seq.s32 s10, $0x1;
	s10 =	sld [smem:$0x3FB9];
	_ =	sdelay $0x3  }
0x37: {  	[smem:$0x3FB9] =	sst s10  }
0x38: {  	s10 =	sld [smem:$0x3FBA]  }
0x39: {  	_ = 	snop;
	(pc) =	sbr.ind lr, $3  }
0x3a: {  	_ = 	snop  }
0x3b: {  	_ = 	snop  }
0x3c: {  	p2 =	seq.s32 s10, $0x1;
	s10 =	sld [smem:$0x3FB9]  }
0x3d: {  	_ =	shalt  }
0x3e: {  	_ =	shalt  }
0x3f: {  	_ =	shalt  }
0x40: {  	_ =	shalt  }
0x41: {  	_ =	shalt  }
0x42: {  	_ =	shalt  }
0x43: {  	_ =	shalt  }
0x44: {  	_ =	shalt  }
0x45: {  	_ =	shalt  }
0x46: {  	_ =	shalt  }
0x47: {  	_ =	shalt  }
0x48: {  	_ =	shalt  }
0x49: {  	_ =	shalt  }
0x4a: {  	_ =	shalt  }
0x4b: {  	_ =	shalt  }
0x4c: {  	_ =	shalt  }
0x4d: {  	_ =	shalt  }
0x4e: {  	_ =	shalt  }
0x4f: {  	_ =	shalt  }
0x50: {  	_ =	shalt  }
0x51: {  	_ =	shalt  }
0x52: {  	_ =	shalt  }
0x53: {  	_ =	shalt  }
0x54: {  	_ =	shalt  }
0x55: {  	_ =	shalt  }
0x56: {  	_ =	shalt  }
0x57: {  	_ =	shalt  }
0x58: {  	_ =	shalt  }
0x59: {  	_ =	shalt  }
0x5a: {  	_ =	shalt  }
0x5b: {  	_ =	shalt  }
0x5c: {  	_ =	shalt  }
0x5d: {  	_ =	shalt  }
0x5e: {  	_ =	shalt  }
0x5f: {  	_ =	shalt  }
0x60: {  	_ =	shalt  }
0x61: {  	_ =	shalt  }
0x62: {  	_ =	shalt  }
0x63: {  	_ =	shalt  }
0x64: {  	_ =	shalt  }
0x65: {  	_ =	shalt  }
0x66: {  	_ =	shalt  }
0x67: {  	_ =	shalt  }
0x68: {  	_ =	shalt  }
0x69: {  	_ =	shalt  }
0x6a: {  	_ =	shalt  }
0x6b: {  	_ =	shalt  }
0x6c: {  	_ =	shalt  }
0x6d: {  	_ =	shalt  }
0x6e: {  	_ =	shalt  }
0x6f: {  	_ =	shalt  }
0x70: {  	_ =	shalt  }
0x71: {  	_ =	shalt  }
0x72: {  	_ =	shalt  }
0x73: {  	_ =	shalt  }
0x74: {  	_ =	shalt  }
0x75: {  	_ =	shalt  }
0x76: {  	_ =	shalt  }
0x77: {  	_ =	shalt  }
0x78: {  	_ =	shalt  }
0x79: {  	_ =	shalt  }
0x7a: {  	_ =	shalt  }
0x7b: {  	_ =	shalt  }
0x7c: {  	_ =	shalt  }
0x7d: {  	_ =	shalt  }
0x7e: {  	_ =	shalt  }
0x7f: {  	_ =	shalt  }
0x80: {  	_ =	shalt  }
0x81: {  	_ =	shalt  }
0x82: {  	_ =	shalt  }
0x83: {  	_ =	shalt  }
0x84: {  	_ =	shalt  }
0x85: {  	_ =	shalt  }
0x86: {  	_ =	shalt  }
0x87: {  	_ =	shalt  }
.Lfunc_end0:
.L_simem_size_0:
called_computation_lowered:
.L_overlay_start_0:
0x88: {  	s2 =	sld [smem:$0x3FD9]  }
0x89: {  	s3 =	sld [smem:$0x3FFE];
	_ =	sdelay $0x1  }
0x8a: {  	s1 =	srdreg.scid  }
0x8b: {  	s0 =	sand.u32 $0x1, s1  }
0x8c: {  	s17 =	sshll.u32 s0, $0xA;
	s2 =	sadd.s32 s3, s2  }
0x8d: {  	s2 =	sadd.s32 s2, s17  }
0x8e: {  	[smem:$0x3FC5] =	sst s2  }
0x8f: {  	_ = 	snop  }
0x90: {  	s2 =	sld [smem:$0x3FC8]  }
0x91: {  	s18 =	sld [smem:$0x3FD0];
	(tm) =	ssettm $0x1  }
0x92: {  	s4 =	sld [smem:$0x3FFB];
	_ =	sdelay $0x3  }
0x93: {  	_ =	strace s4  }
0x94: {  	s4 =	sld [smem:$0x3FFC];
	_ =	sdelay $0x3  }
0x95: {  	_ =	strace s4  }
0x96: {  	s4 =	sld [smem:$0x3FFD];
	_ =	sdelay $0x3  }
0x97: {  	_ =	strace s4  }
0x98: {  	_ =	strace $0x8FFFFFFF  }
0x99: {  	s19 =	sld [smem:$0x3FDB];
	_ =	sdelay $0x1  }
0x9a: {  	s5 =	simm.s32 $_scs_section_size  }
0x9b: {  	s6 =	simm.s32 $_size__tile_overlayer_lowered;
	s7 =	simm.s32 $_tile_overlayer_lowered  }
0x9c: {  	s22 =	simm.s32 $0x1BFF;
	s21 =	sshll.u32 s7, $0x1;
	s4 =	sadd.s32 s5, s19  }
0x9d: {  	s8 =	simm.s32 $0x0;
	s20 =	sshll.u32 s6, $0x1;
	s6 =	sadd.s32 s21, s4  }
0x9e: {  	[timem:s8], [sflag:s22] =	dma.local [hbm:s6], s20  }
0x9f: {  	_ =	swait.ge [sflag:s22], s20  }
0xa0: {  	s5 =	ssub.s32 $0x0, s20;
	[sflag:s22] =	ssyncset.done $0x0  }
0xa1: {  	[sflag:s22] =	ssyncadd.s32 s5;
	_ =	sdelay $0x1  }
0xa2: {  	s23 =	simm.s32 $0x1B8B  }
0xa3: {  	_ =	swait.ge [sflag:s23], $0x1  }
0xa4: {  	[sflag:s23] =	ssyncset.done $0x0  }
0xa5: {  	s25 =	simm.s32 $0x1B8E;
	s24 =	sld [smem:$0x3FFE];
	[sflag:s23] =	ssyncadd.s32 $0xFFFFFFFF  }
0xa6: {  	s26 =	simm.s32 $execute0_lowered;
	[smem:$0x3FD2] =	sst s25  }
0xa7: {  	s6 =	sshll.u32 s26, $0x1;
	_ =	strace $0x80000046;
	[dreg:$0x1] =	wrdreg $0xFFFFFFFF  }
0xa8: {  	s28 =	simm.s32 $_size_execute0_lowered;
	s4 =	sadd.s32 s4, s6;
	[dreg:$0x0] =	wrdreg $0x0  }
0xa9: {  	s6 =	sshll.u32 s28, $0x1;
	[dreg:$0x2] =	wrdreg s4  }
0xaa: {  	[dreg:$0x3] =	wrdreg s6  }
0xab: {  	[dreg:$0x4] =	wrdreg $0xC0  }
0xac: {  	_ =	task [dreg:s8], $0x5FFFF  }
0xad: {  	[dreg:$0x1] =	wrdreg $0xFFFFFFFF  }
0xae: {  	[dreg:$0x0] =	wrdreg $0x60  }
0xaf: {  	[dreg:$0x2] =	wrdreg s24  }
0xb0: {  	[dreg:$0x3] =	wrdreg s2  }
0xb1: {  	[dreg:$0x4] =	wrdreg s18  }
0xb2: {  	[dreg:$0x5] =	wrdreg $0x9  }
0xb3: {  	_ =	task.clear_ibuf [dreg:s8], $0x6FFFF;
	_ =	strace $0x90000046  }
0xb4: {  	s29 =	simm.s32 $0x9;
	_ =	strace $0x80000048  }
0xb5: {  	_ =	swait.ge [sflag:s29], $0x1  }
0xb6: {  	[sflag:s29] =	ssyncadd.s32 $0xFFFFFFFF  }
0xb7: {  	_ =	strace $0x90000048  }
0xb8: {  	_ =	sfence  }
0xb9: {  	s30 =	sld [smem:$0x0];
	_ =	sdelay $0x2  }
0xba: {  	s31 =	sshll.u32 s1, $0xD;
	s1 =	sshrl.u32 s1, $0x2  }
0xbb: {  	s3 =	sand.u32 $0x4000, s31;
	s1 =	sadd.s32 s1, s30  }
0xbc: {  	s0 =	sor.u32 s3, s0;
	s1 =	sshll.u32 s1, $0x11  }
0xbd: {  	s0 =	sor.u32 s1, s0  }
0xbe: {  	s0 =	sadd.s32 $0x8F2B, s0  }
0xbf: {  	[sflag:s0] =	ssyncadd.remote.s32 $0x1  }
0xc0: {  	_ =	sfence.sel $0xFFFF  }
0xc1: {  	[dreg:$0x0] =	wrdreg $0xFFFFFFFF;
	(pc) =	sbr.abs _section_cstart, $3  }
0xc2: {  	[dreg:$0x1] =	wrdreg $0xFFFFFFFF  }
0xc3: {  	_ =	task.clear_ibuf [dreg:s8], $0x2FFFF;
	_ =	strace $0x9FFFFFFF  }
0xc4: {  	(tm) =	ssettm $0x7FFFFFFF  }
0xc5: {  	_ =	shalt  }
tec
execute0_lowered:
.L_overlay_start_1:
0x0: {  	(tag) =	ssettag $0x1  }
0x1: {  	v0 =	vlaneseq.u32  }
0x2: {  	s0 =	rddreg [dreg:$0x0];
	v1 =	vmul.u32 $0x8, v0  }
0x3: {  	s1 =	rddreg [dreg:$0x1];
	s3 =	simm.s32 $0x0;
	v0 =	vmul.u32 $0x4, v0  }
0x4: {  	[smem:$0x7FF] =	sst s3;
	v2 =	vor.u32 $0x1, v1  }
0x5: {  	s12 =	rddreg [dreg:$0x2];
	_ =	strace $0x80000047;
	[tilespmem:$0x1FED0] =	vst v2;
	v2 =	vor.u32 $0x1, v0  }
0x6: {  	[tilespmem:$0x1FEE0] =	vst v2;
	v2 =	vor.u32 $0x3, v1  }
0x7: {  	[tilespmem:$0x1FEF0] =	vst v2;
	v2 =	vor.u32 $0x2, v0  }
0x8: {  	[tilespmem:$0x1FF00] =	vst v2;
	v2 =	vor.u32 $0x5, v1  }
0x9: {  	[tilespmem:$0x1FF10] =	vst v2;
	v2 =	vor.u32 $0x3, v0  }
0xa: {  	s4 =	srdreg.scid;
	s2 =	stileid.u32;
	s16 =	simm.s32 $0x5;
	[tilespmem:$0x1FF20] =	vst v2;
	v2 =	vor.u32 $0x7, v1  }
0xb: {  	s17 =	simm.s32 $0x5200;
	s18 =	simm.s32 $0x1;
	s19 =	simm.s32 $0x4000;
	[tilespmem:$0x1FF30] =	vst v2;
	v2 =	vor.u32 $0x40, v0  }
0xc: {  	s20 =	simm.s32 $0x2;
	s21 =	simm.s32 $0x4800;
	s22 =	simm.s32 $0x3;
	[tilespmem:$0x1FF40] =	vst v2;
	v2 =	vor.u32 $0x81, v1  }
0xd: {  	s23 =	simm.s32 $0x4;
	s24 =	simm.s32 $0x0;
	s5 =	sand.u32 $0x1, s4;
	[tilespmem:$0x1FF50] =	vst v2;
	v2 =	vor.u32 $0x41, v0  }
0xe: {  	s10 =	sadd.s32 $0x600, s0;
	s6 =	sshll.u32 s2, $0x8;
	s7 =	sshll.u32 s5, $0x7;
	[tilespmem:$0x1FF60] =	vst v2;
	v2 =	vor.u32 $0x83, v1  }
0xf: {  	s4 =	sadd.s32 $0x400, s0;
	s29 =	ssub.s32 $0x2, s5;
	s11 =	sor.u32 s7, s6;
	[tilespmem:$0x1FF70] =	vst v2;
	v2 =	vor.u32 $0x42, v0  }
0x10: {  	s5 =	sshrl.u32 s29, $0x1;
	s6 =	sshll.u32 s11, $0x5;
	s8 =	sor.u32 $0x20, s11;
	[tilespmem:$0x1FF80] =	vst v2;
	v2 =	vor.u32 $0x85, v1  }
0x11: {  	s0 =	ssub.s32 s29, s5;
	s7 =	sshll.u32 s11, $0x3;
	s13 =	sor.u32 $0x40, s11;
	[tilespmem:$0x1FF90] =	vst v2;
	v2 =	vor.u32 $0x43, v0  }
0x12: {  	v20 =	vor.u32 $0x82, v0;
	s11 =	sor.u32 $0x60, s11;
	s5 =	sadd.s32 s10, s6;
	s30 =	sshll.u32 s8, $0x5;
	[tilespmem:$0x1FFA0] =	vst v2;
	v2 =	vor.u32 $0x87, v1  }
0x13: {  	v21 =	vor.u32 $0x105, v1;
	v22 =	vor.u32 $0x83, v0;
	s7 =	sadd.s32 s12, s7;
	s9 =	sshll.u32 s13, $0x5;
	s14 =	sshll.u32 s8, $0x3;
	[tilespmem:$0x1FFB0] =	vst v2;
	v2 =	vor.u32 $0x80, v0  }
0x14: {  	v23 =	vor.u32 $0x107, v1;
	v24 =	vor.u32 $0xC0, v0;
	s31 =	sshll.u32 s11, $0x5;
	s13 =	sshll.u32 s13, $0x3;
	s15 =	sshll.u32 s11, $0x3;
	[tilespmem:$0x1FFC0] =	vst v2;
	v2 =	vor.u32 $0x101, v1  }
0x15: {  	v25 =	vor.u32 $0x181, v1;
	v26 =	vor.u32 $0xC1, v0;
	s6 =	sadd.s32 s10, s30;
	s8 =	sadd.s32 s10, s9;
	s9 =	sadd.s32 s12, s14;
	[tilespmem:$0x1FFD0] =	vst v2;
	v2 =	vor.u32 $0x81, v0  }
0x16: {  	v27 =	vor.u32 $0x183, v1;
	v28 =	vor.u32 $0xC2, v0;
	s10 =	sadd.s32 s10, s31;
	s11 =	sadd.s32 s12, s13;
	s12 =	sadd.s32 s12, s15;
	[tilespmem:$0x1FFE0] =	vst v2;
	v2 =	vor.u32 $0x103, v1  }
0x17: {  	v29 =	vor.u32 $0x185, v1;
	v30 =	vor.u32 $0xC3, v0;
	v31 =	vor.u32 $0x187, v1;
	s13 =	smax.u32 s0, $0x1;
	s14 =	simm.s32 $0x2000;
	s15 =	simm.s32 $0x5000;
	[tilespmem:$0x1FFF0] =	vst v2  }
.LBB2_1:
0x18: {  	[tilespmem:s3], [sflag:$0x1] =	stream.linear.gather [hbm4b:s5+s3], $0x2000, $0x38;
	[tilespmem:$0x5300] =	vst v63  }
0x19: {  	_ = 	snop  }
0x1a: {  	[tilespmem:s14], [sflag:$0x2] =	stream.linear.gather [hbm4b:s6+s3], $0x2000, $0x38;
	[tilespmem:$0x5300] =	vst v63  }
0x1b: {  	_ = 	snop  }
0x1c: {  	[tilespmem:s15], [sflag:$0x5] =	stream.linear.gather [hbm4b:s4+s3], $0x200, $0x38;
	[tilespmem:$0x5300] =	vst v63  }
0x1d: {  	_ =	swait.ge [sflag:s16], $0x200  }
0x1e: {  	[sflag:s16] =	ssyncset.done $0x0  }
0x1f: {  	[sflag:s16] =	ssyncadd.s32 $0xFFFFFE00  }
0x20: {  	[tilespmem:s17], [sflag:$0x5] =	stream.linear.gather [hbm4b:s1+s3], $0x100, $0x38;
	[tilespmem:$0x5300] =	vst v63  }
0x21: {  	_ =	swait.ge [sflag:s16], $0x100  }
0x22: {  	v1 =	vld [tilespmem:$0x1FED0];
	_ =	sdelay $0x5  }
0x23: {  	[sflag:s16] =	ssyncset.done $0x0  }
0x24: {  	[sflag:s16] =	ssyncadd.s32 $0xFFFFFF00  }
0x25: {  	v51 =	vld.idx.msk [tilespmem:v1+s15+$0x0], $0xffff  }
0x26: {  	v1 =	vld [tilespmem:$0x1FEE0];
	_ =	sdelay $0x7  }
0x27: {  	v54 =	vld.idx.msk [tilespmem:v1+s17+$0x0], $0xffff  }
0x28: {  	v1 =	vld [tilespmem:$0x1FEF0];
	_ =	sdelay $0x7  }
0x29: {  	v55 =	vld.idx.msk [tilespmem:v1+s15+$0x0], $0xffff  }
0x2a: {  	v1 =	vld [tilespmem:$0x1FF00];
	_ =	sdelay $0x7  }
0x2b: {  	v56 =	vld.idx.msk [tilespmem:v1+s17+$0x0], $0xffff  }
0x2c: {  	v1 =	vld [tilespmem:$0x1FF10];
	_ =	sdelay $0x7  }
0x2d: {  	v57 =	vld.idx.msk [tilespmem:v1+s15+$0x0], $0xffff  }
0x2e: {  	v1 =	vld [tilespmem:$0x1FF20];
	_ =	sdelay $0x7  }
0x2f: {  	v58 =	vld.idx.msk [tilespmem:v1+s17+$0x0], $0xffff  }
0x30: {  	v1 =	vld [tilespmem:$0x1FF30];
	_ =	sdelay $0x7  }
0x31: {  	v59 =	vld.idx.msk [tilespmem:v1+s15+$0x0], $0xffff  }
0x32: {  	v1 =	vld [tilespmem:$0x1FF40];
	_ =	sdelay $0x7  }
0x33: {  	v52 =	vld.idx.msk [tilespmem:v1+s17+$0x0], $0xffff  }
0x34: {  	v1 =	vld [tilespmem:$0x1FF50];
	_ =	sdelay $0x7  }
0x35: {  	v60 =	vld.idx.msk [tilespmem:v1+s15+$0x0], $0xffff  }
0x36: {  	v1 =	vld [tilespmem:$0x1FF60];
	_ =	sdelay $0x7  }
0x37: {  	v49 =	vld.idx.msk [tilespmem:v1+s17+$0x0], $0xffff  }
0x38: {  	v1 =	vld [tilespmem:$0x1FF70];
	_ =	sdelay $0x7  }
0x39: {  	v63 =	vld.idx.msk [tilespmem:v1+s15+$0x0], $0xffff  }
0x3a: {  	v1 =	vld [tilespmem:$0x1FF80];
	_ =	sdelay $0x7  }
0x3b: {  	v50 =	vld.idx.msk [tilespmem:v1+s17+$0x0], $0xffff  }
0x3c: {  	v1 =	vld [tilespmem:$0x1FF90];
	_ =	sdelay $0x7  }
0x3d: {  	v61 =	vld.idx.msk [tilespmem:v1+s15+$0x0], $0xffff  }
0x3e: {  	v1 =	vld [tilespmem:$0x1FFA0];
	_ =	sdelay $0x7  }
0x3f: {  	v53 =	vld.idx.msk [tilespmem:v1+s17+$0x0], $0xffff  }
0x40: {  	v1 =	vld [tilespmem:$0x1FFB0];
	_ =	sdelay $0x7  }
0x41: {  	v62 =	vld.idx.msk [tilespmem:v1+s15+$0x0], $0xffff  }
0x42: {  	v1 =	vld [tilespmem:$0x1FFC0];
	_ =	sdelay $0x7  }
0x43: {  	v40 =	vld.idx.msk [tilespmem:v1+s17+$0x0], $0xffff  }
0x44: {  	v1 =	vld [tilespmem:$0x1FFD0];
	_ =	sdelay $0x7  }
0x45: {  	v44 =	vld.idx.msk [tilespmem:v1+s15+$0x0], $0xffff  }
0x46: {  	v1 =	vld [tilespmem:$0x1FFE0];
	_ =	sdelay $0x1  }
0x47: {  	v48 =	vld.idx.msk [tilespmem:v0+s17+$0x0], $0xffff  }
0x48: {  	v43 =	vld.idx.msk [tilespmem:v20+s17+$0x0], $0xffff  }
0x49: {  	v45 =	vld.idx.msk [tilespmem:v21+s15+$0x0], $0xffff  }
0x4a: {  	v41 =	vld.idx.msk [tilespmem:v22+s17+$0x0], $0xffff  }
0x4b: {  	v46 =	vld.idx.msk [tilespmem:v23+s15+$0x0], $0xffff  }
0x4c: {  	v35 =	vld.idx.msk [tilespmem:v24+s17+$0x0], $0xffff  }
0x4d: {  	v42 =	vld.idx.msk [tilespmem:v1+s17+$0x0], $0xffff  }
0x4e: {  	v1 =	vld [tilespmem:$0x1FFF0]  }
0x4f: {  	v39 =	vld.idx.msk [tilespmem:v25+s15+$0x0], $0xffff  }
0x50: {  	v32 =	vld.idx.msk [tilespmem:v26+s17+$0x0], $0xffff  }
0x51: {  	v38 =	vld.idx.msk [tilespmem:v27+s15+$0x0], $0xffff  }
0x52: {  	v33 =	vld.idx.msk [tilespmem:v28+s17+$0x0], $0xffff  }
0x53: {  	v37 =	vld.idx.msk [tilespmem:v29+s15+$0x0], $0xffff  }
0x54: {  	v34 =	vld.idx.msk [tilespmem:v30+s17+$0x0], $0xffff  }
0x55: {  	v36 =	vld.idx.msk [tilespmem:v31+s15+$0x0], $0xffff  }
0x56: {  	v47 =	vld.idx.msk [tilespmem:v1+s15+$0x0], $0xffff;
	_ =	swait.ge [sflag:s18], $0x2000  }
0x57: {  	[sflag:s18] =	ssyncset.done $0x0  }
0x58: {  	[sflag:s18] =	ssyncadd.s32 $0xFFFFE000  }
0x59: {  	v1 =	vld.idx.msk [tilespmem:v57+s3+$0x0], $0xffff  }
0x5a: {  	v2 =	vld.idx.msk [tilespmem:v59+s3+$0x0], $0xffff  }
0x5b: {  	v3 =	vld.idx.msk [tilespmem:v55+s3+$0x0], $0xffff  }
0x5c: {  	v4 =	vld.idx.msk [tilespmem:v55+s3+$0x100], $0xffff  }
0x5d: {  	v5 =	vld.idx.msk [tilespmem:v51+s3+$0x0], $0xffff  }
0x5e: {  	v6 =	vld.idx.msk [tilespmem:v57+s3+$0x100], $0xffff  }
0x5f: {  	v7 =	vld.idx.msk [tilespmem:v59+s3+$0x100], $0xffff  }
0x60: {  	v8 =	vld.idx.msk [tilespmem:v51+s3+$0x100], $0xffff;
	_ =	sdelay $0x1  }
0x61: {  	v4 =	vmul.f32 v4, v54;
	v5 =	vmul.f32 v5, v48  }
0x62: {  	v1 =	vmul.f32 v1, v56;
	v3 =	vmul.f32 v3, v54  }
0x63: {  	v2 =	vmul.f32 v2, v58;
	v6 =	vmul.f32 v6, v56  }
0x64: {  	v7 =	vmul.f32 v7, v58;
	v8 =	vmul.f32 v8, v48  }
0x65: {  	v3 =	vadd.f32 v3, v5;
	v1 =	vadd.f32 v2, v1  }
0x66: {  	v2 =	vadd.f32 v7, v6;
	v4 =	vadd.f32 v4, v8  }
0x67: {  	v1 =	vadd.f32 v1, v3  }
0x68: {  	s25 =	simm.s32 $0x4040;
	v2 =	vadd.f32 v2, v4  }
0x69: {  	[tilespmem:s25+$0xFFFFFFC0] =	vst v1  }
0x6a: {  	[tilespmem:s25+$0x0] =	vst v2;
	v1 =	vld.idx.msk [tilespmem:v60+s3+$0x0], $0xffff  }
0x6b: {  	v2 =	vld.idx.msk [tilespmem:v63+s3+$0x100], $0xffff  }
0x6c: {  	v3 =	vld.idx.msk [tilespmem:v61+s3+$0x100], $0xffff  }
0x6d: {  	v4 =	vld.idx.msk [tilespmem:v63+s3+$0x0], $0xffff  }
0x6e: {  	v5 =	vld.idx.msk [tilespmem:v60+s3+$0x100], $0xffff  }
0x6f: {  	v6 =	vld.idx.msk [tilespmem:v62+s3+$0x0], $0xffff  }
0x70: {  	v7 =	vld.idx.msk [tilespmem:v61+s3+$0x0], $0xffff  }
0x71: {  	s26 =	simm.s32 $0x200;
	v8 =	vld.idx.msk [tilespmem:v62+s3+$0x100], $0xffff  }
0x72: {  	v9 =	vld.idx.msk [tilespmem:v57+s26+$0x0], $0xffff  }
0x73: {  	v10 =	vld.idx.msk [tilespmem:v59+s26+$0x0], $0xffff;
	v5 =	vmul.f32 v5, v52;
	v2 =	vmul.f32 v2, v49  }
0x74: {  	v11 =	vld.idx.msk [tilespmem:v55+s26+$0x0], $0xffff;
	v1 =	vmul.f32 v1, v52;
	v6 =	vmul.f32 v6, v53  }
0x75: {  	v12 =	vld.idx.msk [tilespmem:v55+s26+$0x100], $0xffff;
	v4 =	vmul.f32 v4, v49;
	v7 =	vmul.f32 v7, v50  }
0x76: {  	v13 =	vld.idx.msk [tilespmem:v51+s26+$0x0], $0xffff;
	v3 =	vmul.f32 v3, v50;
	v8 =	vmul.f32 v8, v53  }
0x77: {  	s29 =	simm.s32 $0x400;
	v14 =	vld.idx.msk [tilespmem:v57+s26+$0x100], $0xffff;
	v1 =	vadd.f32 v4, v1;
	v4 =	vadd.f32 v6, v7  }
0x78: {  	v16 =	vld.idx.msk [tilespmem:v55+s29+$0x0], $0xffff;
	v2 =	vadd.f32 v2, v5;
	v3 =	vadd.f32 v8, v3  }
0x79: {  	v5 =	vld.idx.msk [tilespmem:v59+s26+$0x100], $0xffff;
	v1 =	vadd.f32 v4, v1  }
0x7a: {  	v4 =	vld.idx.msk [tilespmem:v51+s26+$0x100], $0xffff;
	v2 =	vadd.f32 v3, v2  }
0x7b: {  	v17 =	vld.idx.msk [tilespmem:v55+s29+$0x100], $0xffff;
	v6 =	vmul.f32 v9, v56;
	v7 =	vmul.f32 v11, v54;
	[tilespmem:s25+$0xFFFFFFD0] =	vst v1  }
0x7c: {  	v8 =	vmul.f32 v10, v58;
	v1 =	vmul.f32 v13, v48;
	[tilespmem:s25+$0x10] =	vst v2;
	v2 =	vld.idx.msk [tilespmem:v47+s3+$0x0], $0xffff  }
0x7d: {  	v9 =	vmul.f32 v14, v56;
	v10 =	vld.idx.msk [tilespmem:v47+s3+$0x100], $0xffff  }
0x7e: {  	v3 =	vmul.f32 v12, v54;
	v6 =	vadd.f32 v8, v6;
	v11 =	vld.idx.msk [tilespmem:v44+s3+$0x100], $0xffff;
	v1 =	vadd.f32 v7, v1  }
0x7f: {  	v5 =	vmul.f32 v5, v58;
	v7 =	vld.idx.msk [tilespmem:v46+s3+$0x100], $0xffff;
	v4 =	vmul.f32 v4, v48  }
0x80: {  	v1 =	vadd.f32 v6, v1;
	v6 =	vld.idx.msk [tilespmem:v46+s3+$0x0], $0xffff  }
0x81: {  	s28 =	simm.s32 $0x40C0;
	v5 =	vadd.f32 v5, v9;
	v3 =	vadd.f32 v3, v4;
	v4 =	vld.idx.msk [tilespmem:v45+s3+$0x100], $0xffff  }
0x82: {  	[tilespmem:s28+$0xFFFFFFC0] =	vst v1;
	v1 =	vld.idx.msk [tilespmem:v44+s3+$0x0], $0xffff  }
0x83: {  	v3 =	vadd.f32 v5, v3;
	v5 =	vld.idx.msk [tilespmem:v45+s3+$0x0], $0xffff  }
0x84: {  	v8 =	vld.idx.msk [tilespmem:v60+s26+$0x0], $0xffff  }
0x85: {  	v11 =	vmul.f32 v11, v40;
	v10 =	vmul.f32 v10, v42;
	v12 =	vld.idx.msk [tilespmem:v63+s26+$0x0], $0xffff  }
0x86: {  	v15 =	vld.idx.msk [tilespmem:v62+s26+$0x0], $0xffff  }
0x87: {  	v10 =	vadd.f32 v10, v11;
	v11 =	vld.idx.msk [tilespmem:v57+s29+$0x0], $0xffff;
	[tilespmem:s28+$0x0] =	vst v3  }
0x88: {  	v3 =	vld.idx.msk [tilespmem:v63+s26+$0x100], $0xffff  }
0x89: {  	v7 =	vmul.f32 v7, v41;
	v9 =	vld.idx.msk [tilespmem:v61+s26+$0x100], $0xffff;
	v4 =	vmul.f32 v4, v43  }
0x8a: {  	v13 =	vld.idx.msk [tilespmem:v60+s26+$0x100], $0xffff  }
0x8b: {  	v2 =	vmul.f32 v2, v42;
	v6 =	vmul.f32 v6, v41;
	v14 =	vld.idx.msk [tilespmem:v62+s26+$0x100], $0xffff;
	v4 =	vadd.f32 v7, v4  }
0x8c: {  	v1 =	vmul.f32 v1, v40;
	v7 =	vld.idx.msk [tilespmem:v61+s26+$0x0], $0xffff;
	v5 =	vmul.f32 v5, v43  }
0x8d: {  	v4 =	vadd.f32 v4, v10;
	v10 =	vld.idx.msk [tilespmem:v59+s29+$0x0], $0xffff  }
0x8e: {  	v1 =	vadd.f32 v2, v1;
	v2 =	vadd.f32 v6, v5;
	v5 =	vld.idx.msk [tilespmem:v51+s29+$0x0], $0xffff  }
0x8f: {  	v12 =	vmul.f32 v12, v49;
	v6 =	vld.idx.msk [tilespmem:v57+s29+$0x100], $0xffff  }
0x90: {  	[tilespmem:s25+$0x20] =	vst v4;
	v4 =	vmul.f32 v8, v52;
	v1 =	vadd.f32 v2, v1;
	v2 =	vld.idx.msk [tilespmem:v59+s29+$0x100], $0xffff  }
0x91: {  	v8 =	vmul.f32 v15, v53;
	v15 =	vld.idx.msk [tilespmem:v36+s3+$0x100], $0xffff;
	v7 =	vmul.f32 v7, v50  }
0x92: {  	v3 =	vmul.f32 v3, v49;
	v9 =	vmul.f32 v9, v50;
	v18 =	vld.idx.msk [tilespmem:v39+s3+$0x100], $0xffff  }
0x93: {  	v4 =	vadd.f32 v12, v4;
	[tilespmem:s25+$0xFFFFFFE0] =	vst v1;
	v1 =	vld.idx.msk [tilespmem:v51+s29+$0x100], $0xffff;
	v7 =	vadd.f32 v8, v7  }
0x94: {  	v12 =	vmul.f32 v14, v53;
	v8 =	vmul.f32 v13, v52;
	v14 =	vld.idx.msk [tilespmem:v38+s3+$0x0], $0xffff  }
0x95: {  	v4 =	vadd.f32 v7, v4;
	v7 =	vld.idx.msk [tilespmem:v38+s3+$0x100], $0xffff  }
0x96: {  	v3 =	vadd.f32 v3, v8;
	v8 =	vadd.f32 v12, v9;
	v12 =	vld.idx.msk [tilespmem:v37+s3+$0x100], $0xffff  }
0x97: {  	v16 =	vmul.f32 v16, v54;
	[tilespmem:s28+$0xFFFFFFD0] =	vst v4;
	v4 =	vld.idx.msk [tilespmem:v39+s3+$0x0], $0xffff  }
0x98: {  	v5 =	vmul.f32 v5, v48;
	v3 =	vadd.f32 v8, v3;
	v8 =	vmul.f32 v17, v54;
	v17 =	vld.idx.msk [tilespmem:v37+s3+$0x0], $0xffff  }
0x99: {  	v6 =	vmul.f32 v6, v56;
	v2 =	vmul.f32 v2, v58;
	v9 =	vld.idx.msk [tilespmem:v47+s26+$0x0], $0xffff  }
0x9a: {  	v1 =	vmul.f32 v1, v48;
	[tilespmem:s28+$0x10] =	vst v3;
	v3 =	vmul.f32 v11, v56;
	v11 =	vld.idx.msk [tilespmem:v36+s3+$0x0], $0xffff  }
0x9b: {  	v10 =	vmul.f32 v10, v58;
	v5 =	vadd.f32 v16, v5;
	v16 =	vld.idx.msk [tilespmem:v47+s26+$0x100], $0xffff  }
0x9c: {  	v13 =	vmul.f32 v18, v35;
	v6 =	vadd.f32 v2, v6;
	v1 =	vadd.f32 v8, v1;
	v18 =	vld.idx.msk [tilespmem:v46+s26+$0x100], $0xffff  }
0x9d: {  	v2 =	vmul.f32 v12, v33;
	v12 =	vmul.f32 v15, v34;
	v3 =	vadd.f32 v10, v3;
	v10 =	vld.idx.msk [tilespmem:v44+s26+$0x100], $0xffff  }
0x9e: {  	v7 =	vmul.f32 v7, v32;
	v1 =	vadd.f32 v6, v1;
	v6 =	vld.idx.msk [tilespmem:v45+s26+$0x0], $0xffff  }
0x9f: {  	v8 =	vadd.f32 v12, v2;
	v2 =	vld.idx.msk [tilespmem:v46+s26+$0x0], $0xffff;
	v5 =	vadd.f32 v3, v5  }
0xa0: {  	s30 =	simm.s32 $0x4140;
	v7 =	vadd.f32 v7, v13;
	v12 =	vmul.f32 v4, v35;
	v13 =	vmul.f32 v14, v32;
	v4 =	vld.idx.msk [tilespmem:v44+s26+$0x0], $0xffff  }
0xa1: {  	v14 =	vmul.f32 v17, v33;
	v3 =	vld.idx.msk [tilespmem:v45+s26+$0x100], $0xffff;
	v11 =	vmul.f32 v11, v34;
	[tilespmem:s30+$0xFFFFFFC0] =	vst v5  }
0xa2: {  	[tilespmem:s30+$0x0] =	vst v1;
	v8 =	vadd.f32 v8, v7;
	v5 =	vld.idx.msk [tilespmem:v60+s29+$0x0], $0xffff  }
0xa3: {  	v1 =	vadd.f32 v13, v12;
	v13 =	vadd.f32 v11, v14;
	v11 =	vld.idx.msk [tilespmem:v63+s29+$0x100], $0xffff  }
0xa4: {  	v12 =	vmul.f32 v16, v42;
	v10 =	vmul.f32 v10, v40;
	[tilespmem:s25+$0x30] =	vst v8;
	v8 =	vld.idx.msk [tilespmem:v61+s29+$0x100], $0xffff  }
0xa5: {  	s31 =	simm.s32 $0x4;
	s0 =	simm.s32 $0x600;
	v7 =	vmul.f32 v9, v42;
	v9 =	vld.idx.msk [tilespmem:v63+s29+$0x0], $0xffff;
	v1 =	vadd.f32 v13, v1;
	v13 =	vmul.f32 v18, v41  }
.LBB2_2:
0xa6: {  	s31 =	sadd.s32 $0x2, s31;
	v14 =	vld.idx.msk [tilespmem:v60+s29+$0x100], $0xffff;
	v6 =	vmul.f32 v6, v43;
	v3 =	vmul.f32 v3, v43;
	v10 =	vadd.f32 v12, v10  }
0xa7: {  	v4 =	vmul.f32 v4, v40;
	v2 =	vmul.f32 v2, v41;
	p0 =	slt.u32 s31, $0x1E;
	v12 =	vld.idx.msk [tilespmem:v62+s29+$0x100], $0xffff  }
0xa8: {  	v15 =	vld.idx.msk [tilespmem:v62+s29+$0x0], $0xffff;
	v3 =	vadd.f32 v13, v3  }
0xa9: {  	v4 =	vadd.f32 v7, v4;
	v2 =	vadd.f32 v2, v6;
	v13 =	vld.idx.msk [tilespmem:v61+s29+$0x0], $0xffff  }
0xaa: {  	v6 =	vld.idx.msk [tilespmem:v57+s0+$0x0], $0xffff;
	v3 =	vadd.f32 v3, v10  }
0xab: {  	v2 =	vadd.f32 v2, v4;
	v7 =	vld.idx.msk [tilespmem:v59+s0+$0x0], $0xffff  }
0xac: {  	v11 =	vmul.f32 v11, v49;
	v10 =	vmul.f32 v14, v52;
	v4 =	vld.idx.msk [tilespmem:v55+s0+$0x0], $0xffff;
	[tilespmem:s25+$0xFFFFFFF0] =	vst v1;
	s25 =	smov.u32 s28;
	s28 =	smov.u32 s30  }
0xad: {  	v8 =	vmul.f32 v8, v50;
	v12 =	vmul.f32 v12, v53;
	v1 =	vld.idx.msk [tilespmem:v55+s0+$0x100], $0xffff;
	[tilespmem:s25+$0x20] =	vst v3  }
0xae: {  	v3 =	vmul.f32 v5, v52;
	v5 =	vmul.f32 v15, v53;
	v10 =	vadd.f32 v11, v10;
	v11 =	vld.idx.msk [tilespmem:v36+s26+$0x100], $0xffff  }
0xaf: {  	v9 =	vmul.f32 v9, v49;
	v13 =	vmul.f32 v13, v50;
	v8 =	vadd.f32 v12, v8;
	v12 =	vld.idx.msk [tilespmem:v39+s26+$0x100], $0xffff  }
0xb0: {  	v14 =	vld.idx.msk [tilespmem:v51+s0+$0x0], $0xffff;
	[tilespmem:s25+$0xFFFFFFE0] =	vst v2  }
0xb1: {  	v3 =	vadd.f32 v9, v3;
	v5 =	vadd.f32 v5, v13;
	v2 =	vld.idx.msk [tilespmem:v57+s0+$0x100], $0xffff  }
0xb2: {  	v8 =	vadd.f32 v8, v10;
	v9 =	vld.idx.msk [tilespmem:v59+s0+$0x100], $0xffff  }
0xb3: {  	v3 =	vadd.f32 v5, v3;
	v5 =	vld.idx.msk [tilespmem:v38+s26+$0x100], $0xffff  }
0xb4: {  	v10 =	vld.idx.msk [tilespmem:v51+s0+$0x100], $0xffff;
	[tilespmem:s30+$0x10] =	vst v8  }
0xb5: {  	v1 =	vmul.f32 v1, v54;
	v8 =	vmul.f32 v12, v35;
	[tilespmem:s30+$0xFFFFFFD0] =	vst v3;
	v3 =	vld.idx.msk [tilespmem:v39+s26+$0x0], $0xffff  }
0xb6: {  	v12 =	vld.idx.msk [tilespmem:v47+s29+$0x0], $0xffff  }
0xb7: {  	v13 =	vmul.f32 v14, v48;
	v14 =	vld.idx.msk [tilespmem:v37+s26+$0x100], $0xffff  }
0xb8: {  	v6 =	vmul.f32 v6, v56;
	v15 =	vld.idx.msk [tilespmem:v38+s26+$0x0], $0xffff  }
0xb9: {  	v7 =	vmul.f32 v7, v58;
	v4 =	vmul.f32 v4, v54;
	v16 =	vld.idx.msk [tilespmem:v37+s26+$0x0], $0xffff  }
0xba: {  	s30 =	sadd.s32 $0x80, s30;
	v2 =	vmul.f32 v2, v56;
	v9 =	vmul.f32 v9, v58;
	v17 =	vld.idx.msk [tilespmem:v36+s26+$0x0], $0xffff;
	s26 =	smov.u32 s29;
	s29 =	smov.u32 s0  }
0xbb: {  	v6 =	vadd.f32 v7, v6;
	v4 =	vadd.f32 v4, v13;
	v7 =	vmul.f32 v3, v35;
	v13 =	vld.idx.msk [tilespmem:v47+s26+$0x100], $0xffff  }
0xbc: {  	v9 =	vadd.f32 v9, v2;
	v2 =	vmul.f32 v5, v32;
	v3 =	vmul.f32 v10, v48;
	v10 =	vld.idx.msk [tilespmem:v44+s26+$0x100], $0xffff  }
0xbd: {  	v4 =	vadd.f32 v6, v4;
	v6 =	vmul.f32 v11, v34;
	v5 =	vmul.f32 v14, v33;
	v18 =	vld.idx.msk [tilespmem:v46+s26+$0x100], $0xffff  }
0xbe: {  	v8 =	vadd.f32 v2, v8;
	v1 =	vadd.f32 v1, v3;
	v11 =	vmul.f32 v15, v32;
	v3 =	vld.idx.msk [tilespmem:v45+s26+$0x100], $0xffff  }
0xbf: {  	v5 =	vadd.f32 v6, v5;
	[tilespmem:s30+$0xFFFFFFC0] =	vst v4;
	v2 =	vld.idx.msk [tilespmem:v46+s26+$0x0], $0xffff  }
0xc0: {  	v1 =	vadd.f32 v9, v1;
	v9 =	vmul.f32 v16, v33;
	v14 =	vmul.f32 v17, v34;
	v6 =	vld.idx.msk [tilespmem:v45+s26+$0x0], $0xffff  }
.Ltmp0:
0xc1: {  	v15 =	vadd.f32 v11, v7;
	v8 =	vadd.f32 v5, v8;
	v4 =	vld.idx.msk [tilespmem:v44+s26+$0x0], $0xffff;
	(pc) =	sbr.rel @p0 .LBB2_2-.Ltmp0, $4  }
0xc2: {  	v10 =	vmul.f32 v10, v40;
	v5 =	vld.idx.msk [tilespmem:v60+s0+$0x0], $0xffff;
	[tilespmem:s30+$0x0] =	vst v1;
	v1 =	vadd.f32 v14, v9  }
0xc3: {  	v7 =	vmul.f32 v12, v42;
	v12 =	vmul.f32 v13, v42;
	v11 =	vld.idx.msk [tilespmem:v63+s0+$0x100], $0xffff;
	[tilespmem:s25+$0x30] =	vst v8  }
0xc4: {  	v8 =	vld.idx.msk [tilespmem:v61+s0+$0x100], $0xffff;
	v1 =	vadd.f32 v1, v15  }
0xc5: {  	v13 =	vmul.f32 v18, v41;
	s0 =	sadd.s32 $0x200, s0;
	v9 =	vld.idx.msk [tilespmem:v63+s29+$0x0], $0xffff  }
0xc6: {  	_ =	sdelay $0x3  }
0xc7: {  	v14 =	vld.idx.msk [tilespmem:v60+s29+$0x100], $0xffff  }
0xc8: {  	v15 =	vld.idx.msk [tilespmem:v62+s29+$0x0], $0xffff  }
0xc9: {  	v16 =	vld.idx.msk [tilespmem:v61+s29+$0x0], $0xffff  }
0xca: {  	v17 =	vld.idx.msk [tilespmem:v62+s29+$0x100], $0xffff;
	_ =	sdelay $0x1  }
0xcb: {  	v5 =	vmul.f32 v5, v52;
	v11 =	vmul.f32 v11, v49  }
0xcc: {  	v8 =	vmul.f32 v8, v50;
	v9 =	vmul.f32 v9, v49  }
0xcd: {  	v15 =	vmul.f32 v15, v53;
	v16 =	vmul.f32 v16, v50  }
0xce: {  	v14 =	vmul.f32 v14, v52;
	v17 =	vmul.f32 v17, v53  }
0xcf: {  	v5 =	vadd.f32 v9, v5;
	v9 =	vadd.f32 v15, v16  }
0xd0: {  	v11 =	vadd.f32 v11, v14;
	v8 =	vadd.f32 v17, v8  }
0xd1: {  	v5 =	vadd.f32 v9, v5  }
0xd2: {  	v8 =	vadd.f32 v8, v11  }
0xd3: {  	[tilespmem:s30+$0xFFFFFFD0] =	vst v5  }
0xd4: {  	[tilespmem:s30+$0x10] =	vst v8;
	v5 =	vld.idx.msk [tilespmem:v47+s29+$0x0], $0xffff  }
0xd5: {  	v3 =	vmul.f32 v3, v43;
	v8 =	vld.idx.msk [tilespmem:v47+s29+$0x100], $0xffff  }
0xd6: {  	v6 =	vmul.f32 v6, v43;
	v4 =	vmul.f32 v4, v40;
	v9 =	vld.idx.msk [tilespmem:v44+s29+$0x100], $0xffff  }
0xd7: {  	v10 =	vadd.f32 v12, v10;
	v2 =	vmul.f32 v2, v41;
	v3 =	vadd.f32 v13, v3;
	v11 =	vld.idx.msk [tilespmem:v46+s29+$0x100], $0xffff  }
0xd8: {  	v4 =	vadd.f32 v7, v4;
	v12 =	vld.idx.msk [tilespmem:v45+s29+$0x100], $0xffff  }
0xd9: {  	v2 =	vadd.f32 v2, v6;
	v3 =	vadd.f32 v3, v10;
	v10 =	vld.idx.msk [tilespmem:v46+s29+$0x0], $0xffff  }
0xda: {  	v6 =	vld.idx.msk [tilespmem:v45+s29+$0x0], $0xffff  }
0xdb: {  	v2 =	vadd.f32 v2, v4;
	[tilespmem:s28+$0x20] =	vst v3;
	v3 =	vld.idx.msk [tilespmem:v44+s29+$0x0], $0xffff  }
0xdc: {  	v4 =	vld.idx.msk [tilespmem:v36+s26+$0x100], $0xffff;
	v7 =	vmul.f32 v9, v40;
	v8 =	vmul.f32 v8, v42  }
0xdd: {  	[tilespmem:s28+$0xFFFFFFE0] =	vst v2;
	v2 =	vld.idx.msk [tilespmem:v38+s26+$0x100], $0xffff;
	v11 =	vmul.f32 v11, v41;
	v12 =	vmul.f32 v12, v43  }
0xde: {  	v13 =	vld.idx.msk [tilespmem:v39+s26+$0x0], $0xffff;
	v5 =	vmul.f32 v5, v42  }
0xdf: {  	v9 =	vld.idx.msk [tilespmem:v39+s26+$0x100], $0xffff;
	v6 =	vmul.f32 v6, v43;
	v7 =	vadd.f32 v8, v7;
	v8 =	vadd.f32 v11, v12  }
0xe0: {  	v3 =	vmul.f32 v3, v40;
	v10 =	vmul.f32 v10, v41;
	v11 =	vld.idx.msk [tilespmem:v37+s26+$0x100], $0xffff  }
0xe1: {  	v12 =	vld.idx.msk [tilespmem:v38+s26+$0x0], $0xffff;
	v7 =	vadd.f32 v8, v7  }
0xe2: {  	v3 =	vadd.f32 v5, v3;
	v5 =	vadd.f32 v10, v6;
	v6 =	vld.idx.msk [tilespmem:v36+s26+$0x0], $0xffff  }
0xe3: {  	v8 =	vld.idx.msk [tilespmem:v37+s26+$0x0], $0xffff;
	[tilespmem:s30+$0x20] =	vst v7  }
0xe4: {  	v3 =	vadd.f32 v5, v3;
	v5 =	vld.idx.msk [tilespmem:v36+s29+$0x100], $0xffff  }
0xe5: {  	v7 =	vld.idx.msk [tilespmem:v39+s29+$0x100], $0xffff  }
0xe6: {  	[tilespmem:s30+$0xFFFFFFE0] =	vst v3;
	v3 =	vld.idx.msk [tilespmem:v38+s29+$0x100], $0xffff  }
0xe7: {  	v10 =	vld.idx.msk [tilespmem:v39+s29+$0x0], $0xffff  }
0xe8: {  	v14 =	vld.idx.msk [tilespmem:v37+s29+$0x100], $0xffff  }
0xe9: {  	v2 =	vmul.f32 v2, v32;
	v9 =	vmul.f32 v9, v35;
	v15 =	vld.idx.msk [tilespmem:v38+s29+$0x0], $0xffff  }
0xea: {  	v4 =	vmul.f32 v4, v34;
	v11 =	vmul.f32 v11, v33;
	v16 =	vld.idx.msk [tilespmem:v37+s29+$0x0], $0xffff  }
0xeb: {  	v13 =	vmul.f32 v13, v35;
	v12 =	vmul.f32 v12, v32;
	v2 =	vadd.f32 v2, v9;
	v9 =	vld.idx.msk [tilespmem:v36+s29+$0x0], $0xffff  }
0xec: {  	v6 =	vmul.f32 v6, v34;
	v4 =	vadd.f32 v4, v11;
	v8 =	vmul.f32 v8, v33  }
0xed: {  	v11 =	vadd.f32 v12, v13;
	v7 =	vmul.f32 v7, v35;
	v10 =	vmul.f32 v10, v35  }
0xee: {  	v6 =	vadd.f32 v6, v8;
	v3 =	vmul.f32 v3, v32;
	v8 =	vmul.f32 v14, v33  }
0xef: {  	v2 =	vadd.f32 v4, v2;
	v4 =	vmul.f32 v5, v34;
	v5 =	vmul.f32 v15, v32  }
0xf0: {  	v9 =	vmul.f32 v9, v34;
	v6 =	vadd.f32 v6, v11;
	v11 =	vmul.f32 v16, v33  }
0xf1: {  	v3 =	vadd.f32 v3, v7;
	v4 =	vadd.f32 v4, v8  }
0xf2: {  	[tilespmem:s25+$0xFFFFFFF0] =	vst v1;
	v1 =	vadd.f32 v5, v10;
	v5 =	vadd.f32 v9, v11  }
0xf3: {  	[tilespmem:s28+$0x30] =	vst v2;
	v2 =	vadd.f32 v4, v3  }
0xf4: {  	[tilespmem:s28+$0xFFFFFFF0] =	vst v6;
	v1 =	vadd.f32 v5, v1  }
0xf5: {  	[tilespmem:s30+$0x30] =	vst v2  }
0xf6: {  	[tilespmem:s30+$0xFFFFFFF0] =	vst v1  }
0xf7: {  	[hbm4b:s7+s3] =	stream.linear.scatter [tilespmem:s19], [sflag:$0x3], $0x800, $0x38;
	[tilespmem:$0x5300] =	vst v63  }
0xf8: {  	_ = 	snop  }
0xf9: {  	[tilespmem:s3], [sflag:$0x1] =	stream.linear.gather [hbm4b:s8+s3], $0x2000, $0x38;
	[tilespmem:$0x5300] =	vst v63  }
0xfa: {  	_ =	swait.ge [sflag:s20], $0x2000  }
0xfb: {  	[sflag:s20] =	ssyncset.done $0x0  }
0xfc: {  	s30 =	simm.s32 $0x2000;
	[sflag:s20] =	ssyncadd.s32 $0xFFFFE000  }
0xfd: {  	v1 =	vld.idx.msk [tilespmem:v57+s30+$0x0], $0xffff  }
0xfe: {  	v2 =	vld.idx.msk [tilespmem:v59+s30+$0x0], $0xffff  }
0xff: {  	v3 =	vld.idx.msk [tilespmem:v55+s30+$0x0], $0xffff  }
0x100: {  	v4 =	vld.idx.msk [tilespmem:v55+s30+$0x100], $0xffff  }
0x101: {  	v5 =	vld.idx.msk [tilespmem:v51+s30+$0x0], $0xffff  }
0x102: {  	v6 =	vld.idx.msk [tilespmem:v57+s30+$0x100], $0xffff  }
0x103: {  	v7 =	vld.idx.msk [tilespmem:v59+s30+$0x100], $0xffff  }
0x104: {  	v8 =	vld.idx.msk [tilespmem:v51+s30+$0x100], $0xffff;
	_ =	sdelay $0x1  }
0x105: {  	v4 =	vmul.f32 v4, v54;
	v5 =	vmul.f32 v5, v48  }
0x106: {  	v1 =	vmul.f32 v1, v56;
	v3 =	vmul.f32 v3, v54  }
0x107: {  	v2 =	vmul.f32 v2, v58;
	v6 =	vmul.f32 v6, v56  }
0x108: {  	v7 =	vmul.f32 v7, v58;
	v8 =	vmul.f32 v8, v48  }
0x109: {  	v3 =	vadd.f32 v3, v5;
	v1 =	vadd.f32 v2, v1  }
0x10a: {  	v2 =	vadd.f32 v7, v6;
	v4 =	vadd.f32 v4, v8  }
0x10b: {  	v1 =	vadd.f32 v1, v3  }
0x10c: {  	s25 =	simm.s32 $0x4870;
	v2 =	vadd.f32 v2, v4  }
0x10d: {  	[tilespmem:s25+$0xFFFFFF90] =	vst v1  }
0x10e: {  	[tilespmem:s25+$0xFFFFFFD0] =	vst v2;
	v1 =	vld.idx.msk [tilespmem:v60+s30+$0x0], $0xffff  }
0x10f: {  	v2 =	vld.idx.msk [tilespmem:v63+s30+$0x100], $0xffff  }
0x110: {  	v3 =	vld.idx.msk [tilespmem:v61+s30+$0x100], $0xffff  }
0x111: {  	v4 =	vld.idx.msk [tilespmem:v63+s30+$0x0], $0xffff  }
0x112: {  	v5 =	vld.idx.msk [tilespmem:v60+s30+$0x100], $0xffff  }
0x113: {  	v6 =	vld.idx.msk [tilespmem:v62+s30+$0x0], $0xffff  }
0x114: {  	v7 =	vld.idx.msk [tilespmem:v61+s30+$0x0], $0xffff  }
0x115: {  	s26 =	simm.s32 $0x2200;
	v8 =	vld.idx.msk [tilespmem:v62+s30+$0x100], $0xffff  }
0x116: {  	v9 =	vld.idx.msk [tilespmem:v57+s26+$0x0], $0xffff  }
0x117: {  	v10 =	vld.idx.msk [tilespmem:v59+s26+$0x0], $0xffff;
	v5 =	vmul.f32 v5, v52;
	v2 =	vmul.f32 v2, v49  }
0x118: {  	v11 =	vld.idx.msk [tilespmem:v55+s26+$0x0], $0xffff;
	v1 =	vmul.f32 v1, v52;
	v6 =	vmul.f32 v6, v53  }
0x119: {  	v12 =	vld.idx.msk [tilespmem:v55+s26+$0x100], $0xffff;
	v4 =	vmul.f32 v4, v49;
	v7 =	vmul.f32 v7, v50  }
0x11a: {  	v13 =	vld.idx.msk [tilespmem:v51+s26+$0x0], $0xffff;
	v3 =	vmul.f32 v3, v50;
	v8 =	vmul.f32 v8, v53  }
0x11b: {  	s29 =	simm.s32 $0x2400;
	v14 =	vld.idx.msk [tilespmem:v57+s26+$0x100], $0xffff;
	v1 =	vadd.f32 v4, v1;
	v4 =	vadd.f32 v6, v7  }
0x11c: {  	v16 =	vld.idx.msk [tilespmem:v55+s29+$0x0], $0xffff;
	v2 =	vadd.f32 v2, v5;
	v3 =	vadd.f32 v8, v3  }
0x11d: {  	v5 =	vld.idx.msk [tilespmem:v59+s26+$0x100], $0xffff;
	v1 =	vadd.f32 v4, v1  }
0x11e: {  	v4 =	vld.idx.msk [tilespmem:v51+s26+$0x100], $0xffff;
	v2 =	vadd.f32 v3, v2  }
0x11f: {  	v17 =	vld.idx.msk [tilespmem:v55+s29+$0x100], $0xffff;
	v6 =	vmul.f32 v9, v56;
	v7 =	vmul.f32 v11, v54;
	[tilespmem:s25+$0xFFFFFFA0] =	vst v1  }
0x120: {  	v8 =	vmul.f32 v10, v58;
	v1 =	vmul.f32 v13, v48;
	[tilespmem:s25+$0xFFFFFFE0] =	vst v2;
	v2 =	vld.idx.msk [tilespmem:v47+s30+$0x0], $0xffff  }
0x121: {  	v9 =	vmul.f32 v14, v56;
	v10 =	vld.idx.msk [tilespmem:v47+s30+$0x100], $0xffff  }
0x122: {  	v3 =	vmul.f32 v12, v54;
	v6 =	vadd.f32 v8, v6;
	v11 =	vld.idx.msk [tilespmem:v44+s30+$0x100], $0xffff;
	v1 =	vadd.f32 v7, v1  }
0x123: {  	v5 =	vmul.f32 v5, v58;
	v7 =	vld.idx.msk [tilespmem:v46+s30+$0x100], $0xffff;
	v4 =	vmul.f32 v4, v48  }
0x124: {  	v1 =	vadd.f32 v6, v1;
	v6 =	vld.idx.msk [tilespmem:v46+s30+$0x0], $0xffff  }
0x125: {  	s28 =	simm.s32 $0x48F0;
	v5 =	vadd.f32 v5, v9;
	v3 =	vadd.f32 v3, v4;
	v4 =	vld.idx.msk [tilespmem:v45+s30+$0x100], $0xffff  }
0x126: {  	[tilespmem:s28+$0xFFFFFF90] =	vst v1;
	v1 =	vld.idx.msk [tilespmem:v44+s30+$0x0], $0xffff  }
0x127: {  	v3 =	vadd.f32 v5, v3;
	v5 =	vld.idx.msk [tilespmem:v45+s30+$0x0], $0xffff  }
0x128: {  	v8 =	vld.idx.msk [tilespmem:v60+s26+$0x0], $0xffff  }
0x129: {  	v11 =	vmul.f32 v11, v40;
	v10 =	vmul.f32 v10, v42;
	v12 =	vld.idx.msk [tilespmem:v63+s26+$0x0], $0xffff  }
0x12a: {  	v15 =	vld.idx.msk [tilespmem:v62+s26+$0x0], $0xffff  }
0x12b: {  	v10 =	vadd.f32 v10, v11;
	v11 =	vld.idx.msk [tilespmem:v57+s29+$0x0], $0xffff;
	[tilespmem:s28+$0xFFFFFFD0] =	vst v3  }
0x12c: {  	v3 =	vld.idx.msk [tilespmem:v63+s26+$0x100], $0xffff  }
0x12d: {  	v7 =	vmul.f32 v7, v41;
	v9 =	vld.idx.msk [tilespmem:v61+s26+$0x100], $0xffff;
	v4 =	vmul.f32 v4, v43  }
0x12e: {  	v13 =	vld.idx.msk [tilespmem:v60+s26+$0x100], $0xffff  }
0x12f: {  	v2 =	vmul.f32 v2, v42;
	v6 =	vmul.f32 v6, v41;
	v14 =	vld.idx.msk [tilespmem:v62+s26+$0x100], $0xffff;
	v4 =	vadd.f32 v7, v4  }
0x130: {  	v1 =	vmul.f32 v1, v40;
	v7 =	vld.idx.msk [tilespmem:v61+s26+$0x0], $0xffff;
	v5 =	vmul.f32 v5, v43  }
0x131: {  	v4 =	vadd.f32 v4, v10;
	v10 =	vld.idx.msk [tilespmem:v59+s29+$0x0], $0xffff  }
0x132: {  	v1 =	vadd.f32 v2, v1;
	v2 =	vadd.f32 v6, v5;
	v5 =	vld.idx.msk [tilespmem:v51+s29+$0x0], $0xffff  }
0x133: {  	v12 =	vmul.f32 v12, v49;
	v6 =	vld.idx.msk [tilespmem:v57+s29+$0x100], $0xffff  }
0x134: {  	[tilespmem:s25+$0xFFFFFFF0] =	vst v4;
	v4 =	vmul.f32 v8, v52;
	v1 =	vadd.f32 v2, v1;
	v2 =	vld.idx.msk [tilespmem:v59+s29+$0x100], $0xffff  }
0x135: {  	v8 =	vmul.f32 v15, v53;
	v15 =	vld.idx.msk [tilespmem:v36+s30+$0x100], $0xffff;
	v7 =	vmul.f32 v7, v50  }
0x136: {  	v3 =	vmul.f32 v3, v49;
	v9 =	vmul.f32 v9, v50;
	v18 =	vld.idx.msk [tilespmem:v39+s30+$0x100], $0xffff  }
0x137: {  	v4 =	vadd.f32 v12, v4;
	[tilespmem:s25+$0xFFFFFFB0] =	vst v1;
	v1 =	vld.idx.msk [tilespmem:v51+s29+$0x100], $0xffff;
	v7 =	vadd.f32 v8, v7  }
0x138: {  	v12 =	vmul.f32 v14, v53;
	v8 =	vmul.f32 v13, v52;
	v13 =	vld.idx.msk [tilespmem:v38+s30+$0x0], $0xffff  }
0x139: {  	v14 =	vmul.f32 v16, v54;
	v16 =	vld.idx.msk [tilespmem:v37+s30+$0x0], $0xffff;
	v4 =	vadd.f32 v7, v4  }
0x13a: {  	v7 =	vld.idx.msk [tilespmem:v38+s30+$0x100], $0xffff;
	v3 =	vadd.f32 v3, v8;
	v8 =	vadd.f32 v12, v9  }
0x13b: {  	v12 =	vld.idx.msk [tilespmem:v37+s30+$0x100], $0xffff  }
0x13c: {  	[tilespmem:s28+$0xFFFFFFA0] =	vst v4;
	v4 =	vld.idx.msk [tilespmem:v39+s30+$0x0], $0xffff;
	v3 =	vadd.f32 v8, v3  }
0x13d: {  	v5 =	vmul.f32 v5, v48;
	v10 =	vmul.f32 v10, v58;
	v9 =	vld.idx.msk [tilespmem:v47+s26+$0x0], $0xffff  }
0x13e: {  	v6 =	vmul.f32 v6, v56;
	[tilespmem:s28+$0xFFFFFFE0] =	vst v3;
	v3 =	vmul.f32 v11, v56;
	v11 =	vld.idx.msk [tilespmem:v36+s30+$0x0], $0xffff  }
0x13f: {  	v5 =	vadd.f32 v14, v5;
	v8 =	vmul.f32 v17, v54;
	v1 =	vmul.f32 v1, v48;
	v14 =	vld.idx.msk [tilespmem:v47+s26+$0x100], $0xffff  }
0x140: {  	v2 =	vmul.f32 v2, v58;
	v17 =	vmul.f32 v18, v35;
	v19 =	vld.idx.msk [tilespmem:v46+s26+$0x100], $0xffff  }
0x141: {  	v1 =	vadd.f32 v8, v1;
	v8 =	vmul.f32 v15, v34;
	v3 =	vadd.f32 v10, v3;
	v10 =	vld.idx.msk [tilespmem:v44+s26+$0x100], $0xffff  }
0x142: {  	v18 =	vmul.f32 v4, v35;
	v4 =	vadd.f32 v2, v6;
	v6 =	vmul.f32 v7, v32;
	v2 =	vld.idx.msk [tilespmem:v46+s26+$0x0], $0xffff  }
0x143: {  	v15 =	vmul.f32 v16, v33;
	v7 =	vmul.f32 v12, v33;
	v5 =	vadd.f32 v3, v5;
	v3 =	vld.idx.msk [tilespmem:v45+s26+$0x100], $0xffff  }
0x144: {  	s30 =	simm.s32 $0x4970;
	v12 =	vmul.f32 v13, v32;
	v13 =	vadd.f32 v6, v17;
	v1 =	vadd.f32 v4, v1;
	v6 =	vld.idx.msk [tilespmem:v45+s26+$0x0], $0xffff  }
0x145: {  	v7 =	vadd.f32 v8, v7;
	v11 =	vmul.f32 v11, v34;
	v4 =	vld.idx.msk [tilespmem:v44+s26+$0x0], $0xffff;
	[tilespmem:s30+$0xFFFFFF90] =	vst v5  }
0x146: {  	v16 =	vadd.f32 v12, v18;
	v5 =	vld.idx.msk [tilespmem:v60+s29+$0x0], $0xffff;
	[tilespmem:s30+$0xFFFFFFD0] =	vst v1  }
0x147: {  	v1 =	vadd.f32 v7, v13;
	v8 =	vmul.f32 v10, v40;
	v10 =	vadd.f32 v11, v15;
	v11 =	vld.idx.msk [tilespmem:v63+s29+$0x100], $0xffff  }
0x148: {  	v12 =	vmul.f32 v14, v42;
	v7 =	vmul.f32 v9, v42;
	v9 =	vld.idx.msk [tilespmem:v61+s29+$0x100], $0xffff  }
0x149: {  	s31 =	simm.s32 $0x4;
	s0 =	simm.s32 $0x2600;
	v13 =	vmul.f32 v19, v41;
	[tilespmem:s25+$0x0] =	vst v1;
	v1 =	vadd.f32 v10, v16;
	v10 =	vld.idx.msk [tilespmem:v63+s29+$0x0], $0xffff  }
.LBB2_4:
0x14a: {  	s31 =	sadd.s32 $0x2, s31;
	v14 =	vld.idx.msk [tilespmem:v60+s29+$0x100], $0xffff;
	v6 =	vmul.f32 v6, v43;
	v3 =	vmul.f32 v3, v43;
	v8 =	vadd.f32 v12, v8  }
0x14b: {  	v4 =	vmul.f32 v4, v40;
	v2 =	vmul.f32 v2, v41;
	p0 =	slt.u32 s31, $0x1E;
	v12 =	vld.idx.msk [tilespmem:v62+s29+$0x100], $0xffff  }
0x14c: {  	v15 =	vld.idx.msk [tilespmem:v62+s29+$0x0], $0xffff;
	v3 =	vadd.f32 v13, v3  }
0x14d: {  	v4 =	vadd.f32 v7, v4;
	v2 =	vadd.f32 v2, v6;
	v13 =	vld.idx.msk [tilespmem:v61+s29+$0x0], $0xffff  }
0x14e: {  	v6 =	vld.idx.msk [tilespmem:v57+s0+$0x0], $0xffff;
	v3 =	vadd.f32 v3, v8  }
0x14f: {  	v2 =	vadd.f32 v2, v4;
	v7 =	vld.idx.msk [tilespmem:v59+s0+$0x0], $0xffff  }
0x150: {  	v11 =	vmul.f32 v11, v49;
	v8 =	vmul.f32 v14, v52;
	v4 =	vld.idx.msk [tilespmem:v55+s0+$0x0], $0xffff;
	[tilespmem:s25+$0xFFFFFFC0] =	vst v1;
	s25 =	smov.u32 s28;
	s28 =	smov.u32 s30  }
0x151: {  	v9 =	vmul.f32 v9, v50;
	v12 =	vmul.f32 v12, v53;
	v1 =	vld.idx.msk [tilespmem:v55+s0+$0x100], $0xffff;
	[tilespmem:s25+$0xFFFFFFF0] =	vst v3  }
0x152: {  	v3 =	vmul.f32 v5, v52;
	v5 =	vmul.f32 v15, v53;
	v8 =	vadd.f32 v11, v8;
	v11 =	vld.idx.msk [tilespmem:v36+s26+$0x100], $0xffff  }
0x153: {  	v10 =	vmul.f32 v10, v49;
	v13 =	vmul.f32 v13, v50;
	v9 =	vadd.f32 v12, v9;
	v12 =	vld.idx.msk [tilespmem:v39+s26+$0x100], $0xffff  }
0x154: {  	v14 =	vld.idx.msk [tilespmem:v51+s0+$0x0], $0xffff;
	[tilespmem:s25+$0xFFFFFFB0] =	vst v2  }
0x155: {  	v3 =	vadd.f32 v10, v3;
	v5 =	vadd.f32 v5, v13;
	v2 =	vld.idx.msk [tilespmem:v57+s0+$0x100], $0xffff  }
0x156: {  	v8 =	vadd.f32 v9, v8;
	v10 =	vld.idx.msk [tilespmem:v59+s0+$0x100], $0xffff  }
0x157: {  	v3 =	vadd.f32 v5, v3;
	v5 =	vld.idx.msk [tilespmem:v38+s26+$0x100], $0xffff  }
0x158: {  	v9 =	vld.idx.msk [tilespmem:v51+s0+$0x100], $0xffff;
	[tilespmem:s30+$0xFFFFFFE0] =	vst v8  }
0x159: {  	v1 =	vmul.f32 v1, v54;
	v8 =	vmul.f32 v12, v35;
	[tilespmem:s30+$0xFFFFFFA0] =	vst v3;
	v3 =	vld.idx.msk [tilespmem:v39+s26+$0x0], $0xffff  }
0x15a: {  	v12 =	vld.idx.msk [tilespmem:v47+s29+$0x0], $0xffff  }
0x15b: {  	v13 =	vmul.f32 v14, v48;
	v14 =	vld.idx.msk [tilespmem:v37+s26+$0x100], $0xffff  }
0x15c: {  	v6 =	vmul.f32 v6, v56;
	v15 =	vld.idx.msk [tilespmem:v38+s26+$0x0], $0xffff  }
0x15d: {  	v7 =	vmul.f32 v7, v58;
	v4 =	vmul.f32 v4, v54;
	v16 =	vld.idx.msk [tilespmem:v37+s26+$0x0], $0xffff  }
0x15e: {  	s30 =	sadd.s32 $0x80, s30;
	v2 =	vmul.f32 v2, v56;
	v10 =	vmul.f32 v10, v58;
	v17 =	vld.idx.msk [tilespmem:v36+s26+$0x0], $0xffff;
	s26 =	smov.u32 s29;
	s29 =	smov.u32 s0  }
0x15f: {  	v6 =	vadd.f32 v7, v6;
	v4 =	vadd.f32 v4, v13;
	v7 =	vmul.f32 v3, v35;
	v13 =	vld.idx.msk [tilespmem:v47+s26+$0x100], $0xffff  }
0x160: {  	v3 =	vmul.f32 v9, v48;
	v9 =	vadd.f32 v10, v2;
	v2 =	vmul.f32 v5, v32;
	v10 =	vld.idx.msk [tilespmem:v44+s26+$0x100], $0xffff  }
0x161: {  	v4 =	vadd.f32 v6, v4;
	v6 =	vmul.f32 v11, v34;
	v5 =	vmul.f32 v14, v33;
	v18 =	vld.idx.msk [tilespmem:v46+s26+$0x100], $0xffff  }
0x162: {  	v1 =	vadd.f32 v1, v3;
	v8 =	vadd.f32 v2, v8;
	v11 =	vmul.f32 v15, v32;
	v3 =	vld.idx.msk [tilespmem:v45+s26+$0x100], $0xffff  }
0x163: {  	v5 =	vadd.f32 v6, v5;
	[tilespmem:s30+$0xFFFFFF90] =	vst v4;
	v2 =	vld.idx.msk [tilespmem:v46+s26+$0x0], $0xffff  }
0x164: {  	v1 =	vadd.f32 v9, v1;
	v9 =	vmul.f32 v16, v33;
	v14 =	vmul.f32 v17, v34;
	v6 =	vld.idx.msk [tilespmem:v45+s26+$0x0], $0xffff  }
.Ltmp1:
0x165: {  	v15 =	vadd.f32 v11, v7;
	v16 =	vadd.f32 v5, v8;
	v4 =	vld.idx.msk [tilespmem:v44+s26+$0x0], $0xffff;
	(pc) =	sbr.rel @p0 .LBB2_4-.Ltmp1, $4  }
0x166: {  	v8 =	vmul.f32 v10, v40;
	v5 =	vld.idx.msk [tilespmem:v60+s0+$0x0], $0xffff;
	[tilespmem:s30+$0xFFFFFFD0] =	vst v1;
	v1 =	vadd.f32 v14, v9  }
0x167: {  	v7 =	vmul.f32 v12, v42;
	v12 =	vmul.f32 v13, v42;
	v11 =	vld.idx.msk [tilespmem:v63+s0+$0x100], $0xffff;
	[tilespmem:s25+$0x0] =	vst v16  }
0x168: {  	v9 =	vld.idx.msk [tilespmem:v61+s0+$0x100], $0xffff;
	v1 =	vadd.f32 v1, v15  }
0x169: {  	v13 =	vmul.f32 v18, v41;
	s0 =	sadd.s32 $0x200, s0;
	v10 =	vld.idx.msk [tilespmem:v63+s29+$0x0], $0xffff  }
0x16a: {  	_ =	sdelay $0x3  }
0x16b: {  	v14 =	vld.idx.msk [tilespmem:v60+s29+$0x100], $0xffff  }
0x16c: {  	v15 =	vld.idx.msk [tilespmem:v62+s29+$0x0], $0xffff  }
0x16d: {  	v16 =	vld.idx.msk [tilespmem:v61+s29+$0x0], $0xffff  }
0x16e: {  	v17 =	vld.idx.msk [tilespmem:v62+s29+$0x100], $0xffff;
	_ =	sdelay $0x1  }
0x16f: {  	v5 =	vmul.f32 v5, v52;
	v11 =	vmul.f32 v11, v49  }
0x170: {  	v9 =	vmul.f32 v9, v50;
	v10 =	vmul.f32 v10, v49  }
0x171: {  	v15 =	vmul.f32 v15, v53;
	v16 =	vmul.f32 v16, v50  }
0x172: {  	v14 =	vmul.f32 v14, v52;
	v17 =	vmul.f32 v17, v53  }
0x173: {  	v5 =	vadd.f32 v10, v5;
	v10 =	vadd.f32 v15, v16  }
0x174: {  	v11 =	vadd.f32 v11, v14;
	v9 =	vadd.f32 v17, v9  }
0x175: {  	v5 =	vadd.f32 v10, v5  }
0x176: {  	v9 =	vadd.f32 v9, v11  }
0x177: {  	[tilespmem:s30+$0xFFFFFFA0] =	vst v5  }
0x178: {  	[tilespmem:s30+$0xFFFFFFE0] =	vst v9;
	v5 =	vld.idx.msk [tilespmem:v47+s29+$0x0], $0xffff  }
0x179: {  	v3 =	vmul.f32 v3, v43;
	v9 =	vld.idx.msk [tilespmem:v47+s29+$0x100], $0xffff  }
0x17a: {  	v6 =	vmul.f32 v6, v43;
	v4 =	vmul.f32 v4, v40;
	v10 =	vld.idx.msk [tilespmem:v44+s29+$0x100], $0xffff  }
0x17b: {  	v8 =	vadd.f32 v12, v8;
	v2 =	vmul.f32 v2, v41;
	v3 =	vadd.f32 v13, v3;
	v11 =	vld.idx.msk [tilespmem:v46+s29+$0x100], $0xffff  }
0x17c: {  	v4 =	vadd.f32 v7, v4;
	v12 =	vld.idx.msk [tilespmem:v45+s29+$0x100], $0xffff  }
0x17d: {  	v2 =	vadd.f32 v2, v6;
	v3 =	vadd.f32 v3, v8;
	v8 =	vld.idx.msk [tilespmem:v46+s29+$0x0], $0xffff  }
0x17e: {  	v6 =	vld.idx.msk [tilespmem:v45+s29+$0x0], $0xffff  }
0x17f: {  	v2 =	vadd.f32 v2, v4;
	[tilespmem:s28+$0xFFFFFFF0] =	vst v3;
	v3 =	vld.idx.msk [tilespmem:v44+s29+$0x0], $0xffff  }
0x180: {  	v4 =	vld.idx.msk [tilespmem:v36+s26+$0x100], $0xffff;
	v7 =	vmul.f32 v10, v40;
	v9 =	vmul.f32 v9, v42  }
0x181: {  	[tilespmem:s28+$0xFFFFFFB0] =	vst v2;
	v2 =	vld.idx.msk [tilespmem:v38+s26+$0x100], $0xffff;
	v11 =	vmul.f32 v11, v41;
	v12 =	vmul.f32 v12, v43  }
0x182: {  	v13 =	vld.idx.msk [tilespmem:v39+s26+$0x0], $0xffff;
	v5 =	vmul.f32 v5, v42  }
0x183: {  	v10 =	vld.idx.msk [tilespmem:v39+s26+$0x100], $0xffff;
	v6 =	vmul.f32 v6, v43;
	v7 =	vadd.f32 v9, v7;
	v9 =	vadd.f32 v11, v12  }
0x184: {  	v3 =	vmul.f32 v3, v40;
	v8 =	vmul.f32 v8, v41;
	v11 =	vld.idx.msk [tilespmem:v37+s26+$0x100], $0xffff  }
0x185: {  	v12 =	vld.idx.msk [tilespmem:v38+s26+$0x0], $0xffff;
	v7 =	vadd.f32 v9, v7  }
0x186: {  	v3 =	vadd.f32 v5, v3;
	v5 =	vadd.f32 v8, v6;
	v6 =	vld.idx.msk [tilespmem:v36+s26+$0x0], $0xffff  }
0x187: {  	v9 =	vld.idx.msk [tilespmem:v37+s26+$0x0], $0xffff;
	[tilespmem:s30+$0xFFFFFFF0] =	vst v7  }
0x188: {  	v3 =	vadd.f32 v5, v3;
	v5 =	vld.idx.msk [tilespmem:v36+s29+$0x100], $0xffff  }
0x189: {  	v7 =	vld.idx.msk [tilespmem:v39+s29+$0x100], $0xffff  }
0x18a: {  	[tilespmem:s30+$0xFFFFFFB0] =	vst v3;
	v3 =	vld.idx.msk [tilespmem:v38+s29+$0x100], $0xffff  }
0x18b: {  	v8 =	vld.idx.msk [tilespmem:v39+s29+$0x0], $0xffff  }
0x18c: {  	v14 =	vld.idx.msk [tilespmem:v37+s29+$0x100], $0xffff  }
0x18d: {  	v2 =	vmul.f32 v2, v32;
	v10 =	vmul.f32 v10, v35;
	v15 =	vld.idx.msk [tilespmem:v38+s29+$0x0], $0xffff  }
0x18e: {  	v4 =	vmul.f32 v4, v34;
	v11 =	vmul.f32 v11, v33;
	v16 =	vld.idx.msk [tilespmem:v37+s29+$0x0], $0xffff  }
0x18f: {  	v13 =	vmul.f32 v13, v35;
	v12 =	vmul.f32 v12, v32;
	v2 =	vadd.f32 v2, v10;
	v10 =	vld.idx.msk [tilespmem:v36+s29+$0x0], $0xffff  }
0x190: {  	v6 =	vmul.f32 v6, v34;
	v4 =	vadd.f32 v4, v11;
	v9 =	vmul.f32 v9, v33  }
0x191: {  	v11 =	vadd.f32 v12, v13;
	v7 =	vmul.f32 v7, v35;
	v8 =	vmul.f32 v8, v35  }
0x192: {  	v6 =	vadd.f32 v6, v9;
	v3 =	vmul.f32 v3, v32;
	v9 =	vmul.f32 v14, v33  }
0x193: {  	v2 =	vadd.f32 v4, v2;
	v4 =	vmul.f32 v5, v34;
	v5 =	vmul.f32 v15, v32  }
0x194: {  	v10 =	vmul.f32 v10, v34;
	v6 =	vadd.f32 v6, v11;
	v11 =	vmul.f32 v16, v33  }
0x195: {  	v3 =	vadd.f32 v3, v7;
	v4 =	vadd.f32 v4, v9  }
0x196: {  	[tilespmem:s25+$0xFFFFFFC0] =	vst v1;
	v1 =	vadd.f32 v5, v8;
	v5 =	vadd.f32 v10, v11  }
0x197: {  	[tilespmem:s28+$0x0] =	vst v2;
	v2 =	vadd.f32 v4, v3  }
0x198: {  	[tilespmem:s28+$0xFFFFFFC0] =	vst v6;
	v1 =	vadd.f32 v5, v1  }
0x199: {  	[tilespmem:s30+$0x0] =	vst v2  }
0x19a: {  	[tilespmem:s30+$0xFFFFFFC0] =	vst v1;
	s30 =	simm.s32 $0x0  }
0x19b: {  	[hbm4b:s9+s30] =	stream.linear.scatter [tilespmem:s21], [sflag:$0x4], $0x800, $0x38;
	[tilespmem:$0x5300] =	vst v63  }
0x19c: {  	_ = 	snop  }
0x19d: {  	[tilespmem:s14], [sflag:$0x2] =	stream.linear.gather [hbm4b:s10+s30], $0x2000, $0x38;
	[tilespmem:$0x5300] =	vst v63  }
0x19e: {  	_ =	swait.ge [sflag:s18], $0x2000  }
0x19f: {  	[sflag:s18] =	ssyncset.done $0x0  }
0x1a0: {  	[sflag:s18] =	ssyncadd.s32 $0xFFFFE000  }
0x1a1: {  	_ =	swait.ge [sflag:s22], $0x800  }
0x1a2: {  	[sflag:s22] =	ssyncset.done $0x0  }
0x1a3: {  	[sflag:s22] =	ssyncadd.s32 $0xFFFFF800  }
0x1a4: {  	v1 =	vld.idx.msk [tilespmem:v57+s30+$0x0], $0xffff  }
0x1a5: {  	v2 =	vld.idx.msk [tilespmem:v59+s30+$0x0], $0xffff  }
0x1a6: {  	v3 =	vld.idx.msk [tilespmem:v55+s30+$0x0], $0xffff  }
0x1a7: {  	v4 =	vld.idx.msk [tilespmem:v55+s30+$0x100], $0xffff  }
0x1a8: {  	v5 =	vld.idx.msk [tilespmem:v51+s30+$0x0], $0xffff  }
0x1a9: {  	v6 =	vld.idx.msk [tilespmem:v57+s30+$0x100], $0xffff  }
0x1aa: {  	v7 =	vld.idx.msk [tilespmem:v59+s30+$0x100], $0xffff  }
0x1ab: {  	v8 =	vld.idx.msk [tilespmem:v51+s30+$0x100], $0xffff;
	_ =	sdelay $0x1  }
0x1ac: {  	v4 =	vmul.f32 v4, v54;
	v5 =	vmul.f32 v5, v48  }
0x1ad: {  	v1 =	vmul.f32 v1, v56;
	v3 =	vmul.f32 v3, v54  }
0x1ae: {  	v2 =	vmul.f32 v2, v58;
	v6 =	vmul.f32 v6, v56  }
0x1af: {  	v7 =	vmul.f32 v7, v58;
	v8 =	vmul.f32 v8, v48  }
0x1b0: {  	v3 =	vadd.f32 v3, v5;
	v1 =	vadd.f32 v2, v1  }
0x1b1: {  	v2 =	vadd.f32 v7, v6;
	v4 =	vadd.f32 v4, v8  }
0x1b2: {  	v1 =	vadd.f32 v1, v3  }
0x1b3: {  	s25 =	simm.s32 $0x4040;
	v2 =	vadd.f32 v2, v4  }
0x1b4: {  	[tilespmem:s25+$0xFFFFFFC0] =	vst v1  }
0x1b5: {  	[tilespmem:s25+$0x0] =	vst v2;
	v1 =	vld.idx.msk [tilespmem:v60+s30+$0x0], $0xffff  }
0x1b6: {  	v2 =	vld.idx.msk [tilespmem:v63+s30+$0x100], $0xffff  }
0x1b7: {  	v3 =	vld.idx.msk [tilespmem:v61+s30+$0x100], $0xffff  }
0x1b8: {  	v4 =	vld.idx.msk [tilespmem:v63+s30+$0x0], $0xffff  }
0x1b9: {  	v5 =	vld.idx.msk [tilespmem:v60+s30+$0x100], $0xffff  }
0x1ba: {  	v6 =	vld.idx.msk [tilespmem:v62+s30+$0x0], $0xffff  }
0x1bb: {  	v7 =	vld.idx.msk [tilespmem:v61+s30+$0x0], $0xffff  }
0x1bc: {  	s26 =	simm.s32 $0x200;
	v8 =	vld.idx.msk [tilespmem:v62+s30+$0x100], $0xffff  }
0x1bd: {  	v9 =	vld.idx.msk [tilespmem:v57+s26+$0x0], $0xffff  }
0x1be: {  	v10 =	vld.idx.msk [tilespmem:v59+s26+$0x0], $0xffff;
	v5 =	vmul.f32 v5, v52;
	v2 =	vmul.f32 v2, v49  }
0x1bf: {  	v11 =	vld.idx.msk [tilespmem:v55+s26+$0x0], $0xffff;
	v1 =	vmul.f32 v1, v52;
	v6 =	vmul.f32 v6, v53  }
0x1c0: {  	v12 =	vld.idx.msk [tilespmem:v55+s26+$0x100], $0xffff;
	v4 =	vmul.f32 v4, v49;
	v7 =	vmul.f32 v7, v50  }
0x1c1: {  	v13 =	vld.idx.msk [tilespmem:v51+s26+$0x0], $0xffff;
	v3 =	vmul.f32 v3, v50;
	v8 =	vmul.f32 v8, v53  }
0x1c2: {  	s29 =	simm.s32 $0x400;
	v14 =	vld.idx.msk [tilespmem:v57+s26+$0x100], $0xffff;
	v1 =	vadd.f32 v4, v1;
	v4 =	vadd.f32 v6, v7  }
0x1c3: {  	v16 =	vld.idx.msk [tilespmem:v55+s29+$0x0], $0xffff;
	v2 =	vadd.f32 v2, v5;
	v3 =	vadd.f32 v8, v3  }
0x1c4: {  	v5 =	vld.idx.msk [tilespmem:v59+s26+$0x100], $0xffff;
	v1 =	vadd.f32 v4, v1  }
0x1c5: {  	v4 =	vld.idx.msk [tilespmem:v51+s26+$0x100], $0xffff;
	v2 =	vadd.f32 v3, v2  }
0x1c6: {  	v17 =	vld.idx.msk [tilespmem:v55+s29+$0x100], $0xffff;
	v6 =	vmul.f32 v9, v56;
	v7 =	vmul.f32 v11, v54;
	[tilespmem:s25+$0xFFFFFFD0] =	vst v1  }
0x1c7: {  	v8 =	vmul.f32 v10, v58;
	v1 =	vmul.f32 v13, v48;
	[tilespmem:s25+$0x10] =	vst v2;
	v2 =	vld.idx.msk [tilespmem:v47+s30+$0x0], $0xffff  }
0x1c8: {  	v9 =	vmul.f32 v14, v56;
	v10 =	vld.idx.msk [tilespmem:v47+s30+$0x100], $0xffff  }
0x1c9: {  	v3 =	vmul.f32 v12, v54;
	v6 =	vadd.f32 v8, v6;
	v11 =	vld.idx.msk [tilespmem:v44+s30+$0x100], $0xffff;
	v1 =	vadd.f32 v7, v1  }
0x1ca: {  	v5 =	vmul.f32 v5, v58;
	v7 =	vld.idx.msk [tilespmem:v46+s30+$0x100], $0xffff;
	v4 =	vmul.f32 v4, v48  }
0x1cb: {  	v1 =	vadd.f32 v6, v1;
	v6 =	vld.idx.msk [tilespmem:v46+s30+$0x0], $0xffff  }
0x1cc: {  	s28 =	simm.s32 $0x40C0;
	v5 =	vadd.f32 v5, v9;
	v3 =	vadd.f32 v3, v4;
	v4 =	vld.idx.msk [tilespmem:v45+s30+$0x100], $0xffff  }
0x1cd: {  	[tilespmem:s28+$0xFFFFFFC0] =	vst v1;
	v1 =	vld.idx.msk [tilespmem:v44+s30+$0x0], $0xffff  }
0x1ce: {  	v3 =	vadd.f32 v5, v3;
	v5 =	vld.idx.msk [tilespmem:v45+s30+$0x0], $0xffff  }
0x1cf: {  	v8 =	vld.idx.msk [tilespmem:v60+s26+$0x0], $0xffff  }
0x1d0: {  	v11 =	vmul.f32 v11, v40;
	v10 =	vmul.f32 v10, v42;
	v12 =	vld.idx.msk [tilespmem:v63+s26+$0x0], $0xffff  }
0x1d1: {  	v15 =	vld.idx.msk [tilespmem:v62+s26+$0x0], $0xffff  }
0x1d2: {  	v10 =	vadd.f32 v10, v11;
	v11 =	vld.idx.msk [tilespmem:v57+s29+$0x0], $0xffff;
	[tilespmem:s28+$0x0] =	vst v3  }
0x1d3: {  	v3 =	vld.idx.msk [tilespmem:v63+s26+$0x100], $0xffff  }
0x1d4: {  	v7 =	vmul.f32 v7, v41;
	v9 =	vld.idx.msk [tilespmem:v61+s26+$0x100], $0xffff;
	v4 =	vmul.f32 v4, v43  }
0x1d5: {  	v13 =	vld.idx.msk [tilespmem:v60+s26+$0x100], $0xffff  }
0x1d6: {  	v2 =	vmul.f32 v2, v42;
	v6 =	vmul.f32 v6, v41;
	v14 =	vld.idx.msk [tilespmem:v62+s26+$0x100], $0xffff;
	v4 =	vadd.f32 v7, v4  }
0x1d7: {  	v1 =	vmul.f32 v1, v40;
	v7 =	vld.idx.msk [tilespmem:v61+s26+$0x0], $0xffff;
	v5 =	vmul.f32 v5, v43  }
0x1d8: {  	v4 =	vadd.f32 v4, v10;
	v10 =	vld.idx.msk [tilespmem:v59+s29+$0x0], $0xffff  }
0x1d9: {  	v1 =	vadd.f32 v2, v1;
	v2 =	vadd.f32 v6, v5;
	v5 =	vld.idx.msk [tilespmem:v51+s29+$0x0], $0xffff  }
0x1da: {  	v12 =	vmul.f32 v12, v49;
	v6 =	vld.idx.msk [tilespmem:v57+s29+$0x100], $0xffff  }
0x1db: {  	[tilespmem:s25+$0x20] =	vst v4;
	v4 =	vmul.f32 v8, v52;
	v1 =	vadd.f32 v2, v1;
	v2 =	vld.idx.msk [tilespmem:v59+s29+$0x100], $0xffff  }
0x1dc: {  	v8 =	vmul.f32 v15, v53;
	v15 =	vld.idx.msk [tilespmem:v36+s30+$0x100], $0xffff;
	v7 =	vmul.f32 v7, v50  }
0x1dd: {  	v3 =	vmul.f32 v3, v49;
	v9 =	vmul.f32 v9, v50;
	v18 =	vld.idx.msk [tilespmem:v39+s30+$0x100], $0xffff  }
0x1de: {  	v4 =	vadd.f32 v12, v4;
	[tilespmem:s25+$0xFFFFFFE0] =	vst v1;
	v1 =	vld.idx.msk [tilespmem:v51+s29+$0x100], $0xffff;
	v7 =	vadd.f32 v8, v7  }
0x1df: {  	v12 =	vmul.f32 v14, v53;
	v8 =	vmul.f32 v13, v52;
	v13 =	vld.idx.msk [tilespmem:v38+s30+$0x0], $0xffff  }
0x1e0: {  	v14 =	vmul.f32 v16, v54;
	v16 =	vld.idx.msk [tilespmem:v37+s30+$0x0], $0xffff;
	v4 =	vadd.f32 v7, v4  }
0x1e1: {  	v7 =	vld.idx.msk [tilespmem:v38+s30+$0x100], $0xffff;
	v3 =	vadd.f32 v3, v8;
	v8 =	vadd.f32 v12, v9  }
0x1e2: {  	v12 =	vld.idx.msk [tilespmem:v37+s30+$0x100], $0xffff  }
0x1e3: {  	[tilespmem:s28+$0xFFFFFFD0] =	vst v4;
	v4 =	vld.idx.msk [tilespmem:v39+s30+$0x0], $0xffff;
	v3 =	vadd.f32 v8, v3  }
0x1e4: {  	v5 =	vmul.f32 v5, v48;
	v10 =	vmul.f32 v10, v58;
	v9 =	vld.idx.msk [tilespmem:v47+s26+$0x0], $0xffff  }
0x1e5: {  	v6 =	vmul.f32 v6, v56;
	[tilespmem:s28+$0x10] =	vst v3;
	v3 =	vmul.f32 v11, v56;
	v11 =	vld.idx.msk [tilespmem:v36+s30+$0x0], $0xffff  }
0x1e6: {  	v5 =	vadd.f32 v14, v5;
	v8 =	vmul.f32 v17, v54;
	v1 =	vmul.f32 v1, v48;
	v14 =	vld.idx.msk [tilespmem:v47+s26+$0x100], $0xffff  }
0x1e7: {  	v2 =	vmul.f32 v2, v58;
	v17 =	vmul.f32 v18, v35;
	v19 =	vld.idx.msk [tilespmem:v46+s26+$0x100], $0xffff  }
0x1e8: {  	v1 =	vadd.f32 v8, v1;
	v8 =	vmul.f32 v15, v34;
	v3 =	vadd.f32 v10, v3;
	v10 =	vld.idx.msk [tilespmem:v44+s26+$0x100], $0xffff  }
0x1e9: {  	v18 =	vmul.f32 v4, v35;
	v4 =	vadd.f32 v2, v6;
	v6 =	vmul.f32 v7, v32;
	v2 =	vld.idx.msk [tilespmem:v46+s26+$0x0], $0xffff  }
0x1ea: {  	v15 =	vmul.f32 v16, v33;
	v7 =	vmul.f32 v12, v33;
	v5 =	vadd.f32 v3, v5;
	v3 =	vld.idx.msk [tilespmem:v45+s26+$0x100], $0xffff  }
0x1eb: {  	s30 =	simm.s32 $0x4140;
	v12 =	vmul.f32 v13, v32;
	v13 =	vadd.f32 v6, v17;
	v1 =	vadd.f32 v4, v1;
	v6 =	vld.idx.msk [tilespmem:v45+s26+$0x0], $0xffff  }
0x1ec: {  	v7 =	vadd.f32 v8, v7;
	v11 =	vmul.f32 v11, v34;
	v4 =	vld.idx.msk [tilespmem:v44+s26+$0x0], $0xffff;
	[tilespmem:s30+$0xFFFFFFC0] =	vst v5  }
0x1ed: {  	v16 =	vadd.f32 v12, v18;
	v5 =	vld.idx.msk [tilespmem:v60+s29+$0x0], $0xffff;
	[tilespmem:s30+$0x0] =	vst v1  }
0x1ee: {  	v1 =	vadd.f32 v7, v13;
	v8 =	vmul.f32 v10, v40;
	v10 =	vadd.f32 v11, v15;
	v11 =	vld.idx.msk [tilespmem:v63+s29+$0x100], $0xffff  }
0x1ef: {  	v12 =	vmul.f32 v14, v42;
	v7 =	vmul.f32 v9, v42;
	v9 =	vld.idx.msk [tilespmem:v61+s29+$0x100], $0xffff  }
0x1f0: {  	s31 =	simm.s32 $0x4;
	s0 =	simm.s32 $0x600;
	v13 =	vmul.f32 v19, v41;
	[tilespmem:s25+$0x30] =	vst v1;
	v1 =	vadd.f32 v10, v16;
	v10 =	vld.idx.msk [tilespmem:v63+s29+$0x0], $0xffff  }
.LBB2_6:
0x1f1: {  	s31 =	sadd.s32 $0x2, s31;
	v14 =	vld.idx.msk [tilespmem:v60+s29+$0x100], $0xffff;
	v6 =	vmul.f32 v6, v43;
	v3 =	vmul.f32 v3, v43;
	v8 =	vadd.f32 v12, v8  }
0x1f2: {  	v4 =	vmul.f32 v4, v40;
	v2 =	vmul.f32 v2, v41;
	p0 =	slt.u32 s31, $0x1E;
	v12 =	vld.idx.msk [tilespmem:v62+s29+$0x100], $0xffff  }
0x1f3: {  	v15 =	vld.idx.msk [tilespmem:v62+s29+$0x0], $0xffff;
	v3 =	vadd.f32 v13, v3  }
0x1f4: {  	v4 =	vadd.f32 v7, v4;
	v2 =	vadd.f32 v2, v6;
	v13 =	vld.idx.msk [tilespmem:v61+s29+$0x0], $0xffff  }
0x1f5: {  	v6 =	vld.idx.msk [tilespmem:v57+s0+$0x0], $0xffff;
	v3 =	vadd.f32 v3, v8  }
0x1f6: {  	v2 =	vadd.f32 v2, v4;
	v7 =	vld.idx.msk [tilespmem:v59+s0+$0x0], $0xffff  }
0x1f7: {  	v11 =	vmul.f32 v11, v49;
	v8 =	vmul.f32 v14, v52;
	v4 =	vld.idx.msk [tilespmem:v55+s0+$0x0], $0xffff;
	[tilespmem:s25+$0xFFFFFFF0] =	vst v1;
	s25 =	smov.u32 s28;
	s28 =	smov.u32 s30  }
0x1f8: {  	v9 =	vmul.f32 v9, v50;
	v12 =	vmul.f32 v12, v53;
	v1 =	vld.idx.msk [tilespmem:v55+s0+$0x100], $0xffff;
	[tilespmem:s25+$0x20] =	vst v3  }
0x1f9: {  	v3 =	vmul.f32 v5, v52;
	v5 =	vmul.f32 v15, v53;
	v8 =	vadd.f32 v11, v8;
	v11 =	vld.idx.msk [tilespmem:v36+s26+$0x100], $0xffff  }
0x1fa: {  	v10 =	vmul.f32 v10, v49;
	v13 =	vmul.f32 v13, v50;
	v9 =	vadd.f32 v12, v9;
	v12 =	vld.idx.msk [tilespmem:v39+s26+$0x100], $0xffff  }
0x1fb: {  	v14 =	vld.idx.msk [tilespmem:v51+s0+$0x0], $0xffff;
	[tilespmem:s25+$0xFFFFFFE0] =	vst v2  }
0x1fc: {  	v3 =	vadd.f32 v10, v3;
	v5 =	vadd.f32 v5, v13;
	v2 =	vld.idx.msk [tilespmem:v57+s0+$0x100], $0xffff  }
0x1fd: {  	v8 =	vadd.f32 v9, v8;
	v10 =	vld.idx.msk [tilespmem:v59+s0+$0x100], $0xffff  }
0x1fe: {  	v3 =	vadd.f32 v5, v3;
	v5 =	vld.idx.msk [tilespmem:v38+s26+$0x100], $0xffff  }
0x1ff: {  	v9 =	vld.idx.msk [tilespmem:v51+s0+$0x100], $0xffff;
	[tilespmem:s30+$0x10] =	vst v8  }
0x200: {  	v1 =	vmul.f32 v1, v54;
	v8 =	vmul.f32 v12, v35;
	[tilespmem:s30+$0xFFFFFFD0] =	vst v3;
	v3 =	vld.idx.msk [tilespmem:v39+s26+$0x0], $0xffff  }
0x201: {  	v12 =	vld.idx.msk [tilespmem:v47+s29+$0x0], $0xffff  }
0x202: {  	v13 =	vmul.f32 v14, v48;
	v14 =	vld.idx.msk [tilespmem:v37+s26+$0x100], $0xffff  }
0x203: {  	v6 =	vmul.f32 v6, v56;
	v15 =	vld.idx.msk [tilespmem:v38+s26+$0x0], $0xffff  }
0x204: {  	v7 =	vmul.f32 v7, v58;
	v4 =	vmul.f32 v4, v54;
	v16 =	vld.idx.msk [tilespmem:v37+s26+$0x0], $0xffff  }
0x205: {  	s30 =	sadd.s32 $0x80, s30;
	v2 =	vmul.f32 v2, v56;
	v10 =	vmul.f32 v10, v58;
	v17 =	vld.idx.msk [tilespmem:v36+s26+$0x0], $0xffff;
	s26 =	smov.u32 s29;
	s29 =	smov.u32 s0  }
0x206: {  	v6 =	vadd.f32 v7, v6;
	v4 =	vadd.f32 v4, v13;
	v7 =	vmul.f32 v3, v35;
	v13 =	vld.idx.msk [tilespmem:v47+s26+$0x100], $0xffff  }
0x207: {  	v3 =	vmul.f32 v9, v48;
	v9 =	vadd.f32 v10, v2;
	v2 =	vmul.f32 v5, v32;
	v10 =	vld.idx.msk [tilespmem:v44+s26+$0x100], $0xffff  }
0x208: {  	v4 =	vadd.f32 v6, v4;
	v6 =	vmul.f32 v11, v34;
	v5 =	vmul.f32 v14, v33;
	v18 =	vld.idx.msk [tilespmem:v46+s26+$0x100], $0xffff  }
0x209: {  	v1 =	vadd.f32 v1, v3;
	v8 =	vadd.f32 v2, v8;
	v11 =	vmul.f32 v15, v32;
	v3 =	vld.idx.msk [tilespmem:v45+s26+$0x100], $0xffff  }
0x20a: {  	v5 =	vadd.f32 v6, v5;
	[tilespmem:s30+$0xFFFFFFC0] =	vst v4;
	v2 =	vld.idx.msk [tilespmem:v46+s26+$0x0], $0xffff  }
0x20b: {  	v1 =	vadd.f32 v9, v1;
	v9 =	vmul.f32 v16, v33;
	v14 =	vmul.f32 v17, v34;
	v6 =	vld.idx.msk [tilespmem:v45+s26+$0x0], $0xffff  }
.Ltmp2:
0x20c: {  	v15 =	vadd.f32 v11, v7;
	v16 =	vadd.f32 v5, v8;
	v4 =	vld.idx.msk [tilespmem:v44+s26+$0x0], $0xffff;
	(pc) =	sbr.rel @p0 .LBB2_6-.Ltmp2, $4  }
0x20d: {  	v8 =	vmul.f32 v10, v40;
	v5 =	vld.idx.msk [tilespmem:v60+s0+$0x0], $0xffff;
	[tilespmem:s30+$0x0] =	vst v1;
	v1 =	vadd.f32 v14, v9  }
0x20e: {  	v7 =	vmul.f32 v12, v42;
	v12 =	vmul.f32 v13, v42;
	v11 =	vld.idx.msk [tilespmem:v63+s0+$0x100], $0xffff;
	[tilespmem:s25+$0x30] =	vst v16  }
0x20f: {  	v9 =	vld.idx.msk [tilespmem:v61+s0+$0x100], $0xffff;
	v1 =	vadd.f32 v1, v15  }
0x210: {  	v13 =	vmul.f32 v18, v41;
	s0 =	sadd.s32 $0x200, s0;
	v10 =	vld.idx.msk [tilespmem:v63+s29+$0x0], $0xffff  }
0x211: {  	_ =	sdelay $0x3  }
0x212: {  	v14 =	vld.idx.msk [tilespmem:v60+s29+$0x100], $0xffff  }
0x213: {  	v15 =	vld.idx.msk [tilespmem:v62+s29+$0x0], $0xffff  }
0x214: {  	v16 =	vld.idx.msk [tilespmem:v61+s29+$0x0], $0xffff  }
0x215: {  	v17 =	vld.idx.msk [tilespmem:v62+s29+$0x100], $0xffff;
	_ =	sdelay $0x1  }
0x216: {  	v5 =	vmul.f32 v5, v52;
	v11 =	vmul.f32 v11, v49  }
0x217: {  	v9 =	vmul.f32 v9, v50;
	v10 =	vmul.f32 v10, v49  }
0x218: {  	v15 =	vmul.f32 v15, v53;
	v16 =	vmul.f32 v16, v50  }
0x219: {  	v14 =	vmul.f32 v14, v52;
	v17 =	vmul.f32 v17, v53  }
0x21a: {  	v5 =	vadd.f32 v10, v5;
	v10 =	vadd.f32 v15, v16  }
0x21b: {  	v11 =	vadd.f32 v11, v14;
	v9 =	vadd.f32 v17, v9  }
0x21c: {  	v5 =	vadd.f32 v10, v5  }
0x21d: {  	v9 =	vadd.f32 v9, v11  }
0x21e: {  	[tilespmem:s30+$0xFFFFFFD0] =	vst v5  }
0x21f: {  	[tilespmem:s30+$0x10] =	vst v9;
	v5 =	vld.idx.msk [tilespmem:v47+s29+$0x0], $0xffff  }
0x220: {  	v3 =	vmul.f32 v3, v43;
	v9 =	vld.idx.msk [tilespmem:v47+s29+$0x100], $0xffff  }
0x221: {  	v6 =	vmul.f32 v6, v43;
	v4 =	vmul.f32 v4, v40;
	v10 =	vld.idx.msk [tilespmem:v44+s29+$0x100], $0xffff  }
0x222: {  	v8 =	vadd.f32 v12, v8;
	v2 =	vmul.f32 v2, v41;
	v3 =	vadd.f32 v13, v3;
	v11 =	vld.idx.msk [tilespmem:v46+s29+$0x100], $0xffff  }
0x223: {  	v4 =	vadd.f32 v7, v4;
	v12 =	vld.idx.msk [tilespmem:v45+s29+$0x100], $0xffff  }
0x224: {  	v2 =	vadd.f32 v2, v6;
	v3 =	vadd.f32 v3, v8;
	v8 =	vld.idx.msk [tilespmem:v46+s29+$0x0], $0xffff  }
0x225: {  	v6 =	vld.idx.msk [tilespmem:v45+s29+$0x0], $0xffff  }
0x226: {  	v2 =	vadd.f32 v2, v4;
	[tilespmem:s28+$0x20] =	vst v3;
	v3 =	vld.idx.msk [tilespmem:v44+s29+$0x0], $0xffff  }
0x227: {  	v4 =	vld.idx.msk [tilespmem:v36+s26+$0x100], $0xffff;
	v7 =	vmul.f32 v10, v40;
	v9 =	vmul.f32 v9, v42  }
0x228: {  	[tilespmem:s28+$0xFFFFFFE0] =	vst v2;
	v2 =	vld.idx.msk [tilespmem:v38+s26+$0x100], $0xffff;
	v11 =	vmul.f32 v11, v41;
	v12 =	vmul.f32 v12, v43  }
0x229: {  	v13 =	vld.idx.msk [tilespmem:v39+s26+$0x0], $0xffff;
	v5 =	vmul.f32 v5, v42  }
0x22a: {  	v10 =	vld.idx.msk [tilespmem:v39+s26+$0x100], $0xffff;
	v6 =	vmul.f32 v6, v43;
	v7 =	vadd.f32 v9, v7;
	v9 =	vadd.f32 v11, v12  }
0x22b: {  	v3 =	vmul.f32 v3, v40;
	v8 =	vmul.f32 v8, v41;
	v11 =	vld.idx.msk [tilespmem:v37+s26+$0x100], $0xffff  }
0x22c: {  	v12 =	vld.idx.msk [tilespmem:v38+s26+$0x0], $0xffff;
	v7 =	vadd.f32 v9, v7  }
0x22d: {  	v3 =	vadd.f32 v5, v3;
	v5 =	vadd.f32 v8, v6;
	v6 =	vld.idx.msk [tilespmem:v36+s26+$0x0], $0xffff  }
0x22e: {  	v9 =	vld.idx.msk [tilespmem:v37+s26+$0x0], $0xffff;
	[tilespmem:s30+$0x20] =	vst v7  }
0x22f: {  	v3 =	vadd.f32 v5, v3;
	v5 =	vld.idx.msk [tilespmem:v36+s29+$0x100], $0xffff  }
0x230: {  	v7 =	vld.idx.msk [tilespmem:v39+s29+$0x100], $0xffff  }
0x231: {  	[tilespmem:s30+$0xFFFFFFE0] =	vst v3;
	v3 =	vld.idx.msk [tilespmem:v38+s29+$0x100], $0xffff  }
0x232: {  	v8 =	vld.idx.msk [tilespmem:v39+s29+$0x0], $0xffff  }
0x233: {  	v14 =	vld.idx.msk [tilespmem:v37+s29+$0x100], $0xffff  }
0x234: {  	v2 =	vmul.f32 v2, v32;
	v10 =	vmul.f32 v10, v35;
	v15 =	vld.idx.msk [tilespmem:v38+s29+$0x0], $0xffff  }
0x235: {  	v4 =	vmul.f32 v4, v34;
	v11 =	vmul.f32 v11, v33;
	v16 =	vld.idx.msk [tilespmem:v37+s29+$0x0], $0xffff  }
0x236: {  	v13 =	vmul.f32 v13, v35;
	v12 =	vmul.f32 v12, v32;
	v2 =	vadd.f32 v2, v10;
	v10 =	vld.idx.msk [tilespmem:v36+s29+$0x0], $0xffff  }
0x237: {  	v6 =	vmul.f32 v6, v34;
	v4 =	vadd.f32 v4, v11;
	v9 =	vmul.f32 v9, v33  }
0x238: {  	v11 =	vadd.f32 v12, v13;
	v7 =	vmul.f32 v7, v35;
	v8 =	vmul.f32 v8, v35  }
0x239: {  	v6 =	vadd.f32 v6, v9;
	v3 =	vmul.f32 v3, v32;
	v9 =	vmul.f32 v14, v33  }
0x23a: {  	v2 =	vadd.f32 v4, v2;
	v4 =	vmul.f32 v5, v34;
	v5 =	vmul.f32 v15, v32  }
0x23b: {  	v10 =	vmul.f32 v10, v34;
	v6 =	vadd.f32 v6, v11;
	v11 =	vmul.f32 v16, v33  }
0x23c: {  	v3 =	vadd.f32 v3, v7;
	v4 =	vadd.f32 v4, v9  }
0x23d: {  	[tilespmem:s25+$0xFFFFFFF0] =	vst v1;
	v1 =	vadd.f32 v5, v8;
	v5 =	vadd.f32 v10, v11  }
0x23e: {  	[tilespmem:s28+$0x30] =	vst v2;
	v2 =	vadd.f32 v4, v3  }
0x23f: {  	[tilespmem:s28+$0xFFFFFFF0] =	vst v6;
	v1 =	vadd.f32 v5, v1  }
0x240: {  	[tilespmem:s30+$0x30] =	vst v2  }
0x241: {  	[tilespmem:s30+$0xFFFFFFF0] =	vst v1  }
0x242: {  	[hbm4b:s11+s3] =	stream.linear.scatter [tilespmem:s19], [sflag:$0x3], $0x800, $0x38;
	[tilespmem:$0x5300] =	vst v63  }
0x243: {  	_ =	swait.ge [sflag:s20], $0x2000  }
0x244: {  	[sflag:s20] =	ssyncset.done $0x0  }
0x245: {  	[sflag:s20] =	ssyncadd.s32 $0xFFFFE000  }
0x246: {  	_ =	swait.ge [sflag:s23], $0x800  }
0x247: {  	[sflag:s23] =	ssyncset.done $0x0  }
0x248: {  	s30 =	simm.s32 $0x2000;
	[sflag:s23] =	ssyncadd.s32 $0xFFFFF800  }
0x249: {  	v1 =	vld.idx.msk [tilespmem:v57+s30+$0x0], $0xffff  }
0x24a: {  	v2 =	vld.idx.msk [tilespmem:v59+s30+$0x0], $0xffff  }
0x24b: {  	v3 =	vld.idx.msk [tilespmem:v55+s30+$0x0], $0xffff  }
0x24c: {  	v4 =	vld.idx.msk [tilespmem:v55+s30+$0x100], $0xffff  }
0x24d: {  	v5 =	vld.idx.msk [tilespmem:v51+s30+$0x0], $0xffff  }
0x24e: {  	v6 =	vld.idx.msk [tilespmem:v57+s30+$0x100], $0xffff  }
0x24f: {  	v7 =	vld.idx.msk [tilespmem:v59+s30+$0x100], $0xffff  }
0x250: {  	v8 =	vld.idx.msk [tilespmem:v51+s30+$0x100], $0xffff;
	_ =	sdelay $0x1  }
0x251: {  	v4 =	vmul.f32 v4, v54;
	v5 =	vmul.f32 v5, v48  }
0x252: {  	v1 =	vmul.f32 v1, v56;
	v3 =	vmul.f32 v3, v54  }
0x253: {  	v2 =	vmul.f32 v2, v58;
	v6 =	vmul.f32 v6, v56  }
0x254: {  	v7 =	vmul.f32 v7, v58;
	v8 =	vmul.f32 v8, v48  }
0x255: {  	v3 =	vadd.f32 v3, v5;
	v1 =	vadd.f32 v2, v1  }
0x256: {  	v2 =	vadd.f32 v7, v6;
	v4 =	vadd.f32 v4, v8  }
0x257: {  	v1 =	vadd.f32 v1, v3  }
0x258: {  	s25 =	simm.s32 $0x4870;
	v2 =	vadd.f32 v2, v4  }
0x259: {  	[tilespmem:s25+$0xFFFFFF90] =	vst v1  }
0x25a: {  	[tilespmem:s25+$0xFFFFFFD0] =	vst v2;
	v1 =	vld.idx.msk [tilespmem:v60+s30+$0x0], $0xffff  }
0x25b: {  	v2 =	vld.idx.msk [tilespmem:v63+s30+$0x100], $0xffff  }
0x25c: {  	v3 =	vld.idx.msk [tilespmem:v61+s30+$0x100], $0xffff  }
0x25d: {  	v4 =	vld.idx.msk [tilespmem:v63+s30+$0x0], $0xffff  }
0x25e: {  	v5 =	vld.idx.msk [tilespmem:v60+s30+$0x100], $0xffff  }
0x25f: {  	v6 =	vld.idx.msk [tilespmem:v62+s30+$0x0], $0xffff  }
0x260: {  	v7 =	vld.idx.msk [tilespmem:v61+s30+$0x0], $0xffff  }
0x261: {  	s26 =	simm.s32 $0x2200;
	v8 =	vld.idx.msk [tilespmem:v62+s30+$0x100], $0xffff  }
0x262: {  	v9 =	vld.idx.msk [tilespmem:v57+s26+$0x0], $0xffff  }
0x263: {  	v10 =	vld.idx.msk [tilespmem:v59+s26+$0x0], $0xffff;
	v5 =	vmul.f32 v5, v52;
	v2 =	vmul.f32 v2, v49  }
0x264: {  	v11 =	vld.idx.msk [tilespmem:v55+s26+$0x0], $0xffff;
	v1 =	vmul.f32 v1, v52;
	v6 =	vmul.f32 v6, v53  }
0x265: {  	v12 =	vld.idx.msk [tilespmem:v55+s26+$0x100], $0xffff;
	v4 =	vmul.f32 v4, v49;
	v7 =	vmul.f32 v7, v50  }
0x266: {  	v13 =	vld.idx.msk [tilespmem:v51+s26+$0x0], $0xffff;
	v3 =	vmul.f32 v3, v50;
	v8 =	vmul.f32 v8, v53  }
0x267: {  	s29 =	simm.s32 $0x2400;
	v14 =	vld.idx.msk [tilespmem:v57+s26+$0x100], $0xffff;
	v1 =	vadd.f32 v4, v1;
	v4 =	vadd.f32 v6, v7  }
0x268: {  	v16 =	vld.idx.msk [tilespmem:v55+s29+$0x0], $0xffff;
	v2 =	vadd.f32 v2, v5;
	v3 =	vadd.f32 v8, v3  }
0x269: {  	v5 =	vld.idx.msk [tilespmem:v59+s26+$0x100], $0xffff;
	v1 =	vadd.f32 v4, v1  }
0x26a: {  	v4 =	vld.idx.msk [tilespmem:v51+s26+$0x100], $0xffff;
	v2 =	vadd.f32 v3, v2  }
0x26b: {  	v17 =	vld.idx.msk [tilespmem:v55+s29+$0x100], $0xffff;
	v6 =	vmul.f32 v9, v56;
	v7 =	vmul.f32 v11, v54;
	[tilespmem:s25+$0xFFFFFFA0] =	vst v1  }
0x26c: {  	v8 =	vmul.f32 v10, v58;
	v1 =	vmul.f32 v13, v48;
	[tilespmem:s25+$0xFFFFFFE0] =	vst v2;
	v2 =	vld.idx.msk [tilespmem:v47+s30+$0x0], $0xffff  }
0x26d: {  	v9 =	vmul.f32 v14, v56;
	v10 =	vld.idx.msk [tilespmem:v47+s30+$0x100], $0xffff  }
0x26e: {  	v3 =	vmul.f32 v12, v54;
	v6 =	vadd.f32 v8, v6;
	v11 =	vld.idx.msk [tilespmem:v44+s30+$0x100], $0xffff;
	v1 =	vadd.f32 v7, v1  }
0x26f: {  	v5 =	vmul.f32 v5, v58;
	v7 =	vld.idx.msk [tilespmem:v46+s30+$0x100], $0xffff;
	v4 =	vmul.f32 v4, v48  }
0x270: {  	v1 =	vadd.f32 v6, v1;
	v6 =	vld.idx.msk [tilespmem:v46+s30+$0x0], $0xffff  }
0x271: {  	s28 =	simm.s32 $0x48F0;
	v5 =	vadd.f32 v5, v9;
	v3 =	vadd.f32 v3, v4;
	v4 =	vld.idx.msk [tilespmem:v45+s30+$0x100], $0xffff  }
0x272: {  	[tilespmem:s28+$0xFFFFFF90] =	vst v1;
	v1 =	vld.idx.msk [tilespmem:v44+s30+$0x0], $0xffff  }
0x273: {  	v3 =	vadd.f32 v5, v3;
	v5 =	vld.idx.msk [tilespmem:v45+s30+$0x0], $0xffff  }
0x274: {  	v8 =	vld.idx.msk [tilespmem:v60+s26+$0x0], $0xffff  }
0x275: {  	v11 =	vmul.f32 v11, v40;
	v10 =	vmul.f32 v10, v42;
	v12 =	vld.idx.msk [tilespmem:v63+s26+$0x0], $0xffff  }
0x276: {  	v15 =	vld.idx.msk [tilespmem:v62+s26+$0x0], $0xffff  }
0x277: {  	v10 =	vadd.f32 v10, v11;
	v11 =	vld.idx.msk [tilespmem:v57+s29+$0x0], $0xffff;
	[tilespmem:s28+$0xFFFFFFD0] =	vst v3  }
0x278: {  	v3 =	vld.idx.msk [tilespmem:v63+s26+$0x100], $0xffff  }
0x279: {  	v7 =	vmul.f32 v7, v41;
	v9 =	vld.idx.msk [tilespmem:v61+s26+$0x100], $0xffff;
	v4 =	vmul.f32 v4, v43  }
0x27a: {  	v13 =	vld.idx.msk [tilespmem:v60+s26+$0x100], $0xffff  }
0x27b: {  	v2 =	vmul.f32 v2, v42;
	v6 =	vmul.f32 v6, v41;
	v14 =	vld.idx.msk [tilespmem:v62+s26+$0x100], $0xffff;
	v4 =	vadd.f32 v7, v4  }
0x27c: {  	v1 =	vmul.f32 v1, v40;
	v7 =	vld.idx.msk [tilespmem:v61+s26+$0x0], $0xffff;
	v5 =	vmul.f32 v5, v43  }
0x27d: {  	v4 =	vadd.f32 v4, v10;
	v10 =	vld.idx.msk [tilespmem:v59+s29+$0x0], $0xffff  }
0x27e: {  	v1 =	vadd.f32 v2, v1;
	v2 =	vadd.f32 v6, v5;
	v5 =	vld.idx.msk [tilespmem:v51+s29+$0x0], $0xffff  }
0x27f: {  	v12 =	vmul.f32 v12, v49;
	v6 =	vld.idx.msk [tilespmem:v57+s29+$0x100], $0xffff  }
0x280: {  	[tilespmem:s25+$0xFFFFFFF0] =	vst v4;
	v4 =	vmul.f32 v8, v52;
	v1 =	vadd.f32 v2, v1;
	v2 =	vld.idx.msk [tilespmem:v59+s29+$0x100], $0xffff  }
0x281: {  	v8 =	vmul.f32 v15, v53;
	v15 =	vld.idx.msk [tilespmem:v36+s30+$0x100], $0xffff;
	v7 =	vmul.f32 v7, v50  }
0x282: {  	v3 =	vmul.f32 v3, v49;
	v9 =	vmul.f32 v9, v50;
	v18 =	vld.idx.msk [tilespmem:v39+s30+$0x100], $0xffff  }
0x283: {  	v4 =	vadd.f32 v12, v4;
	[tilespmem:s25+$0xFFFFFFB0] =	vst v1;
	v1 =	vld.idx.msk [tilespmem:v51+s29+$0x100], $0xffff;
	v7 =	vadd.f32 v8, v7  }
0x284: {  	v12 =	vmul.f32 v14, v53;
	v8 =	vmul.f32 v13, v52;
	v13 =	vld.idx.msk [tilespmem:v38+s30+$0x0], $0xffff  }
0x285: {  	v14 =	vmul.f32 v16, v54;
	v16 =	vld.idx.msk [tilespmem:v37+s30+$0x0], $0xffff;
	v4 =	vadd.f32 v7, v4  }
0x286: {  	v7 =	vld.idx.msk [tilespmem:v38+s30+$0x100], $0xffff;
	v3 =	vadd.f32 v3, v8;
	v8 =	vadd.f32 v12, v9  }
0x287: {  	v12 =	vld.idx.msk [tilespmem:v37+s30+$0x100], $0xffff  }
0x288: {  	[tilespmem:s28+$0xFFFFFFA0] =	vst v4;
	v4 =	vld.idx.msk [tilespmem:v39+s30+$0x0], $0xffff;
	v3 =	vadd.f32 v8, v3  }
0x289: {  	v5 =	vmul.f32 v5, v48;
	v10 =	vmul.f32 v10, v58;
	v9 =	vld.idx.msk [tilespmem:v47+s26+$0x0], $0xffff  }
0x28a: {  	v6 =	vmul.f32 v6, v56;
	[tilespmem:s28+$0xFFFFFFE0] =	vst v3;
	v3 =	vmul.f32 v11, v56;
	v11 =	vld.idx.msk [tilespmem:v36+s30+$0x0], $0xffff  }
0x28b: {  	v5 =	vadd.f32 v14, v5;
	v8 =	vmul.f32 v17, v54;
	v1 =	vmul.f32 v1, v48;
	v14 =	vld.idx.msk [tilespmem:v47+s26+$0x100], $0xffff  }
0x28c: {  	v2 =	vmul.f32 v2, v58;
	v17 =	vmul.f32 v18, v35;
	v19 =	vld.idx.msk [tilespmem:v46+s26+$0x100], $0xffff  }
0x28d: {  	v1 =	vadd.f32 v8, v1;
	v8 =	vmul.f32 v15, v34;
	v3 =	vadd.f32 v10, v3;
	v10 =	vld.idx.msk [tilespmem:v44+s26+$0x100], $0xffff  }
0x28e: {  	v18 =	vmul.f32 v4, v35;
	v4 =	vadd.f32 v2, v6;
	v6 =	vmul.f32 v7, v32;
	v2 =	vld.idx.msk [tilespmem:v46+s26+$0x0], $0xffff  }
0x28f: {  	v15 =	vmul.f32 v16, v33;
	v7 =	vmul.f32 v12, v33;
	v5 =	vadd.f32 v3, v5;
	v3 =	vld.idx.msk [tilespmem:v45+s26+$0x100], $0xffff  }
0x290: {  	s30 =	simm.s32 $0x4970;
	v12 =	vmul.f32 v13, v32;
	v13 =	vadd.f32 v6, v17;
	v1 =	vadd.f32 v4, v1;
	v6 =	vld.idx.msk [tilespmem:v45+s26+$0x0], $0xffff  }
0x291: {  	v7 =	vadd.f32 v8, v7;
	v11 =	vmul.f32 v11, v34;
	v4 =	vld.idx.msk [tilespmem:v44+s26+$0x0], $0xffff;
	[tilespmem:s30+$0xFFFFFF90] =	vst v5  }
0x292: {  	v16 =	vadd.f32 v12, v18;
	v5 =	vld.idx.msk [tilespmem:v60+s29+$0x0], $0xffff;
	[tilespmem:s30+$0xFFFFFFD0] =	vst v1  }
0x293: {  	v1 =	vadd.f32 v7, v13;
	v8 =	vmul.f32 v10, v40;
	v10 =	vadd.f32 v11, v15;
	v11 =	vld.idx.msk [tilespmem:v63+s29+$0x100], $0xffff  }
0x294: {  	v12 =	vmul.f32 v14, v42;
	v7 =	vmul.f32 v9, v42;
	v9 =	vld.idx.msk [tilespmem:v61+s29+$0x100], $0xffff  }
0x295: {  	s31 =	simm.s32 $0x4;
	s0 =	simm.s32 $0x2600;
	v13 =	vmul.f32 v19, v41;
	[tilespmem:s25+$0x0] =	vst v1;
	v1 =	vadd.f32 v10, v16;
	v10 =	vld.idx.msk [tilespmem:v63+s29+$0x0], $0xffff  }
.LBB2_8:
0x296: {  	s31 =	sadd.s32 $0x2, s31;
	v14 =	vld.idx.msk [tilespmem:v60+s29+$0x100], $0xffff;
	v6 =	vmul.f32 v6, v43;
	v3 =	vmul.f32 v3, v43;
	v8 =	vadd.f32 v12, v8  }
0x297: {  	v4 =	vmul.f32 v4, v40;
	v2 =	vmul.f32 v2, v41;
	p0 =	slt.u32 s31, $0x1E;
	v12 =	vld.idx.msk [tilespmem:v62+s29+$0x100], $0xffff  }
0x298: {  	v15 =	vld.idx.msk [tilespmem:v62+s29+$0x0], $0xffff;
	v3 =	vadd.f32 v13, v3  }
0x299: {  	v4 =	vadd.f32 v7, v4;
	v2 =	vadd.f32 v2, v6;
	v13 =	vld.idx.msk [tilespmem:v61+s29+$0x0], $0xffff  }
0x29a: {  	v6 =	vld.idx.msk [tilespmem:v57+s0+$0x0], $0xffff;
	v3 =	vadd.f32 v3, v8  }
0x29b: {  	v2 =	vadd.f32 v2, v4;
	v7 =	vld.idx.msk [tilespmem:v59+s0+$0x0], $0xffff  }
0x29c: {  	v11 =	vmul.f32 v11, v49;
	v8 =	vmul.f32 v14, v52;
	v4 =	vld.idx.msk [tilespmem:v55+s0+$0x0], $0xffff;
	[tilespmem:s25+$0xFFFFFFC0] =	vst v1;
	s25 =	smov.u32 s28;
	s28 =	smov.u32 s30  }
0x29d: {  	v9 =	vmul.f32 v9, v50;
	v12 =	vmul.f32 v12, v53;
	v1 =	vld.idx.msk [tilespmem:v55+s0+$0x100], $0xffff;
	[tilespmem:s25+$0xFFFFFFF0] =	vst v3  }
0x29e: {  	v3 =	vmul.f32 v5, v52;
	v5 =	vmul.f32 v15, v53;
	v8 =	vadd.f32 v11, v8;
	v11 =	vld.idx.msk [tilespmem:v36+s26+$0x100], $0xffff  }
0x29f: {  	v10 =	vmul.f32 v10, v49;
	v13 =	vmul.f32 v13, v50;
	v9 =	vadd.f32 v12, v9;
	v12 =	vld.idx.msk [tilespmem:v39+s26+$0x100], $0xffff  }
0x2a0: {  	v14 =	vld.idx.msk [tilespmem:v51+s0+$0x0], $0xffff;
	[tilespmem:s25+$0xFFFFFFB0] =	vst v2  }
0x2a1: {  	v3 =	vadd.f32 v10, v3;
	v5 =	vadd.f32 v5, v13;
	v2 =	vld.idx.msk [tilespmem:v57+s0+$0x100], $0xffff  }
0x2a2: {  	v8 =	vadd.f32 v9, v8;
	v10 =	vld.idx.msk [tilespmem:v59+s0+$0x100], $0xffff  }
0x2a3: {  	v3 =	vadd.f32 v5, v3;
	v5 =	vld.idx.msk [tilespmem:v38+s26+$0x100], $0xffff  }
0x2a4: {  	v9 =	vld.idx.msk [tilespmem:v51+s0+$0x100], $0xffff;
	[tilespmem:s30+$0xFFFFFFE0] =	vst v8  }
0x2a5: {  	v1 =	vmul.f32 v1, v54;
	v8 =	vmul.f32 v12, v35;
	[tilespmem:s30+$0xFFFFFFA0] =	vst v3;
	v3 =	vld.idx.msk [tilespmem:v39+s26+$0x0], $0xffff  }
0x2a6: {  	v12 =	vld.idx.msk [tilespmem:v47+s29+$0x0], $0xffff  }
0x2a7: {  	v13 =	vmul.f32 v14, v48;
	v14 =	vld.idx.msk [tilespmem:v37+s26+$0x100], $0xffff  }
0x2a8: {  	v6 =	vmul.f32 v6, v56;
	v15 =	vld.idx.msk [tilespmem:v38+s26+$0x0], $0xffff  }
0x2a9: {  	v7 =	vmul.f32 v7, v58;
	v4 =	vmul.f32 v4, v54;
	v16 =	vld.idx.msk [tilespmem:v37+s26+$0x0], $0xffff  }
0x2aa: {  	s30 =	sadd.s32 $0x80, s30;
	v2 =	vmul.f32 v2, v56;
	v10 =	vmul.f32 v10, v58;
	v17 =	vld.idx.msk [tilespmem:v36+s26+$0x0], $0xffff;
	s26 =	smov.u32 s29;
	s29 =	smov.u32 s0  }
0x2ab: {  	v6 =	vadd.f32 v7, v6;
	v4 =	vadd.f32 v4, v13;
	v7 =	vmul.f32 v3, v35;
	v13 =	vld.idx.msk [tilespmem:v47+s26+$0x100], $0xffff  }
0x2ac: {  	v3 =	vmul.f32 v9, v48;
	v9 =	vadd.f32 v10, v2;
	v2 =	vmul.f32 v5, v32;
	v10 =	vld.idx.msk [tilespmem:v44+s26+$0x100], $0xffff  }
0x2ad: {  	v4 =	vadd.f32 v6, v4;
	v6 =	vmul.f32 v11, v34;
	v5 =	vmul.f32 v14, v33;
	v18 =	vld.idx.msk [tilespmem:v46+s26+$0x100], $0xffff  }
0x2ae: {  	v1 =	vadd.f32 v1, v3;
	v8 =	vadd.f32 v2, v8;
	v11 =	vmul.f32 v15, v32;
	v3 =	vld.idx.msk [tilespmem:v45+s26+$0x100], $0xffff  }
0x2af: {  	v5 =	vadd.f32 v6, v5;
	[tilespmem:s30+$0xFFFFFF90] =	vst v4;
	v2 =	vld.idx.msk [tilespmem:v46+s26+$0x0], $0xffff  }
0x2b0: {  	v1 =	vadd.f32 v9, v1;
	v9 =	vmul.f32 v16, v33;
	v14 =	vmul.f32 v17, v34;
	v6 =	vld.idx.msk [tilespmem:v45+s26+$0x0], $0xffff  }
.Ltmp3:
0x2b1: {  	v15 =	vadd.f32 v11, v7;
	v16 =	vadd.f32 v5, v8;
	v4 =	vld.idx.msk [tilespmem:v44+s26+$0x0], $0xffff;
	(pc) =	sbr.rel @p0 .LBB2_8-.Ltmp3, $4  }
0x2b2: {  	v8 =	vmul.f32 v10, v40;
	v5 =	vld.idx.msk [tilespmem:v60+s0+$0x0], $0xffff;
	[tilespmem:s30+$0xFFFFFFD0] =	vst v1;
	v1 =	vadd.f32 v14, v9  }
0x2b3: {  	v7 =	vmul.f32 v12, v42;
	v12 =	vmul.f32 v13, v42;
	v11 =	vld.idx.msk [tilespmem:v63+s0+$0x100], $0xffff;
	[tilespmem:s25+$0x0] =	vst v16  }
0x2b4: {  	v9 =	vld.idx.msk [tilespmem:v61+s0+$0x100], $0xffff;
	v1 =	vadd.f32 v1, v15  }
0x2b5: {  	v13 =	vmul.f32 v18, v41;
	s0 =	sadd.s32 $0x200, s0;
	v10 =	vld.idx.msk [tilespmem:v63+s29+$0x0], $0xffff  }
0x2b6: {  	_ =	sdelay $0x3  }
0x2b7: {  	v14 =	vld.idx.msk [tilespmem:v60+s29+$0x100], $0xffff  }
0x2b8: {  	v15 =	vld.idx.msk [tilespmem:v62+s29+$0x0], $0xffff  }
0x2b9: {  	v16 =	vld.idx.msk [tilespmem:v61+s29+$0x0], $0xffff  }
0x2ba: {  	v17 =	vld.idx.msk [tilespmem:v62+s29+$0x100], $0xffff;
	_ =	sdelay $0x1  }
0x2bb: {  	v5 =	vmul.f32 v5, v52;
	v11 =	vmul.f32 v11, v49  }
0x2bc: {  	v9 =	vmul.f32 v9, v50;
	v10 =	vmul.f32 v10, v49  }
0x2bd: {  	v15 =	vmul.f32 v15, v53;
	v16 =	vmul.f32 v16, v50  }
0x2be: {  	v14 =	vmul.f32 v14, v52;
	v17 =	vmul.f32 v17, v53  }
0x2bf: {  	v5 =	vadd.f32 v10, v5;
	v57 =	vadd.f32 v15, v16  }
0x2c0: {  	v11 =	vadd.f32 v11, v14;
	v9 =	vadd.f32 v17, v9  }
0x2c1: {  	v5 =	vadd.f32 v57, v5  }
0x2c2: {  	v9 =	vadd.f32 v9, v11  }
0x2c3: {  	[tilespmem:s30+$0xFFFFFFA0] =	vst v5  }
0x2c4: {  	[tilespmem:s30+$0xFFFFFFE0] =	vst v9;
	v5 =	vld.idx.msk [tilespmem:v47+s29+$0x0], $0xffff  }
0x2c5: {  	v3 =	vmul.f32 v3, v43;
	v9 =	vld.idx.msk [tilespmem:v47+s29+$0x100], $0xffff  }
0x2c6: {  	v6 =	vmul.f32 v6, v43;
	v4 =	vmul.f32 v4, v40;
	v58 =	vld.idx.msk [tilespmem:v44+s29+$0x100], $0xffff  }
0x2c7: {  	v8 =	vadd.f32 v12, v8;
	v2 =	vmul.f32 v2, v41;
	v3 =	vadd.f32 v13, v3;
	v59 =	vld.idx.msk [tilespmem:v46+s29+$0x100], $0xffff  }
0x2c8: {  	v4 =	vadd.f32 v7, v4;
	v60 =	vld.idx.msk [tilespmem:v45+s29+$0x100], $0xffff  }
0x2c9: {  	v2 =	vadd.f32 v2, v6;
	v3 =	vadd.f32 v3, v8;
	v61 =	vld.idx.msk [tilespmem:v46+s29+$0x0], $0xffff  }
0x2ca: {  	v62 =	vld.idx.msk [tilespmem:v45+s29+$0x0], $0xffff  }
0x2cb: {  	v2 =	vadd.f32 v2, v4;
	[tilespmem:s28+$0xFFFFFFF0] =	vst v3;
	v3 =	vld.idx.msk [tilespmem:v44+s29+$0x0], $0xffff  }
0x2cc: {  	v63 =	vld.idx.msk [tilespmem:v36+s26+$0x100], $0xffff;
	v17 =	vmul.f32 v58, v40;
	v9 =	vmul.f32 v9, v42  }
0x2cd: {  	[tilespmem:s28+$0xFFFFFFB0] =	vst v2;
	v2 =	vld.idx.msk [tilespmem:v38+s26+$0x100], $0xffff;
	v11 =	vmul.f32 v59, v41;
	v12 =	vmul.f32 v60, v43  }
0x2ce: {  	v48 =	vld.idx.msk [tilespmem:v38+s26+$0x0], $0xffff;
	v5 =	vmul.f32 v5, v42  }
0x2cf: {  	v49 =	vld.idx.msk [tilespmem:v37+s26+$0x0], $0xffff;
	v6 =	vmul.f32 v62, v43;
	v7 =	vadd.f32 v9, v17;
	v46 =	vadd.f32 v11, v12  }
0x2d0: {  	v51 =	vld.idx.msk [tilespmem:v36+s26+$0x0], $0xffff;
	v3 =	vmul.f32 v3, v40;
	v8 =	vmul.f32 v61, v41  }
0x2d1: {  	v44 =	vld.idx.msk [tilespmem:v39+s26+$0x100], $0xffff;
	v7 =	vadd.f32 v46, v7  }
0x2d2: {  	v45 =	vld.idx.msk [tilespmem:v39+s26+$0x0], $0xffff;
	v3 =	vadd.f32 v5, v3;
	v50 =	vadd.f32 v8, v6  }
0x2d3: {  	v47 =	vld.idx.msk [tilespmem:v37+s26+$0x100], $0xffff;
	[tilespmem:s30+$0xFFFFFFF0] =	vst v7  }
0x2d4: {  	v3 =	vadd.f32 v50, v3;
	v52 =	vld.idx.msk [tilespmem:v36+s29+$0x100], $0xffff  }
0x2d5: {  	v7 =	vld.idx.msk [tilespmem:v39+s29+$0x100], $0xffff  }
0x2d6: {  	[tilespmem:s30+$0xFFFFFFB0] =	vst v3;
	v3 =	vld.idx.msk [tilespmem:v38+s29+$0x100], $0xffff  }
0x2d7: {  	v53 =	vld.idx.msk [tilespmem:v39+s29+$0x0], $0xffff  }
0x2d8: {  	v54 =	vld.idx.msk [tilespmem:v37+s29+$0x100], $0xffff  }
0x2d9: {  	v2 =	vmul.f32 v2, v32;
	v10 =	vmul.f32 v44, v35;
	v55 =	vld.idx.msk [tilespmem:v38+s29+$0x0], $0xffff  }
0x2da: {  	v4 =	vmul.f32 v63, v34;
	v11 =	vmul.f32 v47, v33;
	v56 =	vld.idx.msk [tilespmem:v37+s29+$0x0], $0xffff  }
0x2db: {  	v13 =	vmul.f32 v45, v35;
	v12 =	vmul.f32 v48, v32;
	v2 =	vadd.f32 v2, v10;
	v57 =	vld.idx.msk [tilespmem:v36+s29+$0x0], $0xffff  }
0x2dc: {  	v9 =	vmul.f32 v49, v33;
	v6 =	vmul.f32 v51, v34;
	v4 =	vadd.f32 v4, v11  }
0x2dd: {  	v58 =	vadd.f32 v12, v13;
	v7 =	vmul.f32 v7, v35;
	v8 =	vmul.f32 v53, v35  }
0x2de: {  	v6 =	vadd.f32 v6, v9;
	v3 =	vmul.f32 v3, v32;
	v59 =	vmul.f32 v54, v33  }
0x2df: {  	v2 =	vadd.f32 v4, v2;
	v60 =	vmul.f32 v52, v34;
	v61 =	vmul.f32 v55, v32  }
0x2e0: {  	v6 =	vadd.f32 v6, v58;
	v62 =	vmul.f32 v56, v33;
	v10 =	vmul.f32 v57, v34  }
0x2e1: {  	v3 =	vadd.f32 v3, v7;
	v4 =	vadd.f32 v60, v59  }
0x2e2: {  	[tilespmem:s25+$0xFFFFFFC0] =	vst v1;
	v1 =	vadd.f32 v61, v8;
	v63 =	vadd.f32 v10, v62  }
0x2e3: {  	[tilespmem:s28+$0x0] =	vst v2;
	v2 =	vadd.f32 v4, v3  }
0x2e4: {  	[tilespmem:s28+$0xFFFFFFC0] =	vst v6;
	v1 =	vadd.f32 v63, v1  }
0x2e5: {  	[tilespmem:s30+$0x0] =	vst v2  }
0x2e6: {  	s24 =	sadd.s32 $0x1, s24;
	[tilespmem:s30+$0xFFFFFFC0] =	vst v1  }
0x2e7: {  	[hbm4b:s12+s3] =	stream.linear.scatter [tilespmem:s21], [sflag:$0x4], $0x800, $0x38;
	[tilespmem:$0x5300] =	vst v63  }
0x2e8: {  	p0 =	sne.s32 s24, s13;
	_ =	swait.ge [sflag:s22], $0x800  }
.Ltmp4:
0x2e9: {  	[sflag:s22] =	ssyncset.done $0x0;
	(pc) =	sbr.rel @p0 .LBB2_1-.Ltmp4, $4  }
0x2ea: {  	[sflag:s22] =	ssyncadd.s32 $0xFFFFF800  }
0x2eb: {  	_ =	swait.ge [sflag:s23], $0x800  }
0x2ec: {  	[sflag:s23] =	ssyncset.done $0x0  }
0x2ed: {  	[sflag:s23] =	ssyncadd.s32 $0xFFFFF800  }
0x2ee: {  	_ =	sfence.sel $0x180000  }
0x2ef: {  	[bflag:$0x0] =	sbarrier.arrive $0xFFFF  }
0x2f0: {  	_ =	strace $0x90000047  }
0x2f1: {  	[bflag:$0x2] =	sbarrier.arrive $0xFFFF  }
0x2f2: {  	p0 =	sne.s32 s2, $0x0;
	s0 =	rddreg [dreg:$0x3]  }
0x2f3: {  	s0 =	sadd.s32 @!p0 $0x100000, s0  }
0x2f4: {  	[sflag:s0] =	ssyncadd.tile.s32 @!p0 $0x1;
	_ =	shalt  }
.Lfunc_end2:
_tile_overlayer_lowered:
.L_overlay_start_2:
0x2f5: {  	(tag) =	ssettag $0x2  }
0x2f6: {  	s0 =	rddreg [dreg:$0x0];
	s2 =	stileid.u32  }
0x2f7: {  	s1 =	rddreg [dreg:$0x1];
	p0 =	sne.s32 s2, $0x0  }
0x2f8: {  	s3 =	rddreg [dreg:$0x2];
	[bflag:$0x3] =	sbarrier.arrive $0xFFFF;
	s2 =	simm.s32 @!p0 $0x1C05  }
0x2f9: {  	[timem:s3], [sflag:s2] =	dma.local @!p0 [hbm:s0], s1  }
0x2fa: {  	s0 =	simm.s32 @!p0 $0x5  }
0x2fb: {  	_ =	swait.ge @!p0 [sflag:s0], s1  }
0x2fc: {  	s1 =	ssub.s32 @!p0 $0x0, s1;
	[sflag:s0] =	ssyncset.done @!p0 $0x0  }
0x2fd: {  	[sflag:s0] =	ssyncadd.s32 @!p0 s1  }
0x2fe: {  	[bflag:$0x3] =	sbarrier.arrive $0xFFFF  }
0x2ff: {  	_ =	shalt  }

</sc_bundles>
